<compile_context>
chip_gen: v7x
topology: tpu7x:2x2x1
jax: 0.10.2.dev20260603
libtpu: 0.0.44.dev20260713+nightly
codegen_flags: <defaults>
</compile_context>

<pallas_src>
import functools

import jax
import jax.numpy as jnp
from jax.experimental import pallas as pl
from jax.experimental.pallas import tpu as pltpu

_N_PIECES = 20
_L = 128


def _fspool_block(n_pieces, cb, s, r, sizes_ref, x_ref, w_ref, pooled_ref, perm_ref):
    b = pl.program_id(0)
    size = sizes_ref[b]

    c_iota = jax.lax.broadcasted_iota(jnp.int32, (1, 1, _L), 2)
    r_iota = jax.lax.broadcasted_iota(jnp.int32, (1, r, 1), 1)
    lin = r_iota * _L + c_iota
    j_f = lin.astype(jnp.float32)
    denom = jnp.maximum(size - 1, 1).astype(jnp.float32)
    st = jnp.where(size == 1, j_f + 1.0 / denom, j_f / denom)
    valid = st <= 1.0
    t = n_pieces * jnp.minimum(st, 1.0)

    v = x_ref[0] + jnp.where(valid, 0.0, -99999.0)
    idx = jnp.broadcast_to(lin, (cb, r, _L))

    def _low_mask(d):
        if d < _L:
            return (c_iota & d) == 0
        return (r_iota & (d // _L)) == 0

    k = 2
    while k <= s:
        mk = _low_mask(k)
        j = k // 2
        while j >= 1:
            mj = _low_mask(j)
            take_max = mk == mj
            if j < _L:
                ax, sh, ext = 2, j, _L
            else:
                ax, sh, ext = 1, j // _L, r
            pv = jnp.where(mj, pltpu.roll(v, ext - sh, ax), pltpu.roll(v, sh, ax))
            pi = jnp.where(mj, pltpu.roll(idx, ext - sh, ax), pltpu.roll(idx, sh, ax))
            self_greater = (v > pv) | ((v == pv) & (idx > pi))
            keep = take_max == self_greater
            v = jnp.where(keep, v, pv)
            idx = jnp.where(keep, idx, pi)
            j //= 2
        k *= 2

    perm_ref[0] = idx

    svm = v * valid.astype(jnp.float32)
    wt = w_ref[...]
    w_full = jnp.zeros((cb, r, _L), jnp.float32)
    for p in range(n_pieces + 1):
        hat = jnp.maximum(1.0 - jnp.abs(t - float(p)), 0.0)
        w_full = w_full + wt[:, p : p + 1][:, :, None] * hat
    pooled_ref[0] = jnp.sum(svm * w_full, axis=(1, 2), keepdims=True)


def _fspool(x, cond_sizes, weight, interpret=False):
    bsz, c, s = x.shape
    n_pieces = weight.shape[1] - 1
    cb = min(32, c)
    r = s // _L
    assert s == r * _L and (r & (r - 1)) == 0

    xr = x.reshape(bsz, c, r, _L)
    grid_spec = pltpu.PrefetchScalarGridSpec(
        num_scalar_prefetch=1,
        grid=(bsz, c // cb),
        in_specs=[
            pl.BlockSpec((1, cb, r, _L), lambda b, ci, sref: (b, ci, 0, 0)),
            pl.BlockSpec((cb, n_pieces + 1), lambda b, ci, sref: (ci, 0)),
        ],
        out_specs=[
            pl.BlockSpec((1, cb, 1, 1), lambda b, ci, sref: (b, ci, 0, 0)),
            pl.BlockSpec((1, cb, r, _L), lambda b, ci, sref: (b, ci, 0, 0)),
        ],
    )
    pooled4, perm4 = pl.pallas_call(
        functools.partial(_fspool_block, n_pieces, cb, s, r),
        grid_spec=grid_spec,
        out_shape=[
            jax.ShapeDtypeStruct((bsz, c, 1, 1), jnp.float32),
            jax.ShapeDtypeStruct((bsz, c, r, _L), jnp.int32),
        ],
        compiler_params=pltpu.CompilerParams(
            dimension_semantics=("parallel", "parallel"),
        ),
        interpret=interpret,
    )(cond_sizes.astype(jnp.int32), xr, weight)
    return pooled4.reshape(bsz, c), perm4.reshape(bsz, c, s)


def kernel(x, cond_sizes, weight):
    return _fspool(x, cond_sizes, weight)

# --- scband reference (transcript-rebuilt; emitter-appended) ---
"""Pipeline reference for scband-fspool-14448269983817 (READ-ONLY COPY).

The authoritative reference and input builder live on the scoring server;
editing this copy changes nothing except your own understanding.
"""

import jax, jax.numpy as jnp
import numpy as np

B = 16
C = 256
S = 2048
N_PIECES = 20


def setup_inputs(seed: int = 0) -> dict:
    key = jax.random.key(seed)
    k1, k2, k3 = jax.random.split(key, 3)
    x = jax.random.normal(k1, (B, C, S), dtype=jnp.float32)
    cond_sizes = jnp.maximum(jax.random.randint(k2, (B,), 0, S), 1)
    weight = jax.random.normal(k3, (C, N_PIECES + 1), dtype=jnp.float32) * 0.1
    return {"x": x, "cond_sizes": cond_sizes, "weight": weight}


def _fill_sizes(sizes, max_size):
    size_tensor = jnp.arange(max_size)
    denom = jnp.clip(sizes - 1, 1, None)[:, None]
    size_tensor = jnp.where((sizes == 1)[:, None],
                            size_tensor[None, :] + 1.0 / denom,
                            size_tensor[None, :] / denom)
    mask = size_tensor <= 1
    return jnp.minimum(size_tensor, 1.0), mask[:, None, :]


def _determine_weight(weight, sizes):
    w = jnp.broadcast_to(weight[None, :, :], (sizes.shape[0], weight.shape[0], weight.shape[1]))
    index = N_PIECES * sizes
    index = jnp.broadcast_to(index[:, None, :], (sizes.shape[0], w.shape[1], sizes.shape[1]))
    idx = index.astype(jnp.int32)
    frac = index - idx
    left = jnp.take_along_axis(w, idx, axis=2)
    right = jnp.take_along_axis(w, jnp.minimum(idx + 1, N_PIECES), axis=2)
    return (1 - frac) * left + frac * right


def reference(x, cond_sizes, weight):
    sizes, mask = _fill_sizes(cond_sizes, x.shape[2])
    mask = jnp.broadcast_to(mask, x.shape).astype(x.dtype)
    w = _determine_weight(weight, sizes)
    x = x + (1 - mask) * -99999
    perm = jnp.argsort(x, axis=2)
    perm = jnp.flip(perm, axis=2)
    x = jnp.take_along_axis(x, perm, axis=2)
    pooled = (x * w * mask).sum(axis=2)
    return pooled, perm

if __name__ == "__main__":
    import jax
    _d = setup_inputs()
    print(jax.jit(kernel)(*tuple(_d.values())))

</pallas_src>

<mosaic_0001>
module attributes {stable_mosaic.version = 14 : i64} {
  func.func @_fspool_block(%arg0: i32, %arg1: i32, %arg2: memref<16xi32, #tpu.memory_space<smem>>, %arg3: memref<1x32x16x128xf32, #tpu.memory_space<vmem>>, %arg4: memref<32x21xf32, #tpu.memory_space<vmem>>, %arg5: memref<1x32x1x1xf32, #tpu.memory_space<vmem>>, %arg6: memref<1x32x16x128xi32, #tpu.memory_space<vmem>>) attributes {dimension_semantics = [#tpu.dimension_semantics<parallel>, #tpu.dimension_semantics<parallel>], iteration_bounds = array<i64: 16, 8>, scalar_prefetch = 1 : i64, scratch_operands = 0 : i64, tpu.core_type = #tpu.core_type<tc>, window_params = [{transform_indices = @transform_0, window_bounds = array<i64: 1, 32, 16, 128>}, {transform_indices = @transform_1, window_bounds = array<i64: 32, 21>}, {transform_indices = @transform_2, window_bounds = array<i64: 1, 32, 1, 1>}, {transform_indices = @transform_3, window_bounds = array<i64: 1, 32, 16, 128>}]} {
    %get3A = arith.index_cast %arg0 : i32 to index
    %get3A_0 = memref.load %arg2[%get3A] : memref<16xi32, #tpu.memory_space<smem>>
    %iota3A = tpu.iota {dimensions = array<i32: 2>} : vector<1x1x128xi32>
    %iota3A_1 = tpu.iota {dimensions = array<i32: 1>} : vector<1x16x1xi32>
    %mul3A = arith.constant 128 : i32
    %mul3A_2 = vector.broadcast %mul3A : i32 to vector<1x16x1xi32>
    %mul3A_3 = arith.muli %iota3A_1, %mul3A_2 : vector<1x16x1xi32>
    %add3A = vector.broadcast %mul3A_3 : vector<1x16x1xi32> to vector<1x16x128xi32>
    %add3A_4 = vector.broadcast %iota3A : vector<1x1x128xi32> to vector<1x16x128xi32>
    %add3A_5 = arith.addi %add3A, %add3A_4 : vector<1x16x128xi32>
    %convert_element_type3A = arith.sitofp %add3A_5 : vector<1x16x128xi32> to vector<1x16x128xf32>
    %sub3A = arith.constant 1 : i32
    %sub3A_6 = arith.subi %get3A_0, %sub3A : i32
    %max3A = arith.constant 1 : i32
    %max3A_7 = arith.maxsi %sub3A_6, %max3A : i32
    %convert_element_type3A_8 = arith.sitofp %max3A_7 : i32 to f32
    %eq3A = arith.constant 1 : i32
    %eq3A_9 = arith.cmpi eq, %get3A_0, %eq3A : i32
    %div3A = arith.constant 1.000000e+00 : f32
    %div3A_10 = arith.divf %div3A, %convert_element_type3A_8 : f32
    %add3A_11 = vector.broadcast %div3A_10 : f32 to vector<1x16x128xf32>
    %add3A_12 = arith.addf %convert_element_type3A, %add3A_11 : vector<1x16x128xf32>
    %div3A_13 = vector.broadcast %convert_element_type3A_8 : f32 to vector<1x16x128xf32>
    %div3A_14 = arith.divf %convert_element_type3A, %div3A_13 : vector<1x16x128xf32>
    %select_n3A = arith.select %eq3A_9, %add3A_12, %div3A_14 : vector<1x16x128xf32>
    %le3A = arith.constant 1.000000e+00 : f32
    %le3A_15 = vector.broadcast %le3A : f32 to vector<1x16x128xf32>
    %le3A_16 = arith.cmpf ole, %select_n3A, %le3A_15 : vector<1x16x128xf32>
    %min3A = arith.constant 1.000000e+00 : f32
    %min3A_17 = vector.broadcast %min3A : f32 to vector<1x16x128xf32>
    %min3A_18 = arith.minimumf %select_n3A, %min3A_17 : vector<1x16x128xf32>
    %mul3A_19 = arith.constant 2.000000e+01 : f32
    %mul3A_20 = vector.broadcast %mul3A_19 : f32 to vector<1x16x128xf32>
    %mul3A_21 = arith.mulf %mul3A_20, %min3A_18 : vector<1x16x128xf32>
    %get3A_22 = arith.constant 0 : index
    %get3A_23 = arith.constant 0 : index
    %get3A_24 = arith.constant 0 : index
    %get3A_25 = arith.constant 0 : index
    %get3A_26 = vector.load %arg3[%get3A_22, %get3A_23, %get3A_24, %get3A_25] : memref<1x32x16x128xf32, #tpu.memory_space<vmem>>, vector<1x32x16x128xf32>
    %get3A_27 = vector.shape_cast %get3A_26 : vector<1x32x16x128xf32> to vector<32x16x128xf32>
    %jit3A = arith.constant 0.000000e+00 : f32
    %jit3A_28 = arith.constant -9.999900e+04 : f32
    %broadcast_in_dim3A = vector.broadcast %jit3A : f32 to vector<1x16x128xf32>
    %broadcast_in_dim3A_29 = vector.broadcast %jit3A_28 : f32 to vector<1x16x128xf32>
    %select_n3A_30 = arith.select %le3A_16, %broadcast_in_dim3A, %broadcast_in_dim3A_29 : vector<1x16x128xi1>, vector<1x16x128xf32>
    %add3A_31 = vector.broadcast %select_n3A_30 : vector<1x16x128xf32> to vector<32x16x128xf32>
    %add3A_32 = arith.addf %get3A_27, %add3A_31 : vector<32x16x128xf32>
    %broadcast_in_dim3A_33 = vector.shape_cast %add3A_5 : vector<1x16x128xi32> to vector<1x16x128xi32>
    %broadcast_in_dim3A_34 = vector.broadcast %broadcast_in_dim3A_33 : vector<1x16x128xi32> to vector<32x16x128xi32>
    %and3A = arith.constant 2 : i32
    %and3A_35 = vector.broadcast %and3A : i32 to vector<1x1x128xi32>
    %and3A_36 = arith.andi %iota3A, %and3A_35 : vector<1x1x128xi32>
    %eq3A_37 = arith.constant 0 : i32
    %eq3A_38 = vector.broadcast %eq3A_37 : i32 to vector<1x1x128xi32>
    %eq3A_39 = arith.cmpi eq, %and3A_36, %eq3A_38 : vector<1x1x128xi32>
    %and3A_40 = arith.constant 1 : i32
    %and3A_41 = vector.broadcast %and3A_40 : i32 to vector<1x1x128xi32>
    %and3A_42 = arith.andi %iota3A, %and3A_41 : vector<1x1x128xi32>
    %eq3A_43 = arith.constant 0 : i32
    %eq3A_44 = vector.broadcast %eq3A_43 : i32 to vector<1x1x128xi32>
    %eq3A_45 = arith.cmpi eq, %and3A_42, %eq3A_44 : vector<1x1x128xi32>
    %eq3A_46 = arith.xori %eq3A_39, %eq3A_45 : vector<1x1x128xi1>
    %eq3A_47 = arith.constant dense<true> : vector<1x1x128xi1>
    %eq3A_48 = arith.xori %eq3A_46, %eq3A_47 : vector<1x1x128xi1>
    %roll3A = arith.constant 127 : i32
    %roll3A_49 = tpu.dynamic_rotate %add3A_32 by %roll3A dim 2 : vector<32x16x128xf32>, i32 -> vector<32x16x128xf32>
    %roll3A_50 = arith.constant 1 : i32
    %roll3A_51 = tpu.dynamic_rotate %add3A_32 by %roll3A_50 dim 2 : vector<32x16x128xf32>, i32 -> vector<32x16x128xf32>
    %broadcast_in_dim3A_52 = vector.shape_cast %eq3A_45 : vector<1x1x128xi1> to vector<1x1x128xi1>
    %broadcast_in_dim3A_53 = vector.broadcast %broadcast_in_dim3A_52 : vector<1x1x128xi1> to vector<32x16x128xi1>
    %select_n3A_54 = arith.select %broadcast_in_dim3A_53, %roll3A_49, %roll3A_51 : vector<32x16x128xi1>, vector<32x16x128xf32>
    %roll3A_55 = arith.constant 127 : i32
    %roll3A_56 = tpu.dynamic_rotate %broadcast_in_dim3A_34 by %roll3A_55 dim 2 : vector<32x16x128xi32>, i32 -> vector<32x16x128xi32>
    %roll3A_57 = arith.constant 1 : i32
    %roll3A_58 = tpu.dynamic_rotate %broadcast_in_dim3A_34 by %roll3A_57 dim 2 : vector<32x16x128xi32>, i32 -> vector<32x16x128xi32>
    %broadcast_in_dim3A_59 = vector.shape_cast %eq3A_45 : vector<1x1x128xi1> to vector<1x1x128xi1>
    %broadcast_in_dim3A_60 = vector.broadcast %broadcast_in_dim3A_59 : vector<1x1x128xi1> to vector<32x16x128xi1>
    %select_n3A_61 = arith.select %broadcast_in_dim3A_60, %roll3A_56, %roll3A_58 : vector<32x16x128xi1>, vector<32x16x128xi32>
    %gt3A = arith.cmpf ogt, %add3A_32, %select_n3A_54 : vector<32x16x128xf32>
    %eq3A_62 = arith.cmpf oeq, %add3A_32, %select_n3A_54 : vector<32x16x128xf32>
    %gt3A_63 = arith.cmpi sgt, %broadcast_in_dim3A_34, %select_n3A_61 : vector<32x16x128xi32>
    %and3A_64 = arith.andi %eq3A_62, %gt3A_63 : vector<32x16x128xi1>
    %or3A = arith.ori %gt3A, %and3A_64 : vector<32x16x128xi1>
    %eq3A_65 = vector.broadcast %eq3A_48 : vector<1x1x128xi1> to vector<32x16x128xi1>
    %eq3A_66 = vector.broadcast %eq3A_65 : vector<32x16x128xi1> to vector<32x16x128xi1>
    %eq3A_67 = arith.xori %eq3A_66, %or3A : vector<32x16x128xi1>
    %eq3A_68 = arith.constant dense<true> : vector<32x16x128xi1>
    %eq3A_69 = arith.xori %eq3A_67, %eq3A_68 : vector<32x16x128xi1>
    %select_n3A_70 = arith.select %eq3A_69, %add3A_32, %select_n3A_54 : vector<32x16x128xi1>, vector<32x16x128xf32>
    %select_n3A_71 = arith.select %eq3A_69, %broadcast_in_dim3A_34, %select_n3A_61 : vector<32x16x128xi1>, vector<32x16x128xi32>
    %and3A_72 = arith.constant 4 : i32
    %and3A_73 = vector.broadcast %and3A_72 : i32 to vector<1x1x128xi32>
    %and3A_74 = arith.andi %iota3A, %and3A_73 : vector<1x1x128xi32>
    %eq3A_75 = arith.constant 0 : i32
    %eq3A_76 = vector.broadcast %eq3A_75 : i32 to vector<1x1x128xi32>
    %eq3A_77 = arith.cmpi eq, %and3A_74, %eq3A_76 : vector<1x1x128xi32>
    %and3A_78 = arith.constant 2 : i32
    %and3A_79 = vector.broadcast %and3A_78 : i32 to vector<1x1x128xi32>
    %and3A_80 = arith.andi %iota3A, %and3A_79 : vector<1x1x128xi32>
    %eq3A_81 = arith.constant 0 : i32
    %eq3A_82 = vector.broadcast %eq3A_81 : i32 to vector<1x1x128xi32>
    %eq3A_83 = arith.cmpi eq, %and3A_80, %eq3A_82 : vector<1x1x128xi32>
    %eq3A_84 = arith.xori %eq3A_77, %eq3A_83 : vector<1x1x128xi1>
    %eq3A_85 = arith.constant dense<true> : vector<1x1x128xi1>
    %eq3A_86 = arith.xori %eq3A_84, %eq3A_85 : vector<1x1x128xi1>
    %roll3A_87 = arith.constant 126 : i32
    %roll3A_88 = tpu.dynamic_rotate %select_n3A_70 by %roll3A_87 dim 2 : vector<32x16x128xf32>, i32 -> vector<32x16x128xf32>
    %roll3A_89 = arith.constant 2 : i32
    %roll3A_90 = tpu.dynamic_rotate %select_n3A_70 by %roll3A_89 dim 2 : vector<32x16x128xf32>, i32 -> vector<32x16x128xf32>
    %broadcast_in_dim3A_91 = vector.shape_cast %eq3A_83 : vector<1x1x128xi1> to vector<1x1x128xi1>
    %broadcast_in_dim3A_92 = vector.broadcast %broadcast_in_dim3A_91 : vector<1x1x128xi1> to vector<32x16x128xi1>
    %select_n3A_93 = arith.select %broadcast_in_dim3A_92, %roll3A_88, %roll3A_90 : vector<32x16x128xi1>, vector<32x16x128xf32>
    %roll3A_94 = arith.constant 126 : i32
    %roll3A_95 = tpu.dynamic_rotate %select_n3A_71 by %roll3A_94 dim 2 : vector<32x16x128xi32>, i32 -> vector<32x16x128xi32>
    %roll3A_96 = arith.constant 2 : i32
    %roll3A_97 = tpu.dynamic_rotate %select_n3A_71 by %roll3A_96 dim 2 : vector<32x16x128xi32>, i32 -> vector<32x16x128xi32>
    %broadcast_in_dim3A_98 = vector.shape_cast %eq3A_83 : vector<1x1x128xi1> to vector<1x1x128xi1>
    %broadcast_in_dim3A_99 = vector.broadcast %broadcast_in_dim3A_98 : vector<1x1x128xi1> to vector<32x16x128xi1>
    %select_n3A_100 = arith.select %broadcast_in_dim3A_99, %roll3A_95, %roll3A_97 : vector<32x16x128xi1>, vector<32x16x128xi32>
    %gt3A_101 = arith.cmpf ogt, %select_n3A_70, %select_n3A_93 : vector<32x16x128xf32>
    %eq3A_102 = arith.cmpf oeq, %select_n3A_70, %select_n3A_93 : vector<32x16x128xf32>
    %gt3A_103 = arith.cmpi sgt, %select_n3A_71, %select_n3A_100 : vector<32x16x128xi32>
    %and3A_104 = arith.andi %eq3A_102, %gt3A_103 : vector<32x16x128xi1>
    %or3A_105 = arith.ori %gt3A_101, %and3A_104 : vector<32x16x128xi1>
    %eq3A_106 = vector.broadcast %eq3A_86 : vector<1x1x128xi1> to vector<32x16x128xi1>
    %eq3A_107 = vector.broadcast %eq3A_106 : vector<32x16x128xi1> to vector<32x16x128xi1>
    %eq3A_108 = arith.xori %eq3A_107, %or3A_105 : vector<32x16x128xi1>
    %eq3A_109 = arith.constant dense<true> : vector<32x16x128xi1>
    %eq3A_110 = arith.xori %eq3A_108, %eq3A_109 : vector<32x16x128xi1>
    %select_n3A_111 = arith.select %eq3A_110, %select_n3A_70, %select_n3A_93 : vector<32x16x128xi1>, vector<32x16x128xf32>
    %select_n3A_112 = arith.select %eq3A_110, %select_n3A_71, %select_n3A_100 : vector<32x16x128xi1>, vector<32x16x128xi32>
    %and3A_113 = arith.constant 1 : i32
    %and3A_114 = vector.broadcast %and3A_113 : i32 to vector<1x1x128xi32>
    %and3A_115 = arith.andi %iota3A, %and3A_114 : vector<1x1x128xi32>
    %eq3A_116 = arith.constant 0 : i32
    %eq3A_117 = vector.broadcast %eq3A_116 : i32 to vector<1x1x128xi32>
    %eq3A_118 = arith.cmpi eq, %and3A_115, %eq3A_117 : vector<1x1x128xi32>
    %eq3A_119 = arith.xori %eq3A_77, %eq3A_118 : vector<1x1x128xi1>
    %eq3A_120 = arith.constant dense<true> : vector<1x1x128xi1>
    %eq3A_121 = arith.xori %eq3A_119, %eq3A_120 : vector<1x1x128xi1>
    %roll3A_122 = arith.constant 127 : i32
    %roll3A_123 = tpu.dynamic_rotate %select_n3A_111 by %roll3A_122 dim 2 : vector<32x16x128xf32>, i32 -> vector<32x16x128xf32>
    %roll3A_124 = arith.constant 1 : i32
    %roll3A_125 = tpu.dynamic_rotate %select_n3A_111 by %roll3A_124 dim 2 : vector<32x16x128xf32>, i32 -> vector<32x16x128xf32>
    %broadcast_in_dim3A_126 = vector.shape_cast %eq3A_118 : vector<1x1x128xi1> to vector<1x1x128xi1>
    %broadcast_in_dim3A_127 = vector.broadcast %broadcast_in_dim3A_126 : vector<1x1x128xi1> to vector<32x16x128xi1>
    %select_n3A_128 = arith.select %broadcast_in_dim3A_127, %roll3A_123, %roll3A_125 : vector<32x16x128xi1>, vector<32x16x128xf32>
    %roll3A_129 = arith.constant 127 : i32
    %roll3A_130 = tpu.dynamic_rotate %select_n3A_112 by %roll3A_129 dim 2 : vector<32x16x128xi32>, i32 -> vector<32x16x128xi32>
    %roll3A_131 = arith.constant 1 : i32
    %roll3A_132 = tpu.dynamic_rotate %select_n3A_112 by %roll3A_131 dim 2 : vector<32x16x128xi32>, i32 -> vector<32x16x128xi32>
    %broadcast_in_dim3A_133 = vector.shape_cast %eq3A_118 : vector<1x1x128xi1> to vector<1x1x128xi1>
    %broadcast_in_dim3A_134 = vector.broadcast %broadcast_in_dim3A_133 : vector<1x1x128xi1> to vector<32x16x128xi1>
    %select_n3A_135 = arith.select %broadcast_in_dim3A_134, %roll3A_130, %roll3A_132 : vector<32x16x128xi1>, vector<32x16x128xi32>
    %gt3A_136 = arith.cmpf ogt, %select_n3A_111, %select_n3A_128 : vector<32x16x128xf32>
    %eq3A_137 = arith.cmpf oeq, %select_n3A_111, %select_n3A_128 : vector<32x16x128xf32>
    %gt3A_138 = arith.cmpi sgt, %select_n3A_112, %select_n3A_135 : vector<32x16x128xi32>
    %and3A_139 = arith.andi %eq3A_137, %gt3A_138 : vector<32x16x128xi1>
    %or3A_140 = arith.ori %gt3A_136, %and3A_139 : vector<32x16x128xi1>
    %eq3A_141 = vector.broadcast %eq3A_121 : vector<1x1x128xi1> to vector<32x16x128xi1>
    %eq3A_142 = vector.broadcast %eq3A_141 : vector<32x16x128xi1> to vector<32x16x128xi1>
    %eq3A_143 = arith.xori %eq3A_142, %or3A_140 : vector<32x16x128xi1>
    %eq3A_144 = arith.constant dense<true> : vector<32x16x128xi1>
    %eq3A_145 = arith.xori %eq3A_143, %eq3A_144 : vector<32x16x128xi1>
    %select_n3A_146 = arith.select %eq3A_145, %select_n3A_111, %select_n3A_128 : vector<32x16x128xi1>, vector<32x16x128xf32>
    %select_n3A_147 = arith.select %eq3A_145, %select_n3A_112, %select_n3A_135 : vector<32x16x128xi1>, vector<32x16x128xi32>
    %and3A_148 = arith.constant 8 : i32
    %and3A_149 = vector.broadcast %and3A_148 : i32 to vector<1x1x128xi32>
    %and3A_150 = arith.andi %iota3A, %and3A_149 : vector<1x1x128xi32>
    %eq3A_151 = arith.constant 0 : i32
    %eq3A_152 = vector.broadcast %eq3A_151 : i32 to vector<1x1x128xi32>
    %eq3A_153 = arith.cmpi eq, %and3A_150, %eq3A_152 : vector<1x1x128xi32>
    %and3A_154 = arith.constant 4 : i32
    %and3A_155 = vector.broadcast %and3A_154 : i32 to vector<1x1x128xi32>
    %and3A_156 = arith.andi %iota3A, %and3A_155 : vector<1x1x128xi32>
    %eq3A_157 = arith.constant 0 : i32
    %eq3A_158 = vector.broadcast %eq3A_157 : i32 to vector<1x1x128xi32>
    %eq3A_159 = arith.cmpi eq, %and3A_156, %eq3A_158 : vector<1x1x128xi32>
    %eq3A_160 = arith.xori %eq3A_153, %eq3A_159 : vector<1x1x128xi1>
    %eq3A_161 = arith.constant dense<true> : vector<1x1x128xi1>
    %eq3A_162 = arith.xori %eq3A_160, %eq3A_161 : vector<1x1x128xi1>
    %roll3A_163 = arith.constant 124 : i32
    %roll3A_164 = tpu.dynamic_rotate %select_n3A_146 by %roll3A_163 dim 2 : vector<32x16x128xf32>, i32 -> vector<32x16x128xf32>
    %roll3A_165 = arith.constant 4 : i32
    %roll3A_166 = tpu.dynamic_rotate %select_n3A_146 by %roll3A_165 dim 2 : vector<32x16x128xf32>, i32 -> vector<32x16x128xf32>
    %broadcast_in_dim3A_167 = vector.shape_cast %eq3A_159 : vector<1x1x128xi1> to vector<1x1x128xi1>
    %broadcast_in_dim3A_168 = vector.broadcast %broadcast_in_dim3A_167 : vector<1x1x128xi1> to vector<32x16x128xi1>
    %select_n3A_169 = arith.select %broadcast_in_dim3A_168, %roll3A_164, %roll3A_166 : vector<32x16x128xi1>, vector<32x16x128xf32>
    %roll3A_170 = arith.constant 124 : i32
    %roll3A_171 = tpu.dynamic_rotate %select_n3A_147 by %roll3A_170 dim 2 : vector<32x16x128xi32>, i32 -> vector<32x16x128xi32>
    %roll3A_172 = arith.constant 4 : i32
    %roll3A_173 = tpu.dynamic_rotate %select_n3A_147 by %roll3A_172 dim 2 : vector<32x16x128xi32>, i32 -> vector<32x16x128xi32>
    %broadcast_in_dim3A_174 = vector.shape_cast %eq3A_159 : vector<1x1x128xi1> to vector<1x1x128xi1>
    %broadcast_in_dim3A_175 = vector.broadcast %broadcast_in_dim3A_174 : vector<1x1x128xi1> to vector<32x16x128xi1>
    %select_n3A_176 = arith.select %broadcast_in_dim3A_175, %roll3A_171, %roll3A_173 : vector<32x16x128xi1>, vector<32x16x128xi32>
    %gt3A_177 = arith.cmpf ogt, %select_n3A_146, %select_n3A_169 : vector<32x16x128xf32>
    %eq3A_178 = arith.cmpf oeq, %select_n3A_146, %select_n3A_169 : vector<32x16x128xf32>
    %gt3A_179 = arith.cmpi sgt, %select_n3A_147, %select_n3A_176 : vector<32x16x128xi32>
    %and3A_180 = arith.andi %eq3A_178, %gt3A_179 : vector<32x16x128xi1>
    %or3A_181 = arith.ori %gt3A_177, %and3A_180 : vector<32x16x128xi1>
    %eq3A_182 = vector.broadcast %eq3A_162 : vector<1x1x128xi1> to vector<32x16x128xi1>
    %eq3A_183 = vector.broadcast %eq3A_182 : vector<32x16x128xi1> to vector<32x16x128xi1>
    %eq3A_184 = arith.xori %eq3A_183, %or3A_181 : vector<32x16x128xi1>
    %eq3A_185 = arith.constant dense<true> : vector<32x16x128xi1>
    %eq3A_186 = arith.xori %eq3A_184, %eq3A_185 : vector<32x16x128xi1>
    %select_n3A_187 = arith.select %eq3A_186, %select_n3A_146, %select_n3A_169 : vector<32x16x128xi1>, vector<32x16x128xf32>
    %select_n3A_188 = arith.select %eq3A_186, %select_n3A_147, %select_n3A_176 : vector<32x16x128xi1>, vector<32x16x128xi32>
    %and3A_189 = arith.constant 2 : i32
    %and3A_190 = vector.broadcast %and3A_189 : i32 to vector<1x1x128xi32>
    %and3A_191 = arith.andi %iota3A, %and3A_190 : vector<1x1x128xi32>
    %eq3A_192 = arith.constant 0 : i32
    %eq3A_193 = vector.broadcast %eq3A_192 : i32 to vector<1x1x128xi32>
    %eq3A_194 = arith.cmpi eq, %and3A_191, %eq3A_193 : vector<1x1x128xi32>
    %eq3A_195 = arith.xori %eq3A_153, %eq3A_194 : vector<1x1x128xi1>
    %eq3A_196 = arith.constant dense<true> : vector<1x1x128xi1>
    %eq3A_197 = arith.xori %eq3A_195, %eq3A_196 : vector<1x1x128xi1>
    %roll3A_198 = arith.constant 126 : i32
    %roll3A_199 = tpu.dynamic_rotate %select_n3A_187 by %roll3A_198 dim 2 : vector<32x16x128xf32>, i32 -> vector<32x16x128xf32>
    %roll3A_200 = arith.constant 2 : i32
    %roll3A_201 = tpu.dynamic_rotate %select_n3A_187 by %roll3A_200 dim 2 : vector<32x16x128xf32>, i32 -> vector<32x16x128xf32>
    %broadcast_in_dim3A_202 = vector.shape_cast %eq3A_194 : vector<1x1x128xi1> to vector<1x1x128xi1>
    %broadcast_in_dim3A_203 = vector.broadcast %broadcast_in_dim3A_202 : vector<1x1x128xi1> to vector<32x16x128xi1>
    %select_n3A_204 = arith.select %broadcast_in_dim3A_203, %roll3A_199, %roll3A_201 : vector<32x16x128xi1>, vector<32x16x128xf32>
    %roll3A_205 = arith.constant 126 : i32
    %roll3A_206 = tpu.dynamic_rotate %select_n3A_188 by %roll3A_205 dim 2 : vector<32x16x128xi32>, i32 -> vector<32x16x128xi32>
    %roll3A_207 = arith.constant 2 : i32
    %roll3A_208 = tpu.dynamic_rotate %select_n3A_188 by %roll3A_207 dim 2 : vector<32x16x128xi32>, i32 -> vector<32x16x128xi32>
    %broadcast_in_dim3A_209 = vector.shape_cast %eq3A_194 : vector<1x1x128xi1> to vector<1x1x128xi1>
    %broadcast_in_dim3A_210 = vector.broadcast %broadcast_in_dim3A_209 : vector<1x1x128xi1> to vector<32x16x128xi1>
    %select_n3A_211 = arith.select %broadcast_in_dim3A_210, %roll3A_206, %roll3A_208 : vector<32x16x128xi1>, vector<32x16x128xi32>
    %gt3A_212 = arith.cmpf ogt, %select_n3A_187, %select_n3A_204 : vector<32x16x128xf32>
    %eq3A_213 = arith.cmpf oeq, %select_n3A_187, %select_n3A_204 : vector<32x16x128xf32>
    %gt3A_214 = arith.cmpi sgt, %select_n3A_188, %select_n3A_211 : vector<32x16x128xi32>
    %and3A_215 = arith.andi %eq3A_213, %gt3A_214 : vector<32x16x128xi1>
    %or3A_216 = arith.ori %gt3A_212, %and3A_215 : vector<32x16x128xi1>
    %eq3A_217 = vector.broadcast %eq3A_197 : vector<1x1x128xi1> to vector<32x16x128xi1>
    %eq3A_218 = vector.broadcast %eq3A_217 : vector<32x16x128xi1> to vector<32x16x128xi1>
    %eq3A_219 = arith.xori %eq3A_218, %or3A_216 : vector<32x16x128xi1>
    %eq3A_220 = arith.constant dense<true> : vector<32x16x128xi1>
    %eq3A_221 = arith.xori %eq3A_219, %eq3A_220 : vector<32x16x128xi1>
    %select_n3A_222 = arith.select %eq3A_221, %select_n3A_187, %select_n3A_204 : vector<32x16x128xi1>, vector<32x16x128xf32>
    %select_n3A_223 = arith.select %eq3A_221, %select_n3A_188, %select_n3A_211 : vector<32x16x128xi1>, vector<32x16x128xi32>
    %and3A_224 = arith.constant 1 : i32
    %and3A_225 = vector.broadcast %and3A_224 : i32 to vector<1x1x128xi32>
    %and3A_226 = arith.andi %iota3A, %and3A_225 : vector<1x1x128xi32>
    %eq3A_227 = arith.constant 0 : i32
    %eq3A_228 = vector.broadcast %eq3A_227 : i32 to vector<1x1x128xi32>
    %eq3A_229 = arith.cmpi eq, %and3A_226, %eq3A_228 : vector<1x1x128xi32>
    %eq3A_230 = arith.xori %eq3A_153, %eq3A_229 : vector<1x1x128xi1>
    %eq3A_231 = arith.constant dense<true> : vector<1x1x128xi1>
    %eq3A_232 = arith.xori %eq3A_230, %eq3A_231 : vector<1x1x128xi1>
    %roll3A_233 = arith.constant 127 : i32
    %roll3A_234 = tpu.dynamic_rotate %select_n3A_222 by %roll3A_233 dim 2 : vector<32x16x128xf32>, i32 -> vector<32x16x128xf32>
    %roll3A_235 = arith.constant 1 : i32
    %roll3A_236 = tpu.dynamic_rotate %select_n3A_222 by %roll3A_235 dim 2 : vector<32x16x128xf32>, i32 -> vector<32x16x128xf32>
    %broadcast_in_dim3A_237 = vector.shape_cast %eq3A_229 : vector<1x1x128xi1> to vector<1x1x128xi1>
    %broadcast_in_dim3A_238 = vector.broadcast %broadcast_in_dim3A_237 : vector<1x1x128xi1> to vector<32x16x128xi1>
    %select_n3A_239 = arith.select %broadcast_in_dim3A_238, %roll3A_234, %roll3A_236 : vector<32x16x128xi1>, vector<32x16x128xf32>
    %roll3A_240 = arith.constant 127 : i32
    %roll3A_241 = tpu.dynamic_rotate %select_n3A_223 by %roll3A_240 dim 2 : vector<32x16x128xi32>, i32 -> vector<32x16x128xi32>
    %roll3A_242 = arith.constant 1 : i32
    %roll3A_243 = tpu.dynamic_rotate %select_n3A_223 by %roll3A_242 dim 2 : vector<32x16x128xi32>, i32 -> vector<32x16x128xi32>
    %broadcast_in_dim3A_244 = vector.shape_cast %eq3A_229 : vector<1x1x128xi1> to vector<1x1x128xi1>
    %broadcast_in_dim3A_245 = vector.broadcast %broadcast_in_dim3A_244 : vector<1x1x128xi1> to vector<32x16x128xi1>
    %select_n3A_246 = arith.select %broadcast_in_dim3A_245, %roll3A_241, %roll3A_243 : vector<32x16x128xi1>, vector<32x16x128xi32>
    %gt3A_247 = arith.cmpf ogt, %select_n3A_222, %select_n3A_239 : vector<32x16x128xf32>
    %eq3A_248 = arith.cmpf oeq, %select_n3A_222, %select_n3A_239 : vector<32x16x128xf32>
    %gt3A_249 = arith.cmpi sgt, %select_n3A_223, %select_n3A_246 : vector<32x16x128xi32>
    %and3A_250 = arith.andi %eq3A_248, %gt3A_249 : vector<32x16x128xi1>
    %or3A_251 = arith.ori %gt3A_247, %and3A_250 : vector<32x16x128xi1>
    %eq3A_252 = vector.broadcast %eq3A_232 : vector<1x1x128xi1> to vector<32x16x128xi1>
    %eq3A_253 = vector.broadcast %eq3A_252 : vector<32x16x128xi1> to vector<32x16x128xi1>
    %eq3A_254 = arith.xori %eq3A_253, %or3A_251 : vector<32x16x128xi1>
    %eq3A_255 = arith.constant dense<true> : vector<32x16x128xi1>
    %eq3A_256 = arith.xori %eq3A_254, %eq3A_255 : vector<32x16x128xi1>
    %select_n3A_257 = arith.select %eq3A_256, %select_n3A_222, %select_n3A_239 : vector<32x16x128xi1>, vector<32x16x128xf32>
    %select_n3A_258 = arith.select %eq3A_256, %select_n3A_223, %select_n3A_246 : vector<32x16x128xi1>, vector<32x16x128xi32>
    %and3A_259 = arith.constant 16 : i32
    %and3A_260 = vector.broadcast %and3A_259 : i32 to vector<1x1x128xi32>
    %and3A_261 = arith.andi %iota3A, %and3A_260 : vector<1x1x128xi32>
    %eq3A_262 = arith.constant 0 : i32
    %eq3A_263 = vector.broadcast %eq3A_262 : i32 to vector<1x1x128xi32>
    %eq3A_264 = arith.cmpi eq, %and3A_261, %eq3A_263 : vector<1x1x128xi32>
    %and3A_265 = arith.constant 8 : i32
    %and3A_266 = vector.broadcast %and3A_265 : i32 to vector<1x1x128xi32>
    %and3A_267 = arith.andi %iota3A, %and3A_266 : vector<1x1x128xi32>
    %eq3A_268 = arith.constant 0 : i32
    %eq3A_269 = vector.broadcast %eq3A_268 : i32 to vector<1x1x128xi32>
    %eq3A_270 = arith.cmpi eq, %and3A_267, %eq3A_269 : vector<1x1x128xi32>
    %eq3A_271 = arith.xori %eq3A_264, %eq3A_270 : vector<1x1x128xi1>
    %eq3A_272 = arith.constant dense<true> : vector<1x1x128xi1>
    %eq3A_273 = arith.xori %eq3A_271, %eq3A_272 : vector<1x1x128xi1>
    %roll3A_274 = arith.constant 120 : i32
    %roll3A_275 = tpu.dynamic_rotate %select_n3A_257 by %roll3A_274 dim 2 : vector<32x16x128xf32>, i32 -> vector<32x16x128xf32>
    %roll3A_276 = arith.constant 8 : i32
    %roll3A_277 = tpu.dynamic_rotate %select_n3A_257 by %roll3A_276 dim 2 : vector<32x16x128xf32>, i32 -> vector<32x16x128xf32>
    %broadcast_in_dim3A_278 = vector.shape_cast %eq3A_270 : vector<1x1x128xi1> to vector<1x1x128xi1>
    %broadcast_in_dim3A_279 = vector.broadcast %broadcast_in_dim3A_278 : vector<1x1x128xi1> to vector<32x16x128xi1>
    %select_n3A_280 = arith.select %broadcast_in_dim3A_279, %roll3A_275, %roll3A_277 : vector<32x16x128xi1>, vector<32x16x128xf32>
    %roll3A_281 = arith.constant 120 : i32
    %roll3A_282 = tpu.dynamic_rotate %select_n3A_258 by %roll3A_281 dim 2 : vector<32x16x128xi32>, i32 -> vector<32x16x128xi32>
    %roll3A_283 = arith.constant 8 : i32
    %roll3A_284 = tpu.dynamic_rotate %select_n3A_258 by %roll3A_283 dim 2 : vector<32x16x128xi32>, i32 -> vector<32x16x128xi32>
    %broadcast_in_dim3A_285 = vector.shape_cast %eq3A_270 : vector<1x1x128xi1> to vector<1x1x128xi1>
    %broadcast_in_dim3A_286 = vector.broadcast %broadcast_in_dim3A_285 : vector<1x1x128xi1> to vector<32x16x128xi1>
    %select_n3A_287 = arith.select %broadcast_in_dim3A_286, %roll3A_282, %roll3A_284 : vector<32x16x128xi1>, vector<32x16x128xi32>
    %gt3A_288 = arith.cmpf ogt, %select_n3A_257, %select_n3A_280 : vector<32x16x128xf32>
    %eq3A_289 = arith.cmpf oeq, %select_n3A_257, %select_n3A_280 : vector<32x16x128xf32>
    %gt3A_290 = arith.cmpi sgt, %select_n3A_258, %select_n3A_287 : vector<32x16x128xi32>
    %and3A_291 = arith.andi %eq3A_289, %gt3A_290 : vector<32x16x128xi1>
    %or3A_292 = arith.ori %gt3A_288, %and3A_291 : vector<32x16x128xi1>
    %eq3A_293 = vector.broadcast %eq3A_273 : vector<1x1x128xi1> to vector<32x16x128xi1>
    %eq3A_294 = vector.broadcast %eq3A_293 : vector<32x16x128xi1> to vector<32x16x128xi1>
    %eq3A_295 = arith.xori %eq3A_294, %or3A_292 : vector<32x16x128xi1>
    %eq3A_296 = arith.constant dense<true> : vector<32x16x128xi1>
    %eq3A_297 = arith.xori %eq3A_295, %eq3A_296 : vector<32x16x128xi1>
    %select_n3A_298 = arith.select %eq3A_297, %select_n3A_257, %select_n3A_280 : vector<32x16x128xi1>, vector<32x16x128xf32>
    %select_n3A_299 = arith.select %eq3A_297, %select_n3A_258, %select_n3A_287 : vector<32x16x128xi1>, vector<32x16x128xi32>
    %and3A_300 = arith.constant 4 : i32
    %and3A_301 = vector.broadcast %and3A_300 : i32 to vector<1x1x128xi32>
    %and3A_302 = arith.andi %iota3A, %and3A_301 : vector<1x1x128xi32>
    %eq3A_303 = arith.constant 0 : i32
    %eq3A_304 = vector.broadcast %eq3A_303 : i32 to vector<1x1x128xi32>
    %eq3A_305 = arith.cmpi eq, %and3A_302, %eq3A_304 : vector<1x1x128xi32>
    %eq3A_306 = arith.xori %eq3A_264, %eq3A_305 : vector<1x1x128xi1>
    %eq3A_307 = arith.constant dense<true> : vector<1x1x128xi1>
    %eq3A_308 = arith.xori %eq3A_306, %eq3A_307 : vector<1x1x128xi1>
    %roll3A_309 = arith.constant 124 : i32
    %roll3A_310 = tpu.dynamic_rotate %select_n3A_298 by %roll3A_309 dim 2 : vector<32x16x128xf32>, i32 -> vector<32x16x128xf32>
    %roll3A_311 = arith.constant 4 : i32
    %roll3A_312 = tpu.dynamic_rotate %select_n3A_298 by %roll3A_311 dim 2 : vector<32x16x128xf32>, i32 -> vector<32x16x128xf32>
    %broadcast_in_dim3A_313 = vector.shape_cast %eq3A_305 : vector<1x1x128xi1> to vector<1x1x128xi1>
    %broadcast_in_dim3A_314 = vector.broadcast %broadcast_in_dim3A_313 : vector<1x1x128xi1> to vector<32x16x128xi1>
    %select_n3A_315 = arith.select %broadcast_in_dim3A_314, %roll3A_310, %roll3A_312 : vector<32x16x128xi1>, vector<32x16x128xf32>
    %roll3A_316 = arith.constant 124 : i32
    %roll3A_317 = tpu.dynamic_rotate %select_n3A_299 by %roll3A_316 dim 2 : vector<32x16x128xi32>, i32 -> vector<32x16x128xi32>
    %roll3A_318 = arith.constant 4 : i32
    %roll3A_319 = tpu.dynamic_rotate %select_n3A_299 by %roll3A_318 dim 2 : vector<32x16x128xi32>, i32 -> vector<32x16x128xi32>
    %broadcast_in_dim3A_320 = vector.shape_cast %eq3A_305 : vector<1x1x128xi1> to vector<1x1x128xi1>
    %broadcast_in_dim3A_321 = vector.broadcast %broadcast_in_dim3A_320 : vector<1x1x128xi1> to vector<32x16x128xi1>
    %select_n3A_322 = arith.select %broadcast_in_dim3A_321, %roll3A_317, %roll3A_319 : vector<32x16x128xi1>, vector<32x16x128xi32>
    %gt3A_323 = arith.cmpf ogt, %select_n3A_298, %select_n3A_315 : vector<32x16x128xf32>
    %eq3A_324 = arith.cmpf oeq, %select_n3A_298, %select_n3A_315 : vector<32x16x128xf32>
    %gt3A_325 = arith.cmpi sgt, %select_n3A_299, %select_n3A_322 : vector<32x16x128xi32>
    %and3A_326 = arith.andi %eq3A_324, %gt3A_325 : vector<32x16x128xi1>
    %or3A_327 = arith.ori %gt3A_323, %and3A_326 : vector<32x16x128xi1>
    %eq3A_328 = vector.broadcast %eq3A_308 : vector<1x1x128xi1> to vector<32x16x128xi1>
    %eq3A_329 = vector.broadcast %eq3A_328 : vector<32x16x128xi1> to vector<32x16x128xi1>
    %eq3A_330 = arith.xori %eq3A_329, %or3A_327 : vector<32x16x128xi1>
    %eq3A_331 = arith.constant dense<true> : vector<32x16x128xi1>
    %eq3A_332 = arith.xori %eq3A_330, %eq3A_331 : vector<32x16x128xi1>
    %select_n3A_333 = arith.select %eq3A_332, %select_n3A_298, %select_n3A_315 : vector<32x16x128xi1>, vector<32x16x128xf32>
    %select_n3A_334 = arith.select %eq3A_332, %select_n3A_299, %select_n3A_322 : vector<32x16x128xi1>, vector<32x16x128xi32>
    %and3A_335 = arith.constant 2 : i32
    %and3A_336 = vector.broadcast %and3A_335 : i32 to vector<1x1x128xi32>
    %and3A_337 = arith.andi %iota3A, %and3A_336 : vector<1x1x128xi32>
    %eq3A_338 = arith.constant 0 : i32
    %eq3A_339 = vector.broadcast %eq3A_338 : i32 to vector<1x1x128xi32>
    %eq3A_340 = arith.cmpi eq, %and3A_337, %eq3A_339 : vector<1x1x128xi32>
    %eq3A_341 = arith.xori %eq3A_264, %eq3A_340 : vector<1x1x128xi1>
    %eq3A_342 = arith.constant dense<true> : vector<1x1x128xi1>
    %eq3A_343 = arith.xori %eq3A_341, %eq3A_342 : vector<1x1x128xi1>
    %roll3A_344 = arith.constant 126 : i32
    %roll3A_345 = tpu.dynamic_rotate %select_n3A_333 by %roll3A_344 dim 2 : vector<32x16x128xf32>, i32 -> vector<32x16x128xf32>
    %roll3A_346 = arith.constant 2 : i32
    %roll3A_347 = tpu.dynamic_rotate %select_n3A_333 by %roll3A_346 dim 2 : vector<32x16x128xf32>, i32 -> vector<32x16x128xf32>
    %broadcast_in_dim3A_348 = vector.shape_cast %eq3A_340 : vector<1x1x128xi1> to vector<1x1x128xi1>
    %broadcast_in_dim3A_349 = vector.broadcast %broadcast_in_dim3A_348 : vector<1x1x128xi1> to vector<32x16x128xi1>
    %select_n3A_350 = arith.select %broadcast_in_dim3A_349, %roll3A_345, %roll3A_347 : vector<32x16x128xi1>, vector<32x16x128xf32>
    %roll3A_351 = arith.constant 126 : i32
    %roll3A_352 = tpu.dynamic_rotate %select_n3A_334 by %roll3A_351 dim 2 : vector<32x16x128xi32>, i32 -> vector<32x16x128xi32>
    %roll3A_353 = arith.constant 2 : i32
    %roll3A_354 = tpu.dynamic_rotate %select_n3A_334 by %roll3A_353 dim 2 : vector<32x16x128xi32>, i32 -> vector<32x16x128xi32>
    %broadcast_in_dim3A_355 = vector.shape_cast %eq3A_340 : vector<1x1x128xi1> to vector<1x1x128xi1>
    %broadcast_in_dim3A_356 = vector.broadcast %broadcast_in_dim3A_355 : vector<1x1x128xi1> to vector<32x16x128xi1>
    %select_n3A_357 = arith.select %broadcast_in_dim3A_356, %roll3A_352, %roll3A_354 : vector<32x16x128xi1>, vector<32x16x128xi32>
    %gt3A_358 = arith.cmpf ogt, %select_n3A_333, %select_n3A_350 : vector<32x16x128xf32>
    %eq3A_359 = arith.cmpf oeq, %select_n3A_333, %select_n3A_350 : vector<32x16x128xf32>
    %gt3A_360 = arith.cmpi sgt, %select_n3A_334, %select_n3A_357 : vector<32x16x128xi32>
    %and3A_361 = arith.andi %eq3A_359, %gt3A_360 : vector<32x16x128xi1>
    %or3A_362 = arith.ori %gt3A_358, %and3A_361 : vector<32x16x128xi1>
    %eq3A_363 = vector.broadcast %eq3A_343 : vector<1x1x128xi1> to vector<32x16x128xi1>
    %eq3A_364 = vector.broadcast %eq3A_363 : vector<32x16x128xi1> to vector<32x16x128xi1>
    %eq3A_365 = arith.xori %eq3A_364, %or3A_362 : vector<32x16x128xi1>
    %eq3A_366 = arith.constant dense<true> : vector<32x16x128xi1>
    %eq3A_367 = arith.xori %eq3A_365, %eq3A_366 : vector<32x16x128xi1>
    %select_n3A_368 = arith.select %eq3A_367, %select_n3A_333, %select_n3A_350 : vector<32x16x128xi1>, vector<32x16x128xf32>
    %select_n3A_369 = arith.select %eq3A_367, %select_n3A_334, %select_n3A_357 : vector<32x16x128xi1>, vector<32x16x128xi32>
    %and3A_370 = arith.constant 1 : i32
    %and3A_371 = vector.broadcast %and3A_370 : i32 to vector<1x1x128xi32>
    %and3A_372 = arith.andi %iota3A, %and3A_371 : vector<1x1x128xi32>
    %eq3A_373 = arith.constant 0 : i32
    %eq3A_374 = vector.broadcast %eq3A_373 : i32 to vector<1x1x128xi32>
    %eq3A_375 = arith.cmpi eq, %and3A_372, %eq3A_374 : vector<1x1x128xi32>
    %eq3A_376 = arith.xori %eq3A_264, %eq3A_375 : vector<1x1x128xi1>
    %eq3A_377 = arith.constant dense<true> : vector<1x1x128xi1>
    %eq3A_378 = arith.xori %eq3A_376, %eq3A_377 : vector<1x1x128xi1>
    %roll3A_379 = arith.constant 127 : i32
    %roll3A_380 = tpu.dynamic_rotate %select_n3A_368 by %roll3A_379 dim 2 : vector<32x16x128xf32>, i32 -> vector<32x16x128xf32>
    %roll3A_381 = arith.constant 1 : i32
    %roll3A_382 = tpu.dynamic_rotate %select_n3A_368 by %roll3A_381 dim 2 : vector<32x16x128xf32>, i32 -> vector<32x16x128xf32>
    %broadcast_in_dim3A_383 = vector.shape_cast %eq3A_375 : vector<1x1x128xi1> to vector<1x1x128xi1>
    %broadcast_in_dim3A_384 = vector.broadcast %broadcast_in_dim3A_383 : vector<1x1x128xi1> to vector<32x16x128xi1>
    %select_n3A_385 = arith.select %broadcast_in_dim3A_384, %roll3A_380, %roll3A_382 : vector<32x16x128xi1>, vector<32x16x128xf32>
    %roll3A_386 = arith.constant 127 : i32
    %roll3A_387 = tpu.dynamic_rotate %select_n3A_369 by %roll3A_386 dim 2 : vector<32x16x128xi32>, i32 -> vector<32x16x128xi32>
    %roll3A_388 = arith.constant 1 : i32
    %roll3A_389 = tpu.dynamic_rotate %select_n3A_369 by %roll3A_388 dim 2 : vector<32x16x128xi32>, i32 -> vector<32x16x128xi32>
    %broadcast_in_dim3A_390 = vector.shape_cast %eq3A_375 : vector<1x1x128xi1> to vector<1x1x128xi1>
    %broadcast_in_dim3A_391 = vector.broadcast %broadcast_in_dim3A_390 : vector<1x1x128xi1> to vector<32x16x128xi1>
    %select_n3A_392 = arith.select %broadcast_in_dim3A_391, %roll3A_387, %roll3A_389 : vector<32x16x128xi1>, vector<32x16x128xi32>
    %gt3A_393 = arith.cmpf ogt, %select_n3A_368, %select_n3A_385 : vector<32x16x128xf32>
    %eq3A_394 = arith.cmpf oeq, %select_n3A_368, %select_n3A_385 : vector<32x16x128xf32>
    %gt3A_395 = arith.cmpi sgt, %select_n3A_369, %select_n3A_392 : vector<32x16x128xi32>
    %and3A_396 = arith.andi %eq3A_394, %gt3A_395 : vector<32x16x128xi1>
    %or3A_397 = arith.ori %gt3A_393, %and3A_396 : vector<32x16x128xi1>
    %eq3A_398 = vector.broadcast %eq3A_378 : vector<1x1x128xi1> to vector<32x16x128xi1>
    %eq3A_399 = vector.broadcast %eq3A_398 : vector<32x16x128xi1> to vector<32x16x128xi1>
    %eq3A_400 = arith.xori %eq3A_399, %or3A_397 : vector<32x16x128xi1>
    %eq3A_401 = arith.constant dense<true> : vector<32x16x128xi1>
    %eq3A_402 = arith.xori %eq3A_400, %eq3A_401 : vector<32x16x128xi1>
    %select_n3A_403 = arith.select %eq3A_402, %select_n3A_368, %select_n3A_385 : vector<32x16x128xi1>, vector<32x16x128xf32>
    %select_n3A_404 = arith.select %eq3A_402, %select_n3A_369, %select_n3A_392 : vector<32x16x128xi1>, vector<32x16x128xi32>
    %and3A_405 = arith.constant 32 : i32
    %and3A_406 = vector.broadcast %and3A_405 : i32 to vector<1x1x128xi32>
    %and3A_407 = arith.andi %iota3A, %and3A_406 : vector<1x1x128xi32>
    %eq3A_408 = arith.constant 0 : i32
    %eq3A_409 = vector.broadcast %eq3A_408 : i32 to vector<1x1x128xi32>
    %eq3A_410 = arith.cmpi eq, %and3A_407, %eq3A_409 : vector<1x1x128xi32>
    %and3A_411 = arith.constant 16 : i32
    %and3A_412 = vector.broadcast %and3A_411 : i32 to vector<1x1x128xi32>
    %and3A_413 = arith.andi %iota3A, %and3A_412 : vector<1x1x128xi32>
    %eq3A_414 = arith.constant 0 : i32
    %eq3A_415 = vector.broadcast %eq3A_414 : i32 to vector<1x1x128xi32>
    %eq3A_416 = arith.cmpi eq, %and3A_413, %eq3A_415 : vector<1x1x128xi32>
    %eq3A_417 = arith.xori %eq3A_410, %eq3A_416 : vector<1x1x128xi1>
    %eq3A_418 = arith.constant dense<true> : vector<1x1x128xi1>
    %eq3A_419 = arith.xori %eq3A_417, %eq3A_418 : vector<1x1x128xi1>
    %roll3A_420 = arith.constant 112 : i32
    %roll3A_421 = tpu.dynamic_rotate %select_n3A_403 by %roll3A_420 dim 2 : vector<32x16x128xf32>, i32 -> vector<32x16x128xf32>
    %roll3A_422 = arith.constant 16 : i32
    %roll3A_423 = tpu.dynamic_rotate %select_n3A_403 by %roll3A_422 dim 2 : vector<32x16x128xf32>, i32 -> vector<32x16x128xf32>
    %broadcast_in_dim3A_424 = vector.shape_cast %eq3A_416 : vector<1x1x128xi1> to vector<1x1x128xi1>
    %broadcast_in_dim3A_425 = vector.broadcast %broadcast_in_dim3A_424 : vector<1x1x128xi1> to vector<32x16x128xi1>
    %select_n3A_426 = arith.select %broadcast_in_dim3A_425, %roll3A_421, %roll3A_423 : vector<32x16x128xi1>, vector<32x16x128xf32>
    %roll3A_427 = arith.constant 112 : i32
    %roll3A_428 = tpu.dynamic_rotate %select_n3A_404 by %roll3A_427 dim 2 : vector<32x16x128xi32>, i32 -> vector<32x16x128xi32>
    %roll3A_429 = arith.constant 16 : i32
    %roll3A_430 = tpu.dynamic_rotate %select_n3A_404 by %roll3A_429 dim 2 : vector<32x16x128xi32>, i32 -> vector<32x16x128xi32>
    %broadcast_in_dim3A_431 = vector.shape_cast %eq3A_416 : vector<1x1x128xi1> to vector<1x1x128xi1>
    %broadcast_in_dim3A_432 = vector.broadcast %broadcast_in_dim3A_431 : vector<1x1x128xi1> to vector<32x16x128xi1>
    %select_n3A_433 = arith.select %broadcast_in_dim3A_432, %roll3A_428, %roll3A_430 : vector<32x16x128xi1>, vector<32x16x128xi32>
    %gt3A_434 = arith.cmpf ogt, %select_n3A_403, %select_n3A_426 : vector<32x16x128xf32>
    %eq3A_435 = arith.cmpf oeq, %select_n3A_403, %select_n3A_426 : vector<32x16x128xf32>
    %gt3A_436 = arith.cmpi sgt, %select_n3A_404, %select_n3A_433 : vector<32x16x128xi32>
    %and3A_437 = arith.andi %eq3A_435, %gt3A_436 : vector<32x16x128xi1>
    %or3A_438 = arith.ori %gt3A_434, %and3A_437 : vector<32x16x128xi1>
    %eq3A_439 = vector.broadcast %eq3A_419 : vector<1x1x128xi1> to vector<32x16x128xi1>
    %eq3A_440 = vector.broadcast %eq3A_439 : vector<32x16x128xi1> to vector<32x16x128xi1>
    %eq3A_441 = arith.xori %eq3A_440, %or3A_438 : vector<32x16x128xi1>
    %eq3A_442 = arith.constant dense<true> : vector<32x16x128xi1>
    %eq3A_443 = arith.xori %eq3A_441, %eq3A_442 : vector<32x16x128xi1>
    %select_n3A_444 = arith.select %eq3A_443, %select_n3A_403, %select_n3A_426 : vector<32x16x128xi1>, vector<32x16x128xf32>
    %select_n3A_445 = arith.select %eq3A_443, %select_n3A_404, %select_n3A_433 : vector<32x16x128xi1>, vector<32x16x128xi32>
    %and3A_446 = arith.constant 8 : i32
    %and3A_447 = vector.broadcast %and3A_446 : i32 to vector<1x1x128xi32>
    %and3A_448 = arith.andi %iota3A, %and3A_447 : vector<1x1x128xi32>
    %eq3A_449 = arith.constant 0 : i32
    %eq3A_450 = vector.broadcast %eq3A_449 : i32 to vector<1x1x128xi32>
    %eq3A_451 = arith.cmpi eq, %and3A_448, %eq3A_450 : vector<1x1x128xi32>
    %eq3A_452 = arith.xori %eq3A_410, %eq3A_451 : vector<1x1x128xi1>
    %eq3A_453 = arith.constant dense<true> : vector<1x1x128xi1>
    %eq3A_454 = arith.xori %eq3A_452, %eq3A_453 : vector<1x1x128xi1>
    %roll3A_455 = arith.constant 120 : i32
    %roll3A_456 = tpu.dynamic_rotate %select_n3A_444 by %roll3A_455 dim 2 : vector<32x16x128xf32>, i32 -> vector<32x16x128xf32>
    %roll3A_457 = arith.constant 8 : i32
    %roll3A_458 = tpu.dynamic_rotate %select_n3A_444 by %roll3A_457 dim 2 : vector<32x16x128xf32>, i32 -> vector<32x16x128xf32>
    %broadcast_in_dim3A_459 = vector.shape_cast %eq3A_451 : vector<1x1x128xi1> to vector<1x1x128xi1>
    %broadcast_in_dim3A_460 = vector.broadcast %broadcast_in_dim3A_459 : vector<1x1x128xi1> to vector<32x16x128xi1>
    %select_n3A_461 = arith.select %broadcast_in_dim3A_460, %roll3A_456, %roll3A_458 : vector<32x16x128xi1>, vector<32x16x128xf32>
    %roll3A_462 = arith.constant 120 : i32
    %roll3A_463 = tpu.dynamic_rotate %select_n3A_445 by %roll3A_462 dim 2 : vector<32x16x128xi32>, i32 -> vector<32x16x128xi32>
    %roll3A_464 = arith.constant 8 : i32
    %roll3A_465 = tpu.dynamic_rotate %select_n3A_445 by %roll3A_464 dim 2 : vector<32x16x128xi32>, i32 -> vector<32x16x128xi32>
    %broadcast_in_dim3A_466 = vector.shape_cast %eq3A_451 : vector<1x1x128xi1> to vector<1x1x128xi1>
    %broadcast_in_dim3A_467 = vector.broadcast %broadcast_in_dim3A_466 : vector<1x1x128xi1> to vector<32x16x128xi1>
    %select_n3A_468 = arith.select %broadcast_in_dim3A_467, %roll3A_463, %roll3A_465 : vector<32x16x128xi1>, vector<32x16x128xi32>
    %gt3A_469 = arith.cmpf ogt, %select_n3A_444, %select_n3A_461 : vector<32x16x128xf32>
    %eq3A_470 = arith.cmpf oeq, %select_n3A_444, %select_n3A_461 : vector<32x16x128xf32>
    %gt3A_471 = arith.cmpi sgt, %select_n3A_445, %select_n3A_468 : vector<32x16x128xi32>
    %and3A_472 = arith.andi %eq3A_470, %gt3A_471 : vector<32x16x128xi1>
    %or3A_473 = arith.ori %gt3A_469, %and3A_472 : vector<32x16x128xi1>
    %eq3A_474 = vector.broadcast %eq3A_454 : vector<1x1x128xi1> to vector<32x16x128xi1>
    %eq3A_475 = vector.broadcast %eq3A_474 : vector<32x16x128xi1> to vector<32x16x128xi1>
    %eq3A_476 = arith.xori %eq3A_475, %or3A_473 : vector<32x16x128xi1>
    %eq3A_477 = arith.constant dense<true> : vector<32x16x128xi1>
    %eq3A_478 = arith.xori %eq3A_476, %eq3A_477 : vector<32x16x128xi1>
    %select_n3A_479 = arith.select %eq3A_478, %select_n3A_444, %select_n3A_461 : vector<32x16x128xi1>, vector<32x16x128xf32>
    %select_n3A_480 = arith.select %eq3A_478, %select_n3A_445, %select_n3A_468 : vector<32x16x128xi1>, vector<32x16x128xi32>
    %and3A_481 = arith.constant 4 : i32
    %and3A_482 = vector.broadcast %and3A_481 : i32 to vector<1x1x128xi32>
    %and3A_483 = arith.andi %iota3A, %and3A_482 : vector<1x1x128xi32>
    %eq3A_484 = arith.constant 0 : i32
    %eq3A_485 = vector.broadcast %eq3A_484 : i32 to vector<1x1x128xi32>
    %eq3A_486 = arith.cmpi eq, %and3A_483, %eq3A_485 : vector<1x1x128xi32>
    %eq3A_487 = arith.xori %eq3A_410, %eq3A_486 : vector<1x1x128xi1>
    %eq3A_488 = arith.constant dense<true> : vector<1x1x128xi1>
    %eq3A_489 = arith.xori %eq3A_487, %eq3A_488 : vector<1x1x128xi1>
    %roll3A_490 = arith.constant 124 : i32
    %roll3A_491 = tpu.dynamic_rotate %select_n3A_479 by %roll3A_490 dim 2 : vector<32x16x128xf32>, i32 -> vector<32x16x128xf32>
    %roll3A_492 = arith.constant 4 : i32
    %roll3A_493 = tpu.dynamic_rotate %select_n3A_479 by %roll3A_492 dim 2 : vector<32x16x128xf32>, i32 -> vector<32x16x128xf32>
    %broadcast_in_dim3A_494 = vector.shape_cast %eq3A_486 : vector<1x1x128xi1> to vector<1x1x128xi1>
    %broadcast_in_dim3A_495 = vector.broadcast %broadcast_in_dim3A_494 : vector<1x1x128xi1> to vector<32x16x128xi1>
    %select_n3A_496 = arith.select %broadcast_in_dim3A_495, %roll3A_491, %roll3A_493 : vector<32x16x128xi1>, vector<32x16x128xf32>
    %roll3A_497 = arith.constant 124 : i32
    %roll3A_498 = tpu.dynamic_rotate %select_n3A_480 by %roll3A_497 dim 2 : vector<32x16x128xi32>, i32 -> vector<32x16x128xi32>
    %roll3A_499 = arith.constant 4 : i32
    %roll3A_500 = tpu.dynamic_rotate %select_n3A_480 by %roll3A_499 dim 2 : vector<32x16x128xi32>, i32 -> vector<32x16x128xi32>
    %broadcast_in_dim3A_501 = vector.shape_cast %eq3A_486 : vector<1x1x128xi1> to vector<1x1x128xi1>
    %broadcast_in_dim3A_502 = vector.broadcast %broadcast_in_dim3A_501 : vector<1x1x128xi1> to vector<32x16x128xi1>
    %select_n3A_503 = arith.select %broadcast_in_dim3A_502, %roll3A_498, %roll3A_500 : vector<32x16x128xi1>, vector<32x16x128xi32>
    %gt3A_504 = arith.cmpf ogt, %select_n3A_479, %select_n3A_496 : vector<32x16x128xf32>
    %eq3A_505 = arith.cmpf oeq, %select_n3A_479, %select_n3A_496 : vector<32x16x128xf32>
    %gt3A_506 = arith.cmpi sgt, %select_n3A_480, %select_n3A_503 : vector<32x16x128xi32>
    %and3A_507 = arith.andi %eq3A_505, %gt3A_506 : vector<32x16x128xi1>
    %or3A_508 = arith.ori %gt3A_504, %and3A_507 : vector<32x16x128xi1>
    %eq3A_509 = vector.broadcast %eq3A_489 : vector<1x1x128xi1> to vector<32x16x128xi1>
    %eq3A_510 = vector.broadcast %eq3A_509 : vector<32x16x128xi1> to vector<32x16x128xi1>
    %eq3A_511 = arith.xori %eq3A_510, %or3A_508 : vector<32x16x128xi1>
    %eq3A_512 = arith.constant dense<true> : vector<32x16x128xi1>
    %eq3A_513 = arith.xori %eq3A_511, %eq3A_512 : vector<32x16x128xi1>
    %select_n3A_514 = arith.select %eq3A_513, %select_n3A_479, %select_n3A_496 : vector<32x16x128xi1>, vector<32x16x128xf32>
    %select_n3A_515 = arith.select %eq3A_513, %select_n3A_480, %select_n3A_503 : vector<32x16x128xi1>, vector<32x16x128xi32>
    %and3A_516 = arith.constant 2 : i32
    %and3A_517 = vector.broadcast %and3A_516 : i32 to vector<1x1x128xi32>
    %and3A_518 = arith.andi %iota3A, %and3A_517 : vector<1x1x128xi32>
    %eq3A_519 = arith.constant 0 : i32
    %eq3A_520 = vector.broadcast %eq3A_519 : i32 to vector<1x1x128xi32>
    %eq3A_521 = arith.cmpi eq, %and3A_518, %eq3A_520 : vector<1x1x128xi32>
    %eq3A_522 = arith.xori %eq3A_410, %eq3A_521 : vector<1x1x128xi1>
    %eq3A_523 = arith.constant dense<true> : vector<1x1x128xi1>
    %eq3A_524 = arith.xori %eq3A_522, %eq3A_523 : vector<1x1x128xi1>
    %roll3A_525 = arith.constant 126 : i32
    %roll3A_526 = tpu.dynamic_rotate %select_n3A_514 by %roll3A_525 dim 2 : vector<32x16x128xf32>, i32 -> vector<32x16x128xf32>
    %roll3A_527 = arith.constant 2 : i32
    %roll3A_528 = tpu.dynamic_rotate %select_n3A_514 by %roll3A_527 dim 2 : vector<32x16x128xf32>, i32 -> vector<32x16x128xf32>
    %broadcast_in_dim3A_529 = vector.shape_cast %eq3A_521 : vector<1x1x128xi1> to vector<1x1x128xi1>
    %broadcast_in_dim3A_530 = vector.broadcast %broadcast_in_dim3A_529 : vector<1x1x128xi1> to vector<32x16x128xi1>
    %select_n3A_531 = arith.select %broadcast_in_dim3A_530, %roll3A_526, %roll3A_528 : vector<32x16x128xi1>, vector<32x16x128xf32>
    %roll3A_532 = arith.constant 126 : i32
    %roll3A_533 = tpu.dynamic_rotate %select_n3A_515 by %roll3A_532 dim 2 : vector<32x16x128xi32>, i32 -> vector<32x16x128xi32>
    %roll3A_534 = arith.constant 2 : i32
    %roll3A_535 = tpu.dynamic_rotate %select_n3A_515 by %roll3A_534 dim 2 : vector<32x16x128xi32>, i32 -> vector<32x16x128xi32>
    %broadcast_in_dim3A_536 = vector.shape_cast %eq3A_521 : vector<1x1x128xi1> to vector<1x1x128xi1>
    %broadcast_in_dim3A_537 = vector.broadcast %broadcast_in_dim3A_536 : vector<1x1x128xi1> to vector<32x16x128xi1>
    %select_n3A_538 = arith.select %broadcast_in_dim3A_537, %roll3A_533, %roll3A_535 : vector<32x16x128xi1>, vector<32x16x128xi32>
    %gt3A_539 = arith.cmpf ogt, %select_n3A_514, %select_n3A_531 : vector<32x16x128xf32>
    %eq3A_540 = arith.cmpf oeq, %select_n3A_514, %select_n3A_531 : vector<32x16x128xf32>
    %gt3A_541 = arith.cmpi sgt, %select_n3A_515, %select_n3A_538 : vector<32x16x128xi32>
    %and3A_542 = arith.andi %eq3A_540, %gt3A_541 : vector<32x16x128xi1>
    %or3A_543 = arith.ori %gt3A_539, %and3A_542 : vector<32x16x128xi1>
    %eq3A_544 = vector.broadcast %eq3A_524 : vector<1x1x128xi1> to vector<32x16x128xi1>
    %eq3A_545 = vector.broadcast %eq3A_544 : vector<32x16x128xi1> to vector<32x16x128xi1>
    %eq3A_546 = arith.xori %eq3A_545, %or3A_543 : vector<32x16x128xi1>
    %eq3A_547 = arith.constant dense<true> : vector<32x16x128xi1>
    %eq3A_548 = arith.xori %eq3A_546, %eq3A_547 : vector<32x16x128xi1>
    %select_n3A_549 = arith.select %eq3A_548, %select_n3A_514, %select_n3A_531 : vector<32x16x128xi1>, vector<32x16x128xf32>
    %select_n3A_550 = arith.select %eq3A_548, %select_n3A_515, %select_n3A_538 : vector<32x16x128xi1>, vector<32x16x128xi32>
    %and3A_551 = arith.constant 1 : i32
    %and3A_552 = vector.broadcast %and3A_551 : i32 to vector<1x1x128xi32>
    %and3A_553 = arith.andi %iota3A, %and3A_552 : vector<1x1x128xi32>
    %eq3A_554 = arith.constant 0 : i32
    %eq3A_555 = vector.broadcast %eq3A_554 : i32 to vector<1x1x128xi32>
    %eq3A_556 = arith.cmpi eq, %and3A_553, %eq3A_555 : vector<1x1x128xi32>
    %eq3A_557 = arith.xori %eq3A_410, %eq3A_556 : vector<1x1x128xi1>
    %eq3A_558 = arith.constant dense<true> : vector<1x1x128xi1>
    %eq3A_559 = arith.xori %eq3A_557, %eq3A_558 : vector<1x1x128xi1>
    %roll3A_560 = arith.constant 127 : i32
    %roll3A_561 = tpu.dynamic_rotate %select_n3A_549 by %roll3A_560 dim 2 : vector<32x16x128xf32>, i32 -> vector<32x16x128xf32>
    %roll3A_562 = arith.constant 1 : i32
    %roll3A_563 = tpu.dynamic_rotate %select_n3A_549 by %roll3A_562 dim 2 : vector<32x16x128xf32>, i32 -> vector<32x16x128xf32>
    %broadcast_in_dim3A_564 = vector.shape_cast %eq3A_556 : vector<1x1x128xi1> to vector<1x1x128xi1>
    %broadcast_in_dim3A_565 = vector.broadcast %broadcast_in_dim3A_564 : vector<1x1x128xi1> to vector<32x16x128xi1>
    %select_n3A_566 = arith.select %broadcast_in_dim3A_565, %roll3A_561, %roll3A_563 : vector<32x16x128xi1>, vector<32x16x128xf32>
    %roll3A_567 = arith.constant 127 : i32
    %roll3A_568 = tpu.dynamic_rotate %select_n3A_550 by %roll3A_567 dim 2 : vector<32x16x128xi32>, i32 -> vector<32x16x128xi32>
    %roll3A_569 = arith.constant 1 : i32
    %roll3A_570 = tpu.dynamic_rotate %select_n3A_550 by %roll3A_569 dim 2 : vector<32x16x128xi32>, i32 -> vector<32x16x128xi32>
    %broadcast_in_dim3A_571 = vector.shape_cast %eq3A_556 : vector<1x1x128xi1> to vector<1x1x128xi1>
    %broadcast_in_dim3A_572 = vector.broadcast %broadcast_in_dim3A_571 : vector<1x1x128xi1> to vector<32x16x128xi1>
    %select_n3A_573 = arith.select %broadcast_in_dim3A_572, %roll3A_568, %roll3A_570 : vector<32x16x128xi1>, vector<32x16x128xi32>
    %gt3A_574 = arith.cmpf ogt, %select_n3A_549, %select_n3A_566 : vector<32x16x128xf32>
    %eq3A_575 = arith.cmpf oeq, %select_n3A_549, %select_n3A_566 : vector<32x16x128xf32>
    %gt3A_576 = arith.cmpi sgt, %select_n3A_550, %select_n3A_573 : vector<32x16x128xi32>
    %and3A_577 = arith.andi %eq3A_575, %gt3A_576 : vector<32x16x128xi1>
    %or3A_578 = arith.ori %gt3A_574, %and3A_577 : vector<32x16x128xi1>
    %eq3A_579 = vector.broadcast %eq3A_559 : vector<1x1x128xi1> to vector<32x16x128xi1>
    %eq3A_580 = vector.broadcast %eq3A_579 : vector<32x16x128xi1> to vector<32x16x128xi1>
    %eq3A_581 = arith.xori %eq3A_580, %or3A_578 : vector<32x16x128xi1>
    %eq3A_582 = arith.constant dense<true> : vector<32x16x128xi1>
    %eq3A_583 = arith.xori %eq3A_581, %eq3A_582 : vector<32x16x128xi1>
    %select_n3A_584 = arith.select %eq3A_583, %select_n3A_549, %select_n3A_566 : vector<32x16x128xi1>, vector<32x16x128xf32>
    %select_n3A_585 = arith.select %eq3A_583, %select_n3A_550, %select_n3A_573 : vector<32x16x128xi1>, vector<32x16x128xi32>
    %and3A_586 = arith.constant 64 : i32
    %and3A_587 = vector.broadcast %and3A_586 : i32 to vector<1x1x128xi32>
    %and3A_588 = arith.andi %iota3A, %and3A_587 : vector<1x1x128xi32>
    %eq3A_589 = arith.constant 0 : i32
    %eq3A_590 = vector.broadcast %eq3A_589 : i32 to vector<1x1x128xi32>
    %eq3A_591 = arith.cmpi eq, %and3A_588, %eq3A_590 : vector<1x1x128xi32>
    %and3A_592 = arith.constant 32 : i32
    %and3A_593 = vector.broadcast %and3A_592 : i32 to vector<1x1x128xi32>
    %and3A_594 = arith.andi %iota3A, %and3A_593 : vector<1x1x128xi32>
    %eq3A_595 = arith.constant 0 : i32
    %eq3A_596 = vector.broadcast %eq3A_595 : i32 to vector<1x1x128xi32>
    %eq3A_597 = arith.cmpi eq, %and3A_594, %eq3A_596 : vector<1x1x128xi32>
    %eq3A_598 = arith.xori %eq3A_591, %eq3A_597 : vector<1x1x128xi1>
    %eq3A_599 = arith.constant dense<true> : vector<1x1x128xi1>
    %eq3A_600 = arith.xori %eq3A_598, %eq3A_599 : vector<1x1x128xi1>
    %roll3A_601 = arith.constant 96 : i32
    %roll3A_602 = tpu.dynamic_rotate %select_n3A_584 by %roll3A_601 dim 2 : vector<32x16x128xf32>, i32 -> vector<32x16x128xf32>
    %roll3A_603 = arith.constant 32 : i32
    %roll3A_604 = tpu.dynamic_rotate %select_n3A_584 by %roll3A_603 dim 2 : vector<32x16x128xf32>, i32 -> vector<32x16x128xf32>
    %broadcast_in_dim3A_605 = vector.shape_cast %eq3A_597 : vector<1x1x128xi1> to vector<1x1x128xi1>
    %broadcast_in_dim3A_606 = vector.broadcast %broadcast_in_dim3A_605 : vector<1x1x128xi1> to vector<32x16x128xi1>
    %select_n3A_607 = arith.select %broadcast_in_dim3A_606, %roll3A_602, %roll3A_604 : vector<32x16x128xi1>, vector<32x16x128xf32>
    %roll3A_608 = arith.constant 96 : i32
    %roll3A_609 = tpu.dynamic_rotate %select_n3A_585 by %roll3A_608 dim 2 : vector<32x16x128xi32>, i32 -> vector<32x16x128xi32>
    %roll3A_610 = arith.constant 32 : i32
    %roll3A_611 = tpu.dynamic_rotate %select_n3A_585 by %roll3A_610 dim 2 : vector<32x16x128xi32>, i32 -> vector<32x16x128xi32>
    %broadcast_in_dim3A_612 = vector.shape_cast %eq3A_597 : vector<1x1x128xi1> to vector<1x1x128xi1>
    %broadcast_in_dim3A_613 = vector.broadcast %broadcast_in_dim3A_612 : vector<1x1x128xi1> to vector<32x16x128xi1>
    %select_n3A_614 = arith.select %broadcast_in_dim3A_613, %roll3A_609, %roll3A_611 : vector<32x16x128xi1>, vector<32x16x128xi32>
    %gt3A_615 = arith.cmpf ogt, %select_n3A_584, %select_n3A_607 : vector<32x16x128xf32>
    %eq3A_616 = arith.cmpf oeq, %select_n3A_584, %select_n3A_607 : vector<32x16x128xf32>
    %gt3A_617 = arith.cmpi sgt, %select_n3A_585, %select_n3A_614 : vector<32x16x128xi32>
    %and3A_618 = arith.andi %eq3A_616, %gt3A_617 : vector<32x16x128xi1>
    %or3A_619 = arith.ori %gt3A_615, %and3A_618 : vector<32x16x128xi1>
    %eq3A_620 = vector.broadcast %eq3A_600 : vector<1x1x128xi1> to vector<32x16x128xi1>
    %eq3A_621 = vector.broadcast %eq3A_620 : vector<32x16x128xi1> to vector<32x16x128xi1>
    %eq3A_622 = arith.xori %eq3A_621, %or3A_619 : vector<32x16x128xi1>
    %eq3A_623 = arith.constant dense<true> : vector<32x16x128xi1>
    %eq3A_624 = arith.xori %eq3A_622, %eq3A_623 : vector<32x16x128xi1>
    %select_n3A_625 = arith.select %eq3A_624, %select_n3A_584, %select_n3A_607 : vector<32x16x128xi1>, vector<32x16x128xf32>
    %select_n3A_626 = arith.select %eq3A_624, %select_n3A_585, %select_n3A_614 : vector<32x16x128xi1>, vector<32x16x128xi32>
    %and3A_627 = arith.constant 16 : i32
    %and3A_628 = vector.broadcast %and3A_627 : i32 to vector<1x1x128xi32>
    %and3A_629 = arith.andi %iota3A, %and3A_628 : vector<1x1x128xi32>
    %eq3A_630 = arith.constant 0 : i32
    %eq3A_631 = vector.broadcast %eq3A_630 : i32 to vector<1x1x128xi32>
    %eq3A_632 = arith.cmpi eq, %and3A_629, %eq3A_631 : vector<1x1x128xi32>
    %eq3A_633 = arith.xori %eq3A_591, %eq3A_632 : vector<1x1x128xi1>
    %eq3A_634 = arith.constant dense<true> : vector<1x1x128xi1>
    %eq3A_635 = arith.xori %eq3A_633, %eq3A_634 : vector<1x1x128xi1>
    %roll3A_636 = arith.constant 112 : i32
    %roll3A_637 = tpu.dynamic_rotate %select_n3A_625 by %roll3A_636 dim 2 : vector<32x16x128xf32>, i32 -> vector<32x16x128xf32>
    %roll3A_638 = arith.constant 16 : i32
    %roll3A_639 = tpu.dynamic_rotate %select_n3A_625 by %roll3A_638 dim 2 : vector<32x16x128xf32>, i32 -> vector<32x16x128xf32>
    %broadcast_in_dim3A_640 = vector.shape_cast %eq3A_632 : vector<1x1x128xi1> to vector<1x1x128xi1>
    %broadcast_in_dim3A_641 = vector.broadcast %broadcast_in_dim3A_640 : vector<1x1x128xi1> to vector<32x16x128xi1>
    %select_n3A_642 = arith.select %broadcast_in_dim3A_641, %roll3A_637, %roll3A_639 : vector<32x16x128xi1>, vector<32x16x128xf32>
    %roll3A_643 = arith.constant 112 : i32
    %roll3A_644 = tpu.dynamic_rotate %select_n3A_626 by %roll3A_643 dim 2 : vector<32x16x128xi32>, i32 -> vector<32x16x128xi32>
    %roll3A_645 = arith.constant 16 : i32
    %roll3A_646 = tpu.dynamic_rotate %select_n3A_626 by %roll3A_645 dim 2 : vector<32x16x128xi32>, i32 -> vector<32x16x128xi32>
    %broadcast_in_dim3A_647 = vector.shape_cast %eq3A_632 : vector<1x1x128xi1> to vector<1x1x128xi1>
    %broadcast_in_dim3A_648 = vector.broadcast %broadcast_in_dim3A_647 : vector<1x1x128xi1> to vector<32x16x128xi1>
    %select_n3A_649 = arith.select %broadcast_in_dim3A_648, %roll3A_644, %roll3A_646 : vector<32x16x128xi1>, vector<32x16x128xi32>
    %gt3A_650 = arith.cmpf ogt, %select_n3A_625, %select_n3A_642 : vector<32x16x128xf32>
    %eq3A_651 = arith.cmpf oeq, %select_n3A_625, %select_n3A_642 : vector<32x16x128xf32>
    %gt3A_652 = arith.cmpi sgt, %select_n3A_626, %select_n3A_649 : vector<32x16x128xi32>
    %and3A_653 = arith.andi %eq3A_651, %gt3A_652 : vector<32x16x128xi1>
    %or3A_654 = arith.ori %gt3A_650, %and3A_653 : vector<32x16x128xi1>
    %eq3A_655 = vector.broadcast %eq3A_635 : vector<1x1x128xi1> to vector<32x16x128xi1>
    %eq3A_656 = vector.broadcast %eq3A_655 : vector<32x16x128xi1> to vector<32x16x128xi1>
    %eq3A_657 = arith.xori %eq3A_656, %or3A_654 : vector<32x16x128xi1>
    %eq3A_658 = arith.constant dense<true> : vector<32x16x128xi1>
    %eq3A_659 = arith.xori %eq3A_657, %eq3A_658 : vector<32x16x128xi1>
    %select_n3A_660 = arith.select %eq3A_659, %select_n3A_625, %select_n3A_642 : vector<32x16x128xi1>, vector<32x16x128xf32>
    %select_n3A_661 = arith.select %eq3A_659, %select_n3A_626, %select_n3A_649 : vector<32x16x128xi1>, vector<32x16x128xi32>
    %and3A_662 = arith.constant 8 : i32
    %and3A_663 = vector.broadcast %and3A_662 : i32 to vector<1x1x128xi32>
    %and3A_664 = arith.andi %iota3A, %and3A_663 : vector<1x1x128xi32>
    %eq3A_665 = arith.constant 0 : i32
    %eq3A_666 = vector.broadcast %eq3A_665 : i32 to vector<1x1x128xi32>
    %eq3A_667 = arith.cmpi eq, %and3A_664, %eq3A_666 : vector<1x1x128xi32>
    %eq3A_668 = arith.xori %eq3A_591, %eq3A_667 : vector<1x1x128xi1>
    %eq3A_669 = arith.constant dense<true> : vector<1x1x128xi1>
    %eq3A_670 = arith.xori %eq3A_668, %eq3A_669 : vector<1x1x128xi1>
    %roll3A_671 = arith.constant 120 : i32
    %roll3A_672 = tpu.dynamic_rotate %select_n3A_660 by %roll3A_671 dim 2 : vector<32x16x128xf32>, i32 -> vector<32x16x128xf32>
    %roll3A_673 = arith.constant 8 : i32
    %roll3A_674 = tpu.dynamic_rotate %select_n3A_660 by %roll3A_673 dim 2 : vector<32x16x128xf32>, i32 -> vector<32x16x128xf32>
    %broadcast_in_dim3A_675 = vector.shape_cast %eq3A_667 : vector<1x1x128xi1> to vector<1x1x128xi1>
    %broadcast_in_dim3A_676 = vector.broadcast %broadcast_in_dim3A_675 : vector<1x1x128xi1> to vector<32x16x128xi1>
    %select_n3A_677 = arith.select %broadcast_in_dim3A_676, %roll3A_672, %roll3A_674 : vector<32x16x128xi1>, vector<32x16x128xf32>
    %roll3A_678 = arith.constant 120 : i32
    %roll3A_679 = tpu.dynamic_rotate %select_n3A_661 by %roll3A_678 dim 2 : vector<32x16x128xi32>, i32 -> vector<32x16x128xi32>
    %roll3A_680 = arith.constant 8 : i32
    %roll3A_681 = tpu.dynamic_rotate %select_n3A_661 by %roll3A_680 dim 2 : vector<32x16x128xi32>, i32 -> vector<32x16x128xi32>
    %broadcast_in_dim3A_682 = vector.shape_cast %eq3A_667 : vector<1x1x128xi1> to vector<1x1x128xi1>
    %broadcast_in_dim3A_683 = vector.broadcast %broadcast_in_dim3A_682 : vector<1x1x128xi1> to vector<32x16x128xi1>
    %select_n3A_684 = arith.select %broadcast_in_dim3A_683, %roll3A_679, %roll3A_681 : vector<32x16x128xi1>, vector<32x16x128xi32>
    %gt3A_685 = arith.cmpf ogt, %select_n3A_660, %select_n3A_677 : vector<32x16x128xf32>
    %eq3A_686 = arith.cmpf oeq, %select_n3A_660, %select_n3A_677 : vector<32x16x128xf32>
    %gt3A_687 = arith.cmpi sgt, %select_n3A_661, %select_n3A_684 : vector<32x16x128xi32>
    %and3A_688 = arith.andi %eq3A_686, %gt3A_687 : vector<32x16x128xi1>
    %or3A_689 = arith.ori %gt3A_685, %and3A_688 : vector<32x16x128xi1>
    %eq3A_690 = vector.broadcast %eq3A_670 : vector<1x1x128xi1> to vector<32x16x128xi1>
    %eq3A_691 = vector.broadcast %eq3A_690 : vector<32x16x128xi1> to vector<32x16x128xi1>
    %eq3A_692 = arith.xori %eq3A_691, %or3A_689 : vector<32x16x128xi1>
    %eq3A_693 = arith.constant dense<true> : vector<32x16x128xi1>
    %eq3A_694 = arith.xori %eq3A_692, %eq3A_693 : vector<32x16x128xi1>
    %select_n3A_695 = arith.select %eq3A_694, %select_n3A_660, %select_n3A_677 : vector<32x16x128xi1>, vector<32x16x128xf32>
    %select_n3A_696 = arith.select %eq3A_694, %select_n3A_661, %select_n3A_684 : vector<32x16x128xi1>, vector<32x16x128xi32>
    %and3A_697 = arith.constant 4 : i32
    %and3A_698 = vector.broadcast %and3A_697 : i32 to vector<1x1x128xi32>
    %and3A_699 = arith.andi %iota3A, %and3A_698 : vector<1x1x128xi32>
    %eq3A_700 = arith.constant 0 : i32
    %eq3A_701 = vector.broadcast %eq3A_700 : i32 to vector<1x1x128xi32>
    %eq3A_702 = arith.cmpi eq, %and3A_699, %eq3A_701 : vector<1x1x128xi32>
    %eq3A_703 = arith.xori %eq3A_591, %eq3A_702 : vector<1x1x128xi1>
    %eq3A_704 = arith.constant dense<true> : vector<1x1x128xi1>
    %eq3A_705 = arith.xori %eq3A_703, %eq3A_704 : vector<1x1x128xi1>
    %roll3A_706 = arith.constant 124 : i32
    %roll3A_707 = tpu.dynamic_rotate %select_n3A_695 by %roll3A_706 dim 2 : vector<32x16x128xf32>, i32 -> vector<32x16x128xf32>
    %roll3A_708 = arith.constant 4 : i32
    %roll3A_709 = tpu.dynamic_rotate %select_n3A_695 by %roll3A_708 dim 2 : vector<32x16x128xf32>, i32 -> vector<32x16x128xf32>
    %broadcast_in_dim3A_710 = vector.shape_cast %eq3A_702 : vector<1x1x128xi1> to vector<1x1x128xi1>
    %broadcast_in_dim3A_711 = vector.broadcast %broadcast_in_dim3A_710 : vector<1x1x128xi1> to vector<32x16x128xi1>
    %select_n3A_712 = arith.select %broadcast_in_dim3A_711, %roll3A_707, %roll3A_709 : vector<32x16x128xi1>, vector<32x16x128xf32>
    %roll3A_713 = arith.constant 124 : i32
    %roll3A_714 = tpu.dynamic_rotate %select_n3A_696 by %roll3A_713 dim 2 : vector<32x16x128xi32>, i32 -> vector<32x16x128xi32>
    %roll3A_715 = arith.constant 4 : i32
    %roll3A_716 = tpu.dynamic_rotate %select_n3A_696 by %roll3A_715 dim 2 : vector<32x16x128xi32>, i32 -> vector<32x16x128xi32>
    %broadcast_in_dim3A_717 = vector.shape_cast %eq3A_702 : vector<1x1x128xi1> to vector<1x1x128xi1>
    %broadcast_in_dim3A_718 = vector.broadcast %broadcast_in_dim3A_717 : vector<1x1x128xi1> to vector<32x16x128xi1>
    %select_n3A_719 = arith.select %broadcast_in_dim3A_718, %roll3A_714, %roll3A_716 : vector<32x16x128xi1>, vector<32x16x128xi32>
    %gt3A_720 = arith.cmpf ogt, %select_n3A_695, %select_n3A_712 : vector<32x16x128xf32>
    %eq3A_721 = arith.cmpf oeq, %select_n3A_695, %select_n3A_712 : vector<32x16x128xf32>
    %gt3A_722 = arith.cmpi sgt, %select_n3A_696, %select_n3A_719 : vector<32x16x128xi32>
    %and3A_723 = arith.andi %eq3A_721, %gt3A_722 : vector<32x16x128xi1>
    %or3A_724 = arith.ori %gt3A_720, %and3A_723 : vector<32x16x128xi1>
    %eq3A_725 = vector.broadcast %eq3A_705 : vector<1x1x128xi1> to vector<32x16x128xi1>
    %eq3A_726 = vector.broadcast %eq3A_725 : vector<32x16x128xi1> to vector<32x16x128xi1>
    %eq3A_727 = arith.xori %eq3A_726, %or3A_724 : vector<32x16x128xi1>
    %eq3A_728 = arith.constant dense<true> : vector<32x16x128xi1>
    %eq3A_729 = arith.xori %eq3A_727, %eq3A_728 : vector<32x16x128xi1>
    %select_n3A_730 = arith.select %eq3A_729, %select_n3A_695, %select_n3A_712 : vector<32x16x128xi1>, vector<32x16x128xf32>
    %select_n3A_731 = arith.select %eq3A_729, %select_n3A_696, %select_n3A_719 : vector<32x16x128xi1>, vector<32x16x128xi32>
    %and3A_732 = arith.constant 2 : i32
    %and3A_733 = vector.broadcast %and3A_732 : i32 to vector<1x1x128xi32>
    %and3A_734 = arith.andi %iota3A, %and3A_733 : vector<1x1x128xi32>
    %eq3A_735 = arith.constant 0 : i32
    %eq3A_736 = vector.broadcast %eq3A_735 : i32 to vector<1x1x128xi32>
    %eq3A_737 = arith.cmpi eq, %and3A_734, %eq3A_736 : vector<1x1x128xi32>
    %eq3A_738 = arith.xori %eq3A_591, %eq3A_737 : vector<1x1x128xi1>
    %eq3A_739 = arith.constant dense<true> : vector<1x1x128xi1>
    %eq3A_740 = arith.xori %eq3A_738, %eq3A_739 : vector<1x1x128xi1>
    %roll3A_741 = arith.constant 126 : i32
    %roll3A_742 = tpu.dynamic_rotate %select_n3A_730 by %roll3A_741 dim 2 : vector<32x16x128xf32>, i32 -> vector<32x16x128xf32>
    %roll3A_743 = arith.constant 2 : i32
    %roll3A_744 = tpu.dynamic_rotate %select_n3A_730 by %roll3A_743 dim 2 : vector<32x16x128xf32>, i32 -> vector<32x16x128xf32>
    %broadcast_in_dim3A_745 = vector.shape_cast %eq3A_737 : vector<1x1x128xi1> to vector<1x1x128xi1>
    %broadcast_in_dim3A_746 = vector.broadcast %broadcast_in_dim3A_745 : vector<1x1x128xi1> to vector<32x16x128xi1>
    %select_n3A_747 = arith.select %broadcast_in_dim3A_746, %roll3A_742, %roll3A_744 : vector<32x16x128xi1>, vector<32x16x128xf32>
    %roll3A_748 = arith.constant 126 : i32
    %roll3A_749 = tpu.dynamic_rotate %select_n3A_731 by %roll3A_748 dim 2 : vector<32x16x128xi32>, i32 -> vector<32x16x128xi32>
    %roll3A_750 = arith.constant 2 : i32
    %roll3A_751 = tpu.dynamic_rotate %select_n3A_731 by %roll3A_750 dim 2 : vector<32x16x128xi32>, i32 -> vector<32x16x128xi32>
    %broadcast_in_dim3A_752 = vector.shape_cast %eq3A_737 : vector<1x1x128xi1> to vector<1x1x128xi1>
    %broadcast_in_dim3A_753 = vector.broadcast %broadcast_in_dim3A_752 : vector<1x1x128xi1> to vector<32x16x128xi1>
    %select_n3A_754 = arith.select %broadcast_in_dim3A_753, %roll3A_749, %roll3A_751 : vector<32x16x128xi1>, vector<32x16x128xi32>
    %gt3A_755 = arith.cmpf ogt, %select_n3A_730, %select_n3A_747 : vector<32x16x128xf32>
    %eq3A_756 = arith.cmpf oeq, %select_n3A_730, %select_n3A_747 : vector<32x16x128xf32>
    %gt3A_757 = arith.cmpi sgt, %select_n3A_731, %select_n3A_754 : vector<32x16x128xi32>
    %and3A_758 = arith.andi %eq3A_756, %gt3A_757 : vector<32x16x128xi1>
    %or3A_759 = arith.ori %gt3A_755, %and3A_758 : vector<32x16x128xi1>
    %eq3A_760 = vector.broadcast %eq3A_740 : vector<1x1x128xi1> to vector<32x16x128xi1>
    %eq3A_761 = vector.broadcast %eq3A_760 : vector<32x16x128xi1> to vector<32x16x128xi1>
    %eq3A_762 = arith.xori %eq3A_761, %or3A_759 : vector<32x16x128xi1>
    %eq3A_763 = arith.constant dense<true> : vector<32x16x128xi1>
    %eq3A_764 = arith.xori %eq3A_762, %eq3A_763 : vector<32x16x128xi1>
    %select_n3A_765 = arith.select %eq3A_764, %select_n3A_730, %select_n3A_747 : vector<32x16x128xi1>, vector<32x16x128xf32>
    %select_n3A_766 = arith.select %eq3A_764, %select_n3A_731, %select_n3A_754 : vector<32x16x128xi1>, vector<32x16x128xi32>
    %and3A_767 = arith.constant 1 : i32
    %and3A_768 = vector.broadcast %and3A_767 : i32 to vector<1x1x128xi32>
    %and3A_769 = arith.andi %iota3A, %and3A_768 : vector<1x1x128xi32>
    %eq3A_770 = arith.constant 0 : i32
    %eq3A_771 = vector.broadcast %eq3A_770 : i32 to vector<1x1x128xi32>
    %eq3A_772 = arith.cmpi eq, %and3A_769, %eq3A_771 : vector<1x1x128xi32>
    %eq3A_773 = arith.xori %eq3A_591, %eq3A_772 : vector<1x1x128xi1>
    %eq3A_774 = arith.constant dense<true> : vector<1x1x128xi1>
    %eq3A_775 = arith.xori %eq3A_773, %eq3A_774 : vector<1x1x128xi1>
    %roll3A_776 = arith.constant 127 : i32
    %roll3A_777 = tpu.dynamic_rotate %select_n3A_765 by %roll3A_776 dim 2 : vector<32x16x128xf32>, i32 -> vector<32x16x128xf32>
    %roll3A_778 = arith.constant 1 : i32
    %roll3A_779 = tpu.dynamic_rotate %select_n3A_765 by %roll3A_778 dim 2 : vector<32x16x128xf32>, i32 -> vector<32x16x128xf32>
    %broadcast_in_dim3A_780 = vector.shape_cast %eq3A_772 : vector<1x1x128xi1> to vector<1x1x128xi1>
    %broadcast_in_dim3A_781 = vector.broadcast %broadcast_in_dim3A_780 : vector<1x1x128xi1> to vector<32x16x128xi1>
    %select_n3A_782 = arith.select %broadcast_in_dim3A_781, %roll3A_777, %roll3A_779 : vector<32x16x128xi1>, vector<32x16x128xf32>
    %roll3A_783 = arith.constant 127 : i32
    %roll3A_784 = tpu.dynamic_rotate %select_n3A_766 by %roll3A_783 dim 2 : vector<32x16x128xi32>, i32 -> vector<32x16x128xi32>
    %roll3A_785 = arith.constant 1 : i32
    %roll3A_786 = tpu.dynamic_rotate %select_n3A_766 by %roll3A_785 dim 2 : vector<32x16x128xi32>, i32 -> vector<32x16x128xi32>
    %broadcast_in_dim3A_787 = vector.shape_cast %eq3A_772 : vector<1x1x128xi1> to vector<1x1x128xi1>
    %broadcast_in_dim3A_788 = vector.broadcast %broadcast_in_dim3A_787 : vector<1x1x128xi1> to vector<32x16x128xi1>
    %select_n3A_789 = arith.select %broadcast_in_dim3A_788, %roll3A_784, %roll3A_786 : vector<32x16x128xi1>, vector<32x16x128xi32>
    %gt3A_790 = arith.cmpf ogt, %select_n3A_765, %select_n3A_782 : vector<32x16x128xf32>
    %eq3A_791 = arith.cmpf oeq, %select_n3A_765, %select_n3A_782 : vector<32x16x128xf32>
    %gt3A_792 = arith.cmpi sgt, %select_n3A_766, %select_n3A_789 : vector<32x16x128xi32>
    %and3A_793 = arith.andi %eq3A_791, %gt3A_792 : vector<32x16x128xi1>
    %or3A_794 = arith.ori %gt3A_790, %and3A_793 : vector<32x16x128xi1>
    %eq3A_795 = vector.broadcast %eq3A_775 : vector<1x1x128xi1> to vector<32x16x128xi1>
    %eq3A_796 = vector.broadcast %eq3A_795 : vector<32x16x128xi1> to vector<32x16x128xi1>
    %eq3A_797 = arith.xori %eq3A_796, %or3A_794 : vector<32x16x128xi1>
    %eq3A_798 = arith.constant dense<true> : vector<32x16x128xi1>
    %eq3A_799 = arith.xori %eq3A_797, %eq3A_798 : vector<32x16x128xi1>
    %select_n3A_800 = arith.select %eq3A_799, %select_n3A_765, %select_n3A_782 : vector<32x16x128xi1>, vector<32x16x128xf32>
    %select_n3A_801 = arith.select %eq3A_799, %select_n3A_766, %select_n3A_789 : vector<32x16x128xi1>, vector<32x16x128xi32>
    %and3A_802 = arith.constant 1 : i32
    %and3A_803 = vector.broadcast %and3A_802 : i32 to vector<1x16x1xi32>
    %and3A_804 = arith.andi %iota3A_1, %and3A_803 : vector<1x16x1xi32>
    %eq3A_805 = arith.constant 0 : i32
    %eq3A_806 = vector.broadcast %eq3A_805 : i32 to vector<1x16x1xi32>
    %eq3A_807 = arith.cmpi eq, %and3A_804, %eq3A_806 : vector<1x16x1xi32>
    %and3A_808 = arith.constant 64 : i32
    %and3A_809 = vector.broadcast %and3A_808 : i32 to vector<1x1x128xi32>
    %and3A_810 = arith.andi %iota3A, %and3A_809 : vector<1x1x128xi32>
    %eq3A_811 = arith.constant 0 : i32
    %eq3A_812 = vector.broadcast %eq3A_811 : i32 to vector<1x1x128xi32>
    %eq3A_813 = arith.cmpi eq, %and3A_810, %eq3A_812 : vector<1x1x128xi32>
    %eq3A_814 = vector.broadcast %eq3A_807 : vector<1x16x1xi1> to vector<1x16x128xi1>
    %eq3A_815 = vector.broadcast %eq3A_813 : vector<1x1x128xi1> to vector<1x16x128xi1>
    %eq3A_816 = vector.broadcast %eq3A_814 : vector<1x16x128xi1> to vector<1x16x128xi1>
    %eq3A_817 = vector.broadcast %eq3A_815 : vector<1x16x128xi1> to vector<1x16x128xi1>
    %eq3A_818 = arith.xori %eq3A_816, %eq3A_817 : vector<1x16x128xi1>
    %eq3A_819 = arith.constant dense<true> : vector<1x16x128xi1>
    %eq3A_820 = arith.xori %eq3A_818, %eq3A_819 : vector<1x16x128xi1>
    %roll3A_821 = arith.constant 64 : i32
    %roll3A_822 = tpu.dynamic_rotate %select_n3A_800 by %roll3A_821 dim 2 : vector<32x16x128xf32>, i32 -> vector<32x16x128xf32>
    %roll3A_823 = arith.constant 64 : i32
    %roll3A_824 = tpu.dynamic_rotate %select_n3A_800 by %roll3A_823 dim 2 : vector<32x16x128xf32>, i32 -> vector<32x16x128xf32>
    %broadcast_in_dim3A_825 = vector.shape_cast %eq3A_813 : vector<1x1x128xi1> to vector<1x1x128xi1>
    %broadcast_in_dim3A_826 = vector.broadcast %broadcast_in_dim3A_825 : vector<1x1x128xi1> to vector<32x16x128xi1>
    %select_n3A_827 = arith.select %broadcast_in_dim3A_826, %roll3A_822, %roll3A_824 : vector<32x16x128xi1>, vector<32x16x128xf32>
    %roll3A_828 = arith.constant 64 : i32
    %roll3A_829 = tpu.dynamic_rotate %select_n3A_801 by %roll3A_828 dim 2 : vector<32x16x128xi32>, i32 -> vector<32x16x128xi32>
    %roll3A_830 = arith.constant 64 : i32
    %roll3A_831 = tpu.dynamic_rotate %select_n3A_801 by %roll3A_830 dim 2 : vector<32x16x128xi32>, i32 -> vector<32x16x128xi32>
    %broadcast_in_dim3A_832 = vector.shape_cast %eq3A_813 : vector<1x1x128xi1> to vector<1x1x128xi1>
    %broadcast_in_dim3A_833 = vector.broadcast %broadcast_in_dim3A_832 : vector<1x1x128xi1> to vector<32x16x128xi1>
    %select_n3A_834 = arith.select %broadcast_in_dim3A_833, %roll3A_829, %roll3A_831 : vector<32x16x128xi1>, vector<32x16x128xi32>
    %gt3A_835 = arith.cmpf ogt, %select_n3A_800, %select_n3A_827 : vector<32x16x128xf32>
    %eq3A_836 = arith.cmpf oeq, %select_n3A_800, %select_n3A_827 : vector<32x16x128xf32>
    %gt3A_837 = arith.cmpi sgt, %select_n3A_801, %select_n3A_834 : vector<32x16x128xi32>
    %and3A_838 = arith.andi %eq3A_836, %gt3A_837 : vector<32x16x128xi1>
    %or3A_839 = arith.ori %gt3A_835, %and3A_838 : vector<32x16x128xi1>
    %eq3A_840 = vector.broadcast %eq3A_820 : vector<1x16x128xi1> to vector<32x16x128xi1>
    %eq3A_841 = vector.broadcast %eq3A_840 : vector<32x16x128xi1> to vector<32x16x128xi1>
    %eq3A_842 = arith.xori %eq3A_841, %or3A_839 : vector<32x16x128xi1>
    %eq3A_843 = arith.constant dense<true> : vector<32x16x128xi1>
    %eq3A_844 = arith.xori %eq3A_842, %eq3A_843 : vector<32x16x128xi1>
    %select_n3A_845 = arith.select %eq3A_844, %select_n3A_800, %select_n3A_827 : vector<32x16x128xi1>, vector<32x16x128xf32>
    %select_n3A_846 = arith.select %eq3A_844, %select_n3A_801, %select_n3A_834 : vector<32x16x128xi1>, vector<32x16x128xi32>
    %and3A_847 = arith.constant 32 : i32
    %and3A_848 = vector.broadcast %and3A_847 : i32 to vector<1x1x128xi32>
    %and3A_849 = arith.andi %iota3A, %and3A_848 : vector<1x1x128xi32>
    %eq3A_850 = arith.constant 0 : i32
    %eq3A_851 = vector.broadcast %eq3A_850 : i32 to vector<1x1x128xi32>
    %eq3A_852 = arith.cmpi eq, %and3A_849, %eq3A_851 : vector<1x1x128xi32>
    %eq3A_853 = vector.broadcast %eq3A_807 : vector<1x16x1xi1> to vector<1x16x128xi1>
    %eq3A_854 = vector.broadcast %eq3A_852 : vector<1x1x128xi1> to vector<1x16x128xi1>
    %eq3A_855 = vector.broadcast %eq3A_853 : vector<1x16x128xi1> to vector<1x16x128xi1>
    %eq3A_856 = vector.broadcast %eq3A_854 : vector<1x16x128xi1> to vector<1x16x128xi1>
    %eq3A_857 = arith.xori %eq3A_855, %eq3A_856 : vector<1x16x128xi1>
    %eq3A_858 = arith.constant dense<true> : vector<1x16x128xi1>
    %eq3A_859 = arith.xori %eq3A_857, %eq3A_858 : vector<1x16x128xi1>
    %roll3A_860 = arith.constant 96 : i32
    %roll3A_861 = tpu.dynamic_rotate %select_n3A_845 by %roll3A_860 dim 2 : vector<32x16x128xf32>, i32 -> vector<32x16x128xf32>
    %roll3A_862 = arith.constant 32 : i32
    %roll3A_863 = tpu.dynamic_rotate %select_n3A_845 by %roll3A_862 dim 2 : vector<32x16x128xf32>, i32 -> vector<32x16x128xf32>
    %broadcast_in_dim3A_864 = vector.shape_cast %eq3A_852 : vector<1x1x128xi1> to vector<1x1x128xi1>
    %broadcast_in_dim3A_865 = vector.broadcast %broadcast_in_dim3A_864 : vector<1x1x128xi1> to vector<32x16x128xi1>
    %select_n3A_866 = arith.select %broadcast_in_dim3A_865, %roll3A_861, %roll3A_863 : vector<32x16x128xi1>, vector<32x16x128xf32>
    %roll3A_867 = arith.constant 96 : i32
    %roll3A_868 = tpu.dynamic_rotate %select_n3A_846 by %roll3A_867 dim 2 : vector<32x16x128xi32>, i32 -> vector<32x16x128xi32>
    %roll3A_869 = arith.constant 32 : i32
    %roll3A_870 = tpu.dynamic_rotate %select_n3A_846 by %roll3A_869 dim 2 : vector<32x16x128xi32>, i32 -> vector<32x16x128xi32>
    %broadcast_in_dim3A_871 = vector.shape_cast %eq3A_852 : vector<1x1x128xi1> to vector<1x1x128xi1>
    %broadcast_in_dim3A_872 = vector.broadcast %broadcast_in_dim3A_871 : vector<1x1x128xi1> to vector<32x16x128xi1>
    %select_n3A_873 = arith.select %broadcast_in_dim3A_872, %roll3A_868, %roll3A_870 : vector<32x16x128xi1>, vector<32x16x128xi32>
    %gt3A_874 = arith.cmpf ogt, %select_n3A_845, %select_n3A_866 : vector<32x16x128xf32>
    %eq3A_875 = arith.cmpf oeq, %select_n3A_845, %select_n3A_866 : vector<32x16x128xf32>
    %gt3A_876 = arith.cmpi sgt, %select_n3A_846, %select_n3A_873 : vector<32x16x128xi32>
    %and3A_877 = arith.andi %eq3A_875, %gt3A_876 : vector<32x16x128xi1>
    %or3A_878 = arith.ori %gt3A_874, %and3A_877 : vector<32x16x128xi1>
    %eq3A_879 = vector.broadcast %eq3A_859 : vector<1x16x128xi1> to vector<32x16x128xi1>
    %eq3A_880 = vector.broadcast %eq3A_879 : vector<32x16x128xi1> to vector<32x16x128xi1>
    %eq3A_881 = arith.xori %eq3A_880, %or3A_878 : vector<32x16x128xi1>
    %eq3A_882 = arith.constant dense<true> : vector<32x16x128xi1>
    %eq3A_883 = arith.xori %eq3A_881, %eq3A_882 : vector<32x16x128xi1>
    %select_n3A_884 = arith.select %eq3A_883, %select_n3A_845, %select_n3A_866 : vector<32x16x128xi1>, vector<32x16x128xf32>
    %select_n3A_885 = arith.select %eq3A_883, %select_n3A_846, %select_n3A_873 : vector<32x16x128xi1>, vector<32x16x128xi32>
    %and3A_886 = arith.constant 16 : i32
    %and3A_887 = vector.broadcast %and3A_886 : i32 to vector<1x1x128xi32>
    %and3A_888 = arith.andi %iota3A, %and3A_887 : vector<1x1x128xi32>
    %eq3A_889 = arith.constant 0 : i32
    %eq3A_890 = vector.broadcast %eq3A_889 : i32 to vector<1x1x128xi32>
    %eq3A_891 = arith.cmpi eq, %and3A_888, %eq3A_890 : vector<1x1x128xi32>
    %eq3A_892 = vector.broadcast %eq3A_807 : vector<1x16x1xi1> to vector<1x16x128xi1>
    %eq3A_893 = vector.broadcast %eq3A_891 : vector<1x1x128xi1> to vector<1x16x128xi1>
    %eq3A_894 = vector.broadcast %eq3A_892 : vector<1x16x128xi1> to vector<1x16x128xi1>
    %eq3A_895 = vector.broadcast %eq3A_893 : vector<1x16x128xi1> to vector<1x16x128xi1>
    %eq3A_896 = arith.xori %eq3A_894, %eq3A_895 : vector<1x16x128xi1>
    %eq3A_897 = arith.constant dense<true> : vector<1x16x128xi1>
    %eq3A_898 = arith.xori %eq3A_896, %eq3A_897 : vector<1x16x128xi1>
    %roll3A_899 = arith.constant 112 : i32
    %roll3A_900 = tpu.dynamic_rotate %select_n3A_884 by %roll3A_899 dim 2 : vector<32x16x128xf32>, i32 -> vector<32x16x128xf32>
    %roll3A_901 = arith.constant 16 : i32
    %roll3A_902 = tpu.dynamic_rotate %select_n3A_884 by %roll3A_901 dim 2 : vector<32x16x128xf32>, i32 -> vector<32x16x128xf32>
    %broadcast_in_dim3A_903 = vector.shape_cast %eq3A_891 : vector<1x1x128xi1> to vector<1x1x128xi1>
    %broadcast_in_dim3A_904 = vector.broadcast %broadcast_in_dim3A_903 : vector<1x1x128xi1> to vector<32x16x128xi1>
    %select_n3A_905 = arith.select %broadcast_in_dim3A_904, %roll3A_900, %roll3A_902 : vector<32x16x128xi1>, vector<32x16x128xf32>
    %roll3A_906 = arith.constant 112 : i32
    %roll3A_907 = tpu.dynamic_rotate %select_n3A_885 by %roll3A_906 dim 2 : vector<32x16x128xi32>, i32 -> vector<32x16x128xi32>
    %roll3A_908 = arith.constant 16 : i32
    %roll3A_909 = tpu.dynamic_rotate %select_n3A_885 by %roll3A_908 dim 2 : vector<32x16x128xi32>, i32 -> vector<32x16x128xi32>
    %broadcast_in_dim3A_910 = vector.shape_cast %eq3A_891 : vector<1x1x128xi1> to vector<1x1x128xi1>
    %broadcast_in_dim3A_911 = vector.broadcast %broadcast_in_dim3A_910 : vector<1x1x128xi1> to vector<32x16x128xi1>
    %select_n3A_912 = arith.select %broadcast_in_dim3A_911, %roll3A_907, %roll3A_909 : vector<32x16x128xi1>, vector<32x16x128xi32>
    %gt3A_913 = arith.cmpf ogt, %select_n3A_884, %select_n3A_905 : vector<32x16x128xf32>
    %eq3A_914 = arith.cmpf oeq, %select_n3A_884, %select_n3A_905 : vector<32x16x128xf32>
    %gt3A_915 = arith.cmpi sgt, %select_n3A_885, %select_n3A_912 : vector<32x16x128xi32>
    %and3A_916 = arith.andi %eq3A_914, %gt3A_915 : vector<32x16x128xi1>
    %or3A_917 = arith.ori %gt3A_913, %and3A_916 : vector<32x16x128xi1>
    %eq3A_918 = vector.broadcast %eq3A_898 : vector<1x16x128xi1> to vector<32x16x128xi1>
    %eq3A_919 = vector.broadcast %eq3A_918 : vector<32x16x128xi1> to vector<32x16x128xi1>
    %eq3A_920 = arith.xori %eq3A_919, %or3A_917 : vector<32x16x128xi1>
    %eq3A_921 = arith.constant dense<true> : vector<32x16x128xi1>
    %eq3A_922 = arith.xori %eq3A_920, %eq3A_921 : vector<32x16x128xi1>
    %select_n3A_923 = arith.select %eq3A_922, %select_n3A_884, %select_n3A_905 : vector<32x16x128xi1>, vector<32x16x128xf32>
    %select_n3A_924 = arith.select %eq3A_922, %select_n3A_885, %select_n3A_912 : vector<32x16x128xi1>, vector<32x16x128xi32>
    %and3A_925 = arith.constant 8 : i32
    %and3A_926 = vector.broadcast %and3A_925 : i32 to vector<1x1x128xi32>
    %and3A_927 = arith.andi %iota3A, %and3A_926 : vector<1x1x128xi32>
    %eq3A_928 = arith.constant 0 : i32
    %eq3A_929 = vector.broadcast %eq3A_928 : i32 to vector<1x1x128xi32>
    %eq3A_930 = arith.cmpi eq, %and3A_927, %eq3A_929 : vector<1x1x128xi32>
    %eq3A_931 = vector.broadcast %eq3A_807 : vector<1x16x1xi1> to vector<1x16x128xi1>
    %eq3A_932 = vector.broadcast %eq3A_930 : vector<1x1x128xi1> to vector<1x16x128xi1>
    %eq3A_933 = vector.broadcast %eq3A_931 : vector<1x16x128xi1> to vector<1x16x128xi1>
    %eq3A_934 = vector.broadcast %eq3A_932 : vector<1x16x128xi1> to vector<1x16x128xi1>
    %eq3A_935 = arith.xori %eq3A_933, %eq3A_934 : vector<1x16x128xi1>
    %eq3A_936 = arith.constant dense<true> : vector<1x16x128xi1>
    %eq3A_937 = arith.xori %eq3A_935, %eq3A_936 : vector<1x16x128xi1>
    %roll3A_938 = arith.constant 120 : i32
    %roll3A_939 = tpu.dynamic_rotate %select_n3A_923 by %roll3A_938 dim 2 : vector<32x16x128xf32>, i32 -> vector<32x16x128xf32>
    %roll3A_940 = arith.constant 8 : i32
    %roll3A_941 = tpu.dynamic_rotate %select_n3A_923 by %roll3A_940 dim 2 : vector<32x16x128xf32>, i32 -> vector<32x16x128xf32>
    %broadcast_in_dim3A_942 = vector.shape_cast %eq3A_930 : vector<1x1x128xi1> to vector<1x1x128xi1>
    %broadcast_in_dim3A_943 = vector.broadcast %broadcast_in_dim3A_942 : vector<1x1x128xi1> to vector<32x16x128xi1>
    %select_n3A_944 = arith.select %broadcast_in_dim3A_943, %roll3A_939, %roll3A_941 : vector<32x16x128xi1>, vector<32x16x128xf32>
    %roll3A_945 = arith.constant 120 : i32
    %roll3A_946 = tpu.dynamic_rotate %select_n3A_924 by %roll3A_945 dim 2 : vector<32x16x128xi32>, i32 -> vector<32x16x128xi32>
    %roll3A_947 = arith.constant 8 : i32
    %roll3A_948 = tpu.dynamic_rotate %select_n3A_924 by %roll3A_947 dim 2 : vector<32x16x128xi32>, i32 -> vector<32x16x128xi32>
    %broadcast_in_dim3A_949 = vector.shape_cast %eq3A_930 : vector<1x1x128xi1> to vector<1x1x128xi1>
    %broadcast_in_dim3A_950 = vector.broadcast %broadcast_in_dim3A_949 : vector<1x1x128xi1> to vector<32x16x128xi1>
    %select_n3A_951 = arith.select %broadcast_in_dim3A_950, %roll3A_946, %roll3A_948 : vector<32x16x128xi1>, vector<32x16x128xi32>
    %gt3A_952 = arith.cmpf ogt, %select_n3A_923, %select_n3A_944 : vector<32x16x128xf32>
    %eq3A_953 = arith.cmpf oeq, %select_n3A_923, %select_n3A_944 : vector<32x16x128xf32>
    %gt3A_954 = arith.cmpi sgt, %select_n3A_924, %select_n3A_951 : vector<32x16x128xi32>
    %and3A_955 = arith.andi %eq3A_953, %gt3A_954 : vector<32x16x128xi1>
    %or3A_956 = arith.ori %gt3A_952, %and3A_955 : vector<32x16x128xi1>
    %eq3A_957 = vector.broadcast %eq3A_937 : vector<1x16x128xi1> to vector<32x16x128xi1>
    %eq3A_958 = vector.broadcast %eq3A_957 : vector<32x16x128xi1> to vector<32x16x128xi1>
    %eq3A_959 = arith.xori %eq3A_958, %or3A_956 : vector<32x16x128xi1>
    %eq3A_960 = arith.constant dense<true> : vector<32x16x128xi1>
    %eq3A_961 = arith.xori %eq3A_959, %eq3A_960 : vector<32x16x128xi1>
    %select_n3A_962 = arith.select %eq3A_961, %select_n3A_923, %select_n3A_944 : vector<32x16x128xi1>, vector<32x16x128xf32>
    %select_n3A_963 = arith.select %eq3A_961, %select_n3A_924, %select_n3A_951 : vector<32x16x128xi1>, vector<32x16x128xi32>
    %and3A_964 = arith.constant 4 : i32
    %and3A_965 = vector.broadcast %and3A_964 : i32 to vector<1x1x128xi32>
    %and3A_966 = arith.andi %iota3A, %and3A_965 : vector<1x1x128xi32>
    %eq3A_967 = arith.constant 0 : i32
    %eq3A_968 = vector.broadcast %eq3A_967 : i32 to vector<1x1x128xi32>
    %eq3A_969 = arith.cmpi eq, %and3A_966, %eq3A_968 : vector<1x1x128xi32>
    %eq3A_970 = vector.broadcast %eq3A_807 : vector<1x16x1xi1> to vector<1x16x128xi1>
    %eq3A_971 = vector.broadcast %eq3A_969 : vector<1x1x128xi1> to vector<1x16x128xi1>
    %eq3A_972 = vector.broadcast %eq3A_970 : vector<1x16x128xi1> to vector<1x16x128xi1>
    %eq3A_973 = vector.broadcast %eq3A_971 : vector<1x16x128xi1> to vector<1x16x128xi1>
    %eq3A_974 = arith.xori %eq3A_972, %eq3A_973 : vector<1x16x128xi1>
    %eq3A_975 = arith.constant dense<true> : vector<1x16x128xi1>
    %eq3A_976 = arith.xori %eq3A_974, %eq3A_975 : vector<1x16x128xi1>
    %roll3A_977 = arith.constant 124 : i32
    %roll3A_978 = tpu.dynamic_rotate %select_n3A_962 by %roll3A_977 dim 2 : vector<32x16x128xf32>, i32 -> vector<32x16x128xf32>
    %roll3A_979 = arith.constant 4 : i32
    %roll3A_980 = tpu.dynamic_rotate %select_n3A_962 by %roll3A_979 dim 2 : vector<32x16x128xf32>, i32 -> vector<32x16x128xf32>
    %broadcast_in_dim3A_981 = vector.shape_cast %eq3A_969 : vector<1x1x128xi1> to vector<1x1x128xi1>
    %broadcast_in_dim3A_982 = vector.broadcast %broadcast_in_dim3A_981 : vector<1x1x128xi1> to vector<32x16x128xi1>
    %select_n3A_983 = arith.select %broadcast_in_dim3A_982, %roll3A_978, %roll3A_980 : vector<32x16x128xi1>, vector<32x16x128xf32>
    %roll3A_984 = arith.constant 124 : i32
    %roll3A_985 = tpu.dynamic_rotate %select_n3A_963 by %roll3A_984 dim 2 : vector<32x16x128xi32>, i32 -> vector<32x16x128xi32>
    %roll3A_986 = arith.constant 4 : i32
    %roll3A_987 = tpu.dynamic_rotate %select_n3A_963 by %roll3A_986 dim 2 : vector<32x16x128xi32>, i32 -> vector<32x16x128xi32>
    %broadcast_in_dim3A_988 = vector.shape_cast %eq3A_969 : vector<1x1x128xi1> to vector<1x1x128xi1>
    %broadcast_in_dim3A_989 = vector.broadcast %broadcast_in_dim3A_988 : vector<1x1x128xi1> to vector<32x16x128xi1>
    %select_n3A_990 = arith.select %broadcast_in_dim3A_989, %roll3A_985, %roll3A_987 : vector<32x16x128xi1>, vector<32x16x128xi32>
    %gt3A_991 = arith.cmpf ogt, %select_n3A_962, %select_n3A_983 : vector<32x16x128xf32>
    %eq3A_992 = arith.cmpf oeq, %select_n3A_962, %select_n3A_983 : vector<32x16x128xf32>
    %gt3A_993 = arith.cmpi sgt, %select_n3A_963, %select_n3A_990 : vector<32x16x128xi32>
    %and3A_994 = arith.andi %eq3A_992, %gt3A_993 : vector<32x16x128xi1>
    %or3A_995 = arith.ori %gt3A_991, %and3A_994 : vector<32x16x128xi1>
    %eq3A_996 = vector.broadcast %eq3A_976 : vector<1x16x128xi1> to vector<32x16x128xi1>
    %eq3A_997 = vector.broadcast %eq3A_996 : vector<32x16x128xi1> to vector<32x16x128xi1>
    %eq3A_998 = arith.xori %eq3A_997, %or3A_995 : vector<32x16x128xi1>
    %eq3A_999 = arith.constant dense<true> : vector<32x16x128xi1>
    %eq3A_1000 = arith.xori %eq3A_998, %eq3A_999 : vector<32x16x128xi1>
    %select_n3A_1001 = arith.select %eq3A_1000, %select_n3A_962, %select_n3A_983 : vector<32x16x128xi1>, vector<32x16x128xf32>
    %select_n3A_1002 = arith.select %eq3A_1000, %select_n3A_963, %select_n3A_990 : vector<32x16x128xi1>, vector<32x16x128xi32>
    %and3A_1003 = arith.constant 2 : i32
    %and3A_1004 = vector.broadcast %and3A_1003 : i32 to vector<1x1x128xi32>
    %and3A_1005 = arith.andi %iota3A, %and3A_1004 : vector<1x1x128xi32>
    %eq3A_1006 = arith.constant 0 : i32
    %eq3A_1007 = vector.broadcast %eq3A_1006 : i32 to vector<1x1x128xi32>
    %eq3A_1008 = arith.cmpi eq, %and3A_1005, %eq3A_1007 : vector<1x1x128xi32>
    %eq3A_1009 = vector.broadcast %eq3A_807 : vector<1x16x1xi1> to vector<1x16x128xi1>
    %eq3A_1010 = vector.broadcast %eq3A_1008 : vector<1x1x128xi1> to vector<1x16x128xi1>
    %eq3A_1011 = vector.broadcast %eq3A_1009 : vector<1x16x128xi1> to vector<1x16x128xi1>
    %eq3A_1012 = vector.broadcast %eq3A_1010 : vector<1x16x128xi1> to vector<1x16x128xi1>
    %eq3A_1013 = arith.xori %eq3A_1011, %eq3A_1012 : vector<1x16x128xi1>
    %eq3A_1014 = arith.constant dense<true> : vector<1x16x128xi1>
    %eq3A_1015 = arith.xori %eq3A_1013, %eq3A_1014 : vector<1x16x128xi1>
    %roll3A_1016 = arith.constant 126 : i32
    %roll3A_1017 = tpu.dynamic_rotate %select_n3A_1001 by %roll3A_1016 dim 2 : vector<32x16x128xf32>, i32 -> vector<32x16x128xf32>
    %roll3A_1018 = arith.constant 2 : i32
    %roll3A_1019 = tpu.dynamic_rotate %select_n3A_1001 by %roll3A_1018 dim 2 : vector<32x16x128xf32>, i32 -> vector<32x16x128xf32>
    %broadcast_in_dim3A_1020 = vector.shape_cast %eq3A_1008 : vector<1x1x128xi1> to vector<1x1x128xi1>
    %broadcast_in_dim3A_1021 = vector.broadcast %broadcast_in_dim3A_1020 : vector<1x1x128xi1> to vector<32x16x128xi1>
    %select_n3A_1022 = arith.select %broadcast_in_dim3A_1021, %roll3A_1017, %roll3A_1019 : vector<32x16x128xi1>, vector<32x16x128xf32>
    %roll3A_1023 = arith.constant 126 : i32
    %roll3A_1024 = tpu.dynamic_rotate %select_n3A_1002 by %roll3A_1023 dim 2 : vector<32x16x128xi32>, i32 -> vector<32x16x128xi32>
    %roll3A_1025 = arith.constant 2 : i32
    %roll3A_1026 = tpu.dynamic_rotate %select_n3A_1002 by %roll3A_1025 dim 2 : vector<32x16x128xi32>, i32 -> vector<32x16x128xi32>
    %broadcast_in_dim3A_1027 = vector.shape_cast %eq3A_1008 : vector<1x1x128xi1> to vector<1x1x128xi1>
    %broadcast_in_dim3A_1028 = vector.broadcast %broadcast_in_dim3A_1027 : vector<1x1x128xi1> to vector<32x16x128xi1>
    %select_n3A_1029 = arith.select %broadcast_in_dim3A_1028, %roll3A_1024, %roll3A_1026 : vector<32x16x128xi1>, vector<32x16x128xi32>
    %gt3A_1030 = arith.cmpf ogt, %select_n3A_1001, %select_n3A_1022 : vector<32x16x128xf32>
    %eq3A_1031 = arith.cmpf oeq, %select_n3A_1001, %select_n3A_1022 : vector<32x16x128xf32>
    %gt3A_1032 = arith.cmpi sgt, %select_n3A_1002, %select_n3A_1029 : vector<32x16x128xi32>
    %and3A_1033 = arith.andi %eq3A_1031, %gt3A_1032 : vector<32x16x128xi1>
    %or3A_1034 = arith.ori %gt3A_1030, %and3A_1033 : vector<32x16x128xi1>
    %eq3A_1035 = vector.broadcast %eq3A_1015 : vector<1x16x128xi1> to vector<32x16x128xi1>
    %eq3A_1036 = vector.broadcast %eq3A_1035 : vector<32x16x128xi1> to vector<32x16x128xi1>
    %eq3A_1037 = arith.xori %eq3A_1036, %or3A_1034 : vector<32x16x128xi1>
    %eq3A_1038 = arith.constant dense<true> : vector<32x16x128xi1>
    %eq3A_1039 = arith.xori %eq3A_1037, %eq3A_1038 : vector<32x16x128xi1>
    %select_n3A_1040 = arith.select %eq3A_1039, %select_n3A_1001, %select_n3A_1022 : vector<32x16x128xi1>, vector<32x16x128xf32>
    %select_n3A_1041 = arith.select %eq3A_1039, %select_n3A_1002, %select_n3A_1029 : vector<32x16x128xi1>, vector<32x16x128xi32>
    %and3A_1042 = arith.constant 1 : i32
    %and3A_1043 = vector.broadcast %and3A_1042 : i32 to vector<1x1x128xi32>
    %and3A_1044 = arith.andi %iota3A, %and3A_1043 : vector<1x1x128xi32>
    %eq3A_1045 = arith.constant 0 : i32
    %eq3A_1046 = vector.broadcast %eq3A_1045 : i32 to vector<1x1x128xi32>
    %eq3A_1047 = arith.cmpi eq, %and3A_1044, %eq3A_1046 : vector<1x1x128xi32>
    %eq3A_1048 = vector.broadcast %eq3A_807 : vector<1x16x1xi1> to vector<1x16x128xi1>
    %eq3A_1049 = vector.broadcast %eq3A_1047 : vector<1x1x128xi1> to vector<1x16x128xi1>
    %eq3A_1050 = vector.broadcast %eq3A_1048 : vector<1x16x128xi1> to vector<1x16x128xi1>
    %eq3A_1051 = vector.broadcast %eq3A_1049 : vector<1x16x128xi1> to vector<1x16x128xi1>
    %eq3A_1052 = arith.xori %eq3A_1050, %eq3A_1051 : vector<1x16x128xi1>
    %eq3A_1053 = arith.constant dense<true> : vector<1x16x128xi1>
    %eq3A_1054 = arith.xori %eq3A_1052, %eq3A_1053 : vector<1x16x128xi1>
    %roll3A_1055 = arith.constant 127 : i32
    %roll3A_1056 = tpu.dynamic_rotate %select_n3A_1040 by %roll3A_1055 dim 2 : vector<32x16x128xf32>, i32 -> vector<32x16x128xf32>
    %roll3A_1057 = arith.constant 1 : i32
    %roll3A_1058 = tpu.dynamic_rotate %select_n3A_1040 by %roll3A_1057 dim 2 : vector<32x16x128xf32>, i32 -> vector<32x16x128xf32>
    %broadcast_in_dim3A_1059 = vector.shape_cast %eq3A_1047 : vector<1x1x128xi1> to vector<1x1x128xi1>
    %broadcast_in_dim3A_1060 = vector.broadcast %broadcast_in_dim3A_1059 : vector<1x1x128xi1> to vector<32x16x128xi1>
    %select_n3A_1061 = arith.select %broadcast_in_dim3A_1060, %roll3A_1056, %roll3A_1058 : vector<32x16x128xi1>, vector<32x16x128xf32>
    %roll3A_1062 = arith.constant 127 : i32
    %roll3A_1063 = tpu.dynamic_rotate %select_n3A_1041 by %roll3A_1062 dim 2 : vector<32x16x128xi32>, i32 -> vector<32x16x128xi32>
    %roll3A_1064 = arith.constant 1 : i32
    %roll3A_1065 = tpu.dynamic_rotate %select_n3A_1041 by %roll3A_1064 dim 2 : vector<32x16x128xi32>, i32 -> vector<32x16x128xi32>
    %broadcast_in_dim3A_1066 = vector.shape_cast %eq3A_1047 : vector<1x1x128xi1> to vector<1x1x128xi1>
    %broadcast_in_dim3A_1067 = vector.broadcast %broadcast_in_dim3A_1066 : vector<1x1x128xi1> to vector<32x16x128xi1>
    %select_n3A_1068 = arith.select %broadcast_in_dim3A_1067, %roll3A_1063, %roll3A_1065 : vector<32x16x128xi1>, vector<32x16x128xi32>
    %gt3A_1069 = arith.cmpf ogt, %select_n3A_1040, %select_n3A_1061 : vector<32x16x128xf32>
    %eq3A_1070 = arith.cmpf oeq, %select_n3A_1040, %select_n3A_1061 : vector<32x16x128xf32>
    %gt3A_1071 = arith.cmpi sgt, %select_n3A_1041, %select_n3A_1068 : vector<32x16x128xi32>
    %and3A_1072 = arith.andi %eq3A_1070, %gt3A_1071 : vector<32x16x128xi1>
    %or3A_1073 = arith.ori %gt3A_1069, %and3A_1072 : vector<32x16x128xi1>
    %eq3A_1074 = vector.broadcast %eq3A_1054 : vector<1x16x128xi1> to vector<32x16x128xi1>
    %eq3A_1075 = vector.broadcast %eq3A_1074 : vector<32x16x128xi1> to vector<32x16x128xi1>
    %eq3A_1076 = arith.xori %eq3A_1075, %or3A_1073 : vector<32x16x128xi1>
    %eq3A_1077 = arith.constant dense<true> : vector<32x16x128xi1>
    %eq3A_1078 = arith.xori %eq3A_1076, %eq3A_1077 : vector<32x16x128xi1>
    %select_n3A_1079 = arith.select %eq3A_1078, %select_n3A_1040, %select_n3A_1061 : vector<32x16x128xi1>, vector<32x16x128xf32>
    %select_n3A_1080 = arith.select %eq3A_1078, %select_n3A_1041, %select_n3A_1068 : vector<32x16x128xi1>, vector<32x16x128xi32>
    %and3A_1081 = arith.constant 2 : i32
    %and3A_1082 = vector.broadcast %and3A_1081 : i32 to vector<1x16x1xi32>
    %and3A_1083 = arith.andi %iota3A_1, %and3A_1082 : vector<1x16x1xi32>
    %eq3A_1084 = arith.constant 0 : i32
    %eq3A_1085 = vector.broadcast %eq3A_1084 : i32 to vector<1x16x1xi32>
    %eq3A_1086 = arith.cmpi eq, %and3A_1083, %eq3A_1085 : vector<1x16x1xi32>
    %and3A_1087 = arith.constant 1 : i32
    %and3A_1088 = vector.broadcast %and3A_1087 : i32 to vector<1x16x1xi32>
    %and3A_1089 = arith.andi %iota3A_1, %and3A_1088 : vector<1x16x1xi32>
    %eq3A_1090 = arith.constant 0 : i32
    %eq3A_1091 = vector.broadcast %eq3A_1090 : i32 to vector<1x16x1xi32>
    %eq3A_1092 = arith.cmpi eq, %and3A_1089, %eq3A_1091 : vector<1x16x1xi32>
    %eq3A_1093 = arith.xori %eq3A_1086, %eq3A_1092 : vector<1x16x1xi1>
    %eq3A_1094 = arith.constant dense<true> : vector<1x16x1xi1>
    %eq3A_1095 = arith.xori %eq3A_1093, %eq3A_1094 : vector<1x16x1xi1>
    %roll3A_1096 = arith.constant 15 : i32
    %roll3A_1097 = tpu.dynamic_rotate %select_n3A_1079 by %roll3A_1096 dim 1 : vector<32x16x128xf32>, i32 -> vector<32x16x128xf32>
    %roll3A_1098 = arith.constant 1 : i32
    %roll3A_1099 = tpu.dynamic_rotate %select_n3A_1079 by %roll3A_1098 dim 1 : vector<32x16x128xf32>, i32 -> vector<32x16x128xf32>
    %broadcast_in_dim3A_1100 = vector.shape_cast %eq3A_1092 : vector<1x16x1xi1> to vector<1x16x1xi1>
    %broadcast_in_dim3A_1101 = vector.broadcast %broadcast_in_dim3A_1100 : vector<1x16x1xi1> to vector<32x16x128xi1>
    %select_n3A_1102 = arith.select %broadcast_in_dim3A_1101, %roll3A_1097, %roll3A_1099 : vector<32x16x128xi1>, vector<32x16x128xf32>
    %roll3A_1103 = arith.constant 15 : i32
    %roll3A_1104 = tpu.dynamic_rotate %select_n3A_1080 by %roll3A_1103 dim 1 : vector<32x16x128xi32>, i32 -> vector<32x16x128xi32>
    %roll3A_1105 = arith.constant 1 : i32
    %roll3A_1106 = tpu.dynamic_rotate %select_n3A_1080 by %roll3A_1105 dim 1 : vector<32x16x128xi32>, i32 -> vector<32x16x128xi32>
    %broadcast_in_dim3A_1107 = vector.shape_cast %eq3A_1092 : vector<1x16x1xi1> to vector<1x16x1xi1>
    %broadcast_in_dim3A_1108 = vector.broadcast %broadcast_in_dim3A_1107 : vector<1x16x1xi1> to vector<32x16x128xi1>
    %select_n3A_1109 = arith.select %broadcast_in_dim3A_1108, %roll3A_1104, %roll3A_1106 : vector<32x16x128xi1>, vector<32x16x128xi32>
    %gt3A_1110 = arith.cmpf ogt, %select_n3A_1079, %select_n3A_1102 : vector<32x16x128xf32>
    %eq3A_1111 = arith.cmpf oeq, %select_n3A_1079, %select_n3A_1102 : vector<32x16x128xf32>
    %gt3A_1112 = arith.cmpi sgt, %select_n3A_1080, %select_n3A_1109 : vector<32x16x128xi32>
    %and3A_1113 = arith.andi %eq3A_1111, %gt3A_1112 : vector<32x16x128xi1>
    %or3A_1114 = arith.ori %gt3A_1110, %and3A_1113 : vector<32x16x128xi1>
    %eq3A_1115 = vector.broadcast %eq3A_1095 : vector<1x16x1xi1> to vector<32x16x128xi1>
    %eq3A_1116 = vector.broadcast %eq3A_1115 : vector<32x16x128xi1> to vector<32x16x128xi1>
    %eq3A_1117 = arith.xori %eq3A_1116, %or3A_1114 : vector<32x16x128xi1>
    %eq3A_1118 = arith.constant dense<true> : vector<32x16x128xi1>
    %eq3A_1119 = arith.xori %eq3A_1117, %eq3A_1118 : vector<32x16x128xi1>
    %select_n3A_1120 = arith.select %eq3A_1119, %select_n3A_1079, %select_n3A_1102 : vector<32x16x128xi1>, vector<32x16x128xf32>
    %select_n3A_1121 = arith.select %eq3A_1119, %select_n3A_1080, %select_n3A_1109 : vector<32x16x128xi1>, vector<32x16x128xi32>
    %and3A_1122 = arith.constant 64 : i32
    %and3A_1123 = vector.broadcast %and3A_1122 : i32 to vector<1x1x128xi32>
    %and3A_1124 = arith.andi %iota3A, %and3A_1123 : vector<1x1x128xi32>
    %eq3A_1125 = arith.constant 0 : i32
    %eq3A_1126 = vector.broadcast %eq3A_1125 : i32 to vector<1x1x128xi32>
    %eq3A_1127 = arith.cmpi eq, %and3A_1124, %eq3A_1126 : vector<1x1x128xi32>
    %eq3A_1128 = vector.broadcast %eq3A_1086 : vector<1x16x1xi1> to vector<1x16x128xi1>
    %eq3A_1129 = vector.broadcast %eq3A_1127 : vector<1x1x128xi1> to vector<1x16x128xi1>
    %eq3A_1130 = vector.broadcast %eq3A_1128 : vector<1x16x128xi1> to vector<1x16x128xi1>
    %eq3A_1131 = vector.broadcast %eq3A_1129 : vector<1x16x128xi1> to vector<1x16x128xi1>
    %eq3A_1132 = arith.xori %eq3A_1130, %eq3A_1131 : vector<1x16x128xi1>
    %eq3A_1133 = arith.constant dense<true> : vector<1x16x128xi1>
    %eq3A_1134 = arith.xori %eq3A_1132, %eq3A_1133 : vector<1x16x128xi1>
    %roll3A_1135 = arith.constant 64 : i32
    %roll3A_1136 = tpu.dynamic_rotate %select_n3A_1120 by %roll3A_1135 dim 2 : vector<32x16x128xf32>, i32 -> vector<32x16x128xf32>
    %roll3A_1137 = arith.constant 64 : i32
    %roll3A_1138 = tpu.dynamic_rotate %select_n3A_1120 by %roll3A_1137 dim 2 : vector<32x16x128xf32>, i32 -> vector<32x16x128xf32>
    %broadcast_in_dim3A_1139 = vector.shape_cast %eq3A_1127 : vector<1x1x128xi1> to vector<1x1x128xi1>
    %broadcast_in_dim3A_1140 = vector.broadcast %broadcast_in_dim3A_1139 : vector<1x1x128xi1> to vector<32x16x128xi1>
    %select_n3A_1141 = arith.select %broadcast_in_dim3A_1140, %roll3A_1136, %roll3A_1138 : vector<32x16x128xi1>, vector<32x16x128xf32>
    %roll3A_1142 = arith.constant 64 : i32
    %roll3A_1143 = tpu.dynamic_rotate %select_n3A_1121 by %roll3A_1142 dim 2 : vector<32x16x128xi32>, i32 -> vector<32x16x128xi32>
    %roll3A_1144 = arith.constant 64 : i32
    %roll3A_1145 = tpu.dynamic_rotate %select_n3A_1121 by %roll3A_1144 dim 2 : vector<32x16x128xi32>, i32 -> vector<32x16x128xi32>
    %broadcast_in_dim3A_1146 = vector.shape_cast %eq3A_1127 : vector<1x1x128xi1> to vector<1x1x128xi1>
    %broadcast_in_dim3A_1147 = vector.broadcast %broadcast_in_dim3A_1146 : vector<1x1x128xi1> to vector<32x16x128xi1>
    %select_n3A_1148 = arith.select %broadcast_in_dim3A_1147, %roll3A_1143, %roll3A_1145 : vector<32x16x128xi1>, vector<32x16x128xi32>
    %gt3A_1149 = arith.cmpf ogt, %select_n3A_1120, %select_n3A_1141 : vector<32x16x128xf32>
    %eq3A_1150 = arith.cmpf oeq, %select_n3A_1120, %select_n3A_1141 : vector<32x16x128xf32>
    %gt3A_1151 = arith.cmpi sgt, %select_n3A_1121, %select_n3A_1148 : vector<32x16x128xi32>
    %and3A_1152 = arith.andi %eq3A_1150, %gt3A_1151 : vector<32x16x128xi1>
    %or3A_1153 = arith.ori %gt3A_1149, %and3A_1152 : vector<32x16x128xi1>
    %eq3A_1154 = vector.broadcast %eq3A_1134 : vector<1x16x128xi1> to vector<32x16x128xi1>
    %eq3A_1155 = vector.broadcast %eq3A_1154 : vector<32x16x128xi1> to vector<32x16x128xi1>
    %eq3A_1156 = arith.xori %eq3A_1155, %or3A_1153 : vector<32x16x128xi1>
    %eq3A_1157 = arith.constant dense<true> : vector<32x16x128xi1>
    %eq3A_1158 = arith.xori %eq3A_1156, %eq3A_1157 : vector<32x16x128xi1>
    %select_n3A_1159 = arith.select %eq3A_1158, %select_n3A_1120, %select_n3A_1141 : vector<32x16x128xi1>, vector<32x16x128xf32>
    %select_n3A_1160 = arith.select %eq3A_1158, %select_n3A_1121, %select_n3A_1148 : vector<32x16x128xi1>, vector<32x16x128xi32>
    %and3A_1161 = arith.constant 32 : i32
    %and3A_1162 = vector.broadcast %and3A_1161 : i32 to vector<1x1x128xi32>
    %and3A_1163 = arith.andi %iota3A, %and3A_1162 : vector<1x1x128xi32>
    %eq3A_1164 = arith.constant 0 : i32
    %eq3A_1165 = vector.broadcast %eq3A_1164 : i32 to vector<1x1x128xi32>
    %eq3A_1166 = arith.cmpi eq, %and3A_1163, %eq3A_1165 : vector<1x1x128xi32>
    %eq3A_1167 = vector.broadcast %eq3A_1086 : vector<1x16x1xi1> to vector<1x16x128xi1>
    %eq3A_1168 = vector.broadcast %eq3A_1166 : vector<1x1x128xi1> to vector<1x16x128xi1>
    %eq3A_1169 = vector.broadcast %eq3A_1167 : vector<1x16x128xi1> to vector<1x16x128xi1>
    %eq3A_1170 = vector.broadcast %eq3A_1168 : vector<1x16x128xi1> to vector<1x16x128xi1>
    %eq3A_1171 = arith.xori %eq3A_1169, %eq3A_1170 : vector<1x16x128xi1>
    %eq3A_1172 = arith.constant dense<true> : vector<1x16x128xi1>
    %eq3A_1173 = arith.xori %eq3A_1171, %eq3A_1172 : vector<1x16x128xi1>
    %roll3A_1174 = arith.constant 96 : i32
    %roll3A_1175 = tpu.dynamic_rotate %select_n3A_1159 by %roll3A_1174 dim 2 : vector<32x16x128xf32>, i32 -> vector<32x16x128xf32>
    %roll3A_1176 = arith.constant 32 : i32
    %roll3A_1177 = tpu.dynamic_rotate %select_n3A_1159 by %roll3A_1176 dim 2 : vector<32x16x128xf32>, i32 -> vector<32x16x128xf32>
    %broadcast_in_dim3A_1178 = vector.shape_cast %eq3A_1166 : vector<1x1x128xi1> to vector<1x1x128xi1>
    %broadcast_in_dim3A_1179 = vector.broadcast %broadcast_in_dim3A_1178 : vector<1x1x128xi1> to vector<32x16x128xi1>
    %select_n3A_1180 = arith.select %broadcast_in_dim3A_1179, %roll3A_1175, %roll3A_1177 : vector<32x16x128xi1>, vector<32x16x128xf32>
    %roll3A_1181 = arith.constant 96 : i32
    %roll3A_1182 = tpu.dynamic_rotate %select_n3A_1160 by %roll3A_1181 dim 2 : vector<32x16x128xi32>, i32 -> vector<32x16x128xi32>
    %roll3A_1183 = arith.constant 32 : i32
    %roll3A_1184 = tpu.dynamic_rotate %select_n3A_1160 by %roll3A_1183 dim 2 : vector<32x16x128xi32>, i32 -> vector<32x16x128xi32>
    %broadcast_in_dim3A_1185 = vector.shape_cast %eq3A_1166 : vector<1x1x128xi1> to vector<1x1x128xi1>
    %broadcast_in_dim3A_1186 = vector.broadcast %broadcast_in_dim3A_1185 : vector<1x1x128xi1> to vector<32x16x128xi1>
    %select_n3A_1187 = arith.select %broadcast_in_dim3A_1186, %roll3A_1182, %roll3A_1184 : vector<32x16x128xi1>, vector<32x16x128xi32>
    %gt3A_1188 = arith.cmpf ogt, %select_n3A_1159, %select_n3A_1180 : vector<32x16x128xf32>
    %eq3A_1189 = arith.cmpf oeq, %select_n3A_1159, %select_n3A_1180 : vector<32x16x128xf32>
    %gt3A_1190 = arith.cmpi sgt, %select_n3A_1160, %select_n3A_1187 : vector<32x16x128xi32>
    %and3A_1191 = arith.andi %eq3A_1189, %gt3A_1190 : vector<32x16x128xi1>
    %or3A_1192 = arith.ori %gt3A_1188, %and3A_1191 : vector<32x16x128xi1>
    %eq3A_1193 = vector.broadcast %eq3A_1173 : vector<1x16x128xi1> to vector<32x16x128xi1>
    %eq3A_1194 = vector.broadcast %eq3A_1193 : vector<32x16x128xi1> to vector<32x16x128xi1>
    %eq3A_1195 = arith.xori %eq3A_1194, %or3A_1192 : vector<32x16x128xi1>
    %eq3A_1196 = arith.constant dense<true> : vector<32x16x128xi1>
    %eq3A_1197 = arith.xori %eq3A_1195, %eq3A_1196 : vector<32x16x128xi1>
    %select_n3A_1198 = arith.select %eq3A_1197, %select_n3A_1159, %select_n3A_1180 : vector<32x16x128xi1>, vector<32x16x128xf32>
    %select_n3A_1199 = arith.select %eq3A_1197, %select_n3A_1160, %select_n3A_1187 : vector<32x16x128xi1>, vector<32x16x128xi32>
    %and3A_1200 = arith.constant 16 : i32
    %and3A_1201 = vector.broadcast %and3A_1200 : i32 to vector<1x1x128xi32>
    %and3A_1202 = arith.andi %iota3A, %and3A_1201 : vector<1x1x128xi32>
    %eq3A_1203 = arith.constant 0 : i32
    %eq3A_1204 = vector.broadcast %eq3A_1203 : i32 to vector<1x1x128xi32>
    %eq3A_1205 = arith.cmpi eq, %and3A_1202, %eq3A_1204 : vector<1x1x128xi32>
    %eq3A_1206 = vector.broadcast %eq3A_1086 : vector<1x16x1xi1> to vector<1x16x128xi1>
    %eq3A_1207 = vector.broadcast %eq3A_1205 : vector<1x1x128xi1> to vector<1x16x128xi1>
    %eq3A_1208 = vector.broadcast %eq3A_1206 : vector<1x16x128xi1> to vector<1x16x128xi1>
    %eq3A_1209 = vector.broadcast %eq3A_1207 : vector<1x16x128xi1> to vector<1x16x128xi1>
    %eq3A_1210 = arith.xori %eq3A_1208, %eq3A_1209 : vector<1x16x128xi1>
    %eq3A_1211 = arith.constant dense<true> : vector<1x16x128xi1>
    %eq3A_1212 = arith.xori %eq3A_1210, %eq3A_1211 : vector<1x16x128xi1>
    %roll3A_1213 = arith.constant 112 : i32
    %roll3A_1214 = tpu.dynamic_rotate %select_n3A_1198 by %roll3A_1213 dim 2 : vector<32x16x128xf32>, i32 -> vector<32x16x128xf32>
    %roll3A_1215 = arith.constant 16 : i32
    %roll3A_1216 = tpu.dynamic_rotate %select_n3A_1198 by %roll3A_1215 dim 2 : vector<32x16x128xf32>, i32 -> vector<32x16x128xf32>
    %broadcast_in_dim3A_1217 = vector.shape_cast %eq3A_1205 : vector<1x1x128xi1> to vector<1x1x128xi1>
    %broadcast_in_dim3A_1218 = vector.broadcast %broadcast_in_dim3A_1217 : vector<1x1x128xi1> to vector<32x16x128xi1>
    %select_n3A_1219 = arith.select %broadcast_in_dim3A_1218, %roll3A_1214, %roll3A_1216 : vector<32x16x128xi1>, vector<32x16x128xf32>
    %roll3A_1220 = arith.constant 112 : i32
    %roll3A_1221 = tpu.dynamic_rotate %select_n3A_1199 by %roll3A_1220 dim 2 : vector<32x16x128xi32>, i32 -> vector<32x16x128xi32>
    %roll3A_1222 = arith.constant 16 : i32
    %roll3A_1223 = tpu.dynamic_rotate %select_n3A_1199 by %roll3A_1222 dim 2 : vector<32x16x128xi32>, i32 -> vector<32x16x128xi32>
    %broadcast_in_dim3A_1224 = vector.shape_cast %eq3A_1205 : vector<1x1x128xi1> to vector<1x1x128xi1>
    %broadcast_in_dim3A_1225 = vector.broadcast %broadcast_in_dim3A_1224 : vector<1x1x128xi1> to vector<32x16x128xi1>
    %select_n3A_1226 = arith.select %broadcast_in_dim3A_1225, %roll3A_1221, %roll3A_1223 : vector<32x16x128xi1>, vector<32x16x128xi32>
    %gt3A_1227 = arith.cmpf ogt, %select_n3A_1198, %select_n3A_1219 : vector<32x16x128xf32>
    %eq3A_1228 = arith.cmpf oeq, %select_n3A_1198, %select_n3A_1219 : vector<32x16x128xf32>
    %gt3A_1229 = arith.cmpi sgt, %select_n3A_1199, %select_n3A_1226 : vector<32x16x128xi32>
    %and3A_1230 = arith.andi %eq3A_1228, %gt3A_1229 : vector<32x16x128xi1>
    %or3A_1231 = arith.ori %gt3A_1227, %and3A_1230 : vector<32x16x128xi1>
    %eq3A_1232 = vector.broadcast %eq3A_1212 : vector<1x16x128xi1> to vector<32x16x128xi1>
    %eq3A_1233 = vector.broadcast %eq3A_1232 : vector<32x16x128xi1> to vector<32x16x128xi1>
    %eq3A_1234 = arith.xori %eq3A_1233, %or3A_1231 : vector<32x16x128xi1>
    %eq3A_1235 = arith.constant dense<true> : vector<32x16x128xi1>
    %eq3A_1236 = arith.xori %eq3A_1234, %eq3A_1235 : vector<32x16x128xi1>
    %select_n3A_1237 = arith.select %eq3A_1236, %select_n3A_1198, %select_n3A_1219 : vector<32x16x128xi1>, vector<32x16x128xf32>
    %select_n3A_1238 = arith.select %eq3A_1236, %select_n3A_1199, %select_n3A_1226 : vector<32x16x128xi1>, vector<32x16x128xi32>
    %and3A_1239 = arith.constant 8 : i32
    %and3A_1240 = vector.broadcast %and3A_1239 : i32 to vector<1x1x128xi32>
    %and3A_1241 = arith.andi %iota3A, %and3A_1240 : vector<1x1x128xi32>
    %eq3A_1242 = arith.constant 0 : i32
    %eq3A_1243 = vector.broadcast %eq3A_1242 : i32 to vector<1x1x128xi32>
    %eq3A_1244 = arith.cmpi eq, %and3A_1241, %eq3A_1243 : vector<1x1x128xi32>
    %eq3A_1245 = vector.broadcast %eq3A_1086 : vector<1x16x1xi1> to vector<1x16x128xi1>
    %eq3A_1246 = vector.broadcast %eq3A_1244 : vector<1x1x128xi1> to vector<1x16x128xi1>
    %eq3A_1247 = vector.broadcast %eq3A_1245 : vector<1x16x128xi1> to vector<1x16x128xi1>
    %eq3A_1248 = vector.broadcast %eq3A_1246 : vector<1x16x128xi1> to vector<1x16x128xi1>
    %eq3A_1249 = arith.xori %eq3A_1247, %eq3A_1248 : vector<1x16x128xi1>
    %eq3A_1250 = arith.constant dense<true> : vector<1x16x128xi1>
    %eq3A_1251 = arith.xori %eq3A_1249, %eq3A_1250 : vector<1x16x128xi1>
    %roll3A_1252 = arith.constant 120 : i32
    %roll3A_1253 = tpu.dynamic_rotate %select_n3A_1237 by %roll3A_1252 dim 2 : vector<32x16x128xf32>, i32 -> vector<32x16x128xf32>
    %roll3A_1254 = arith.constant 8 : i32
    %roll3A_1255 = tpu.dynamic_rotate %select_n3A_1237 by %roll3A_1254 dim 2 : vector<32x16x128xf32>, i32 -> vector<32x16x128xf32>
    %broadcast_in_dim3A_1256 = vector.shape_cast %eq3A_1244 : vector<1x1x128xi1> to vector<1x1x128xi1>
    %broadcast_in_dim3A_1257 = vector.broadcast %broadcast_in_dim3A_1256 : vector<1x1x128xi1> to vector<32x16x128xi1>
    %select_n3A_1258 = arith.select %broadcast_in_dim3A_1257, %roll3A_1253, %roll3A_1255 : vector<32x16x128xi1>, vector<32x16x128xf32>
    %roll3A_1259 = arith.constant 120 : i32
    %roll3A_1260 = tpu.dynamic_rotate %select_n3A_1238 by %roll3A_1259 dim 2 : vector<32x16x128xi32>, i32 -> vector<32x16x128xi32>
    %roll3A_1261 = arith.constant 8 : i32
    %roll3A_1262 = tpu.dynamic_rotate %select_n3A_1238 by %roll3A_1261 dim 2 : vector<32x16x128xi32>, i32 -> vector<32x16x128xi32>
    %broadcast_in_dim3A_1263 = vector.shape_cast %eq3A_1244 : vector<1x1x128xi1> to vector<1x1x128xi1>
    %broadcast_in_dim3A_1264 = vector.broadcast %broadcast_in_dim3A_1263 : vector<1x1x128xi1> to vector<32x16x128xi1>
    %select_n3A_1265 = arith.select %broadcast_in_dim3A_1264, %roll3A_1260, %roll3A_1262 : vector<32x16x128xi1>, vector<32x16x128xi32>
    %gt3A_1266 = arith.cmpf ogt, %select_n3A_1237, %select_n3A_1258 : vector<32x16x128xf32>
    %eq3A_1267 = arith.cmpf oeq, %select_n3A_1237, %select_n3A_1258 : vector<32x16x128xf32>
    %gt3A_1268 = arith.cmpi sgt, %select_n3A_1238, %select_n3A_1265 : vector<32x16x128xi32>
    %and3A_1269 = arith.andi %eq3A_1267, %gt3A_1268 : vector<32x16x128xi1>
    %or3A_1270 = arith.ori %gt3A_1266, %and3A_1269 : vector<32x16x128xi1>
    %eq3A_1271 = vector.broadcast %eq3A_1251 : vector<1x16x128xi1> to vector<32x16x128xi1>
    %eq3A_1272 = vector.broadcast %eq3A_1271 : vector<32x16x128xi1> to vector<32x16x128xi1>
    %eq3A_1273 = arith.xori %eq3A_1272, %or3A_1270 : vector<32x16x128xi1>
    %eq3A_1274 = arith.constant dense<true> : vector<32x16x128xi1>
    %eq3A_1275 = arith.xori %eq3A_1273, %eq3A_1274 : vector<32x16x128xi1>
    %select_n3A_1276 = arith.select %eq3A_1275, %select_n3A_1237, %select_n3A_1258 : vector<32x16x128xi1>, vector<32x16x128xf32>
    %select_n3A_1277 = arith.select %eq3A_1275, %select_n3A_1238, %select_n3A_1265 : vector<32x16x128xi1>, vector<32x16x128xi32>
    %and3A_1278 = arith.constant 4 : i32
    %and3A_1279 = vector.broadcast %and3A_1278 : i32 to vector<1x1x128xi32>
    %and3A_1280 = arith.andi %iota3A, %and3A_1279 : vector<1x1x128xi32>
    %eq3A_1281 = arith.constant 0 : i32
    %eq3A_1282 = vector.broadcast %eq3A_1281 : i32 to vector<1x1x128xi32>
    %eq3A_1283 = arith.cmpi eq, %and3A_1280, %eq3A_1282 : vector<1x1x128xi32>
    %eq3A_1284 = vector.broadcast %eq3A_1086 : vector<1x16x1xi1> to vector<1x16x128xi1>
    %eq3A_1285 = vector.broadcast %eq3A_1283 : vector<1x1x128xi1> to vector<1x16x128xi1>
    %eq3A_1286 = vector.broadcast %eq3A_1284 : vector<1x16x128xi1> to vector<1x16x128xi1>
    %eq3A_1287 = vector.broadcast %eq3A_1285 : vector<1x16x128xi1> to vector<1x16x128xi1>
    %eq3A_1288 = arith.xori %eq3A_1286, %eq3A_1287 : vector<1x16x128xi1>
    %eq3A_1289 = arith.constant dense<true> : vector<1x16x128xi1>
    %eq3A_1290 = arith.xori %eq3A_1288, %eq3A_1289 : vector<1x16x128xi1>
    %roll3A_1291 = arith.constant 124 : i32
    %roll3A_1292 = tpu.dynamic_rotate %select_n3A_1276 by %roll3A_1291 dim 2 : vector<32x16x128xf32>, i32 -> vector<32x16x128xf32>
    %roll3A_1293 = arith.constant 4 : i32
    %roll3A_1294 = tpu.dynamic_rotate %select_n3A_1276 by %roll3A_1293 dim 2 : vector<32x16x128xf32>, i32 -> vector<32x16x128xf32>
    %broadcast_in_dim3A_1295 = vector.shape_cast %eq3A_1283 : vector<1x1x128xi1> to vector<1x1x128xi1>
    %broadcast_in_dim3A_1296 = vector.broadcast %broadcast_in_dim3A_1295 : vector<1x1x128xi1> to vector<32x16x128xi1>
    %select_n3A_1297 = arith.select %broadcast_in_dim3A_1296, %roll3A_1292, %roll3A_1294 : vector<32x16x128xi1>, vector<32x16x128xf32>
    %roll3A_1298 = arith.constant 124 : i32
    %roll3A_1299 = tpu.dynamic_rotate %select_n3A_1277 by %roll3A_1298 dim 2 : vector<32x16x128xi32>, i32 -> vector<32x16x128xi32>
    %roll3A_1300 = arith.constant 4 : i32
    %roll3A_1301 = tpu.dynamic_rotate %select_n3A_1277 by %roll3A_1300 dim 2 : vector<32x16x128xi32>, i32 -> vector<32x16x128xi32>
    %broadcast_in_dim3A_1302 = vector.shape_cast %eq3A_1283 : vector<1x1x128xi1> to vector<1x1x128xi1>
    %broadcast_in_dim3A_1303 = vector.broadcast %broadcast_in_dim3A_1302 : vector<1x1x128xi1> to vector<32x16x128xi1>
    %select_n3A_1304 = arith.select %broadcast_in_dim3A_1303, %roll3A_1299, %roll3A_1301 : vector<32x16x128xi1>, vector<32x16x128xi32>
    %gt3A_1305 = arith.cmpf ogt, %select_n3A_1276, %select_n3A_1297 : vector<32x16x128xf32>
    %eq3A_1306 = arith.cmpf oeq, %select_n3A_1276, %select_n3A_1297 : vector<32x16x128xf32>
    %gt3A_1307 = arith.cmpi sgt, %select_n3A_1277, %select_n3A_1304 : vector<32x16x128xi32>
    %and3A_1308 = arith.andi %eq3A_1306, %gt3A_1307 : vector<32x16x128xi1>
    %or3A_1309 = arith.ori %gt3A_1305, %and3A_1308 : vector<32x16x128xi1>
    %eq3A_1310 = vector.broadcast %eq3A_1290 : vector<1x16x128xi1> to vector<32x16x128xi1>
    %eq3A_1311 = vector.broadcast %eq3A_1310 : vector<32x16x128xi1> to vector<32x16x128xi1>
    %eq3A_1312 = arith.xori %eq3A_1311, %or3A_1309 : vector<32x16x128xi1>
    %eq3A_1313 = arith.constant dense<true> : vector<32x16x128xi1>
    %eq3A_1314 = arith.xori %eq3A_1312, %eq3A_1313 : vector<32x16x128xi1>
    %select_n3A_1315 = arith.select %eq3A_1314, %select_n3A_1276, %select_n3A_1297 : vector<32x16x128xi1>, vector<32x16x128xf32>
    %select_n3A_1316 = arith.select %eq3A_1314, %select_n3A_1277, %select_n3A_1304 : vector<32x16x128xi1>, vector<32x16x128xi32>
    %and3A_1317 = arith.constant 2 : i32
    %and3A_1318 = vector.broadcast %and3A_1317 : i32 to vector<1x1x128xi32>
    %and3A_1319 = arith.andi %iota3A, %and3A_1318 : vector<1x1x128xi32>
    %eq3A_1320 = arith.constant 0 : i32
    %eq3A_1321 = vector.broadcast %eq3A_1320 : i32 to vector<1x1x128xi32>
    %eq3A_1322 = arith.cmpi eq, %and3A_1319, %eq3A_1321 : vector<1x1x128xi32>
    %eq3A_1323 = vector.broadcast %eq3A_1086 : vector<1x16x1xi1> to vector<1x16x128xi1>
    %eq3A_1324 = vector.broadcast %eq3A_1322 : vector<1x1x128xi1> to vector<1x16x128xi1>
    %eq3A_1325 = vector.broadcast %eq3A_1323 : vector<1x16x128xi1> to vector<1x16x128xi1>
    %eq3A_1326 = vector.broadcast %eq3A_1324 : vector<1x16x128xi1> to vector<1x16x128xi1>
    %eq3A_1327 = arith.xori %eq3A_1325, %eq3A_1326 : vector<1x16x128xi1>
    %eq3A_1328 = arith.constant dense<true> : vector<1x16x128xi1>
    %eq3A_1329 = arith.xori %eq3A_1327, %eq3A_1328 : vector<1x16x128xi1>
    %roll3A_1330 = arith.constant 126 : i32
    %roll3A_1331 = tpu.dynamic_rotate %select_n3A_1315 by %roll3A_1330 dim 2 : vector<32x16x128xf32>, i32 -> vector<32x16x128xf32>
    %roll3A_1332 = arith.constant 2 : i32
    %roll3A_1333 = tpu.dynamic_rotate %select_n3A_1315 by %roll3A_1332 dim 2 : vector<32x16x128xf32>, i32 -> vector<32x16x128xf32>
    %broadcast_in_dim3A_1334 = vector.shape_cast %eq3A_1322 : vector<1x1x128xi1> to vector<1x1x128xi1>
    %broadcast_in_dim3A_1335 = vector.broadcast %broadcast_in_dim3A_1334 : vector<1x1x128xi1> to vector<32x16x128xi1>
    %select_n3A_1336 = arith.select %broadcast_in_dim3A_1335, %roll3A_1331, %roll3A_1333 : vector<32x16x128xi1>, vector<32x16x128xf32>
    %roll3A_1337 = arith.constant 126 : i32
    %roll3A_1338 = tpu.dynamic_rotate %select_n3A_1316 by %roll3A_1337 dim 2 : vector<32x16x128xi32>, i32 -> vector<32x16x128xi32>
    %roll3A_1339 = arith.constant 2 : i32
    %roll3A_1340 = tpu.dynamic_rotate %select_n3A_1316 by %roll3A_1339 dim 2 : vector<32x16x128xi32>, i32 -> vector<32x16x128xi32>
    %broadcast_in_dim3A_1341 = vector.shape_cast %eq3A_1322 : vector<1x1x128xi1> to vector<1x1x128xi1>
    %broadcast_in_dim3A_1342 = vector.broadcast %broadcast_in_dim3A_1341 : vector<1x1x128xi1> to vector<32x16x128xi1>
    %select_n3A_1343 = arith.select %broadcast_in_dim3A_1342, %roll3A_1338, %roll3A_1340 : vector<32x16x128xi1>, vector<32x16x128xi32>
    %gt3A_1344 = arith.cmpf ogt, %select_n3A_1315, %select_n3A_1336 : vector<32x16x128xf32>
    %eq3A_1345 = arith.cmpf oeq, %select_n3A_1315, %select_n3A_1336 : vector<32x16x128xf32>
    %gt3A_1346 = arith.cmpi sgt, %select_n3A_1316, %select_n3A_1343 : vector<32x16x128xi32>
    %and3A_1347 = arith.andi %eq3A_1345, %gt3A_1346 : vector<32x16x128xi1>
    %or3A_1348 = arith.ori %gt3A_1344, %and3A_1347 : vector<32x16x128xi1>
    %eq3A_1349 = vector.broadcast %eq3A_1329 : vector<1x16x128xi1> to vector<32x16x128xi1>
    %eq3A_1350 = vector.broadcast %eq3A_1349 : vector<32x16x128xi1> to vector<32x16x128xi1>
    %eq3A_1351 = arith.xori %eq3A_1350, %or3A_1348 : vector<32x16x128xi1>
    %eq3A_1352 = arith.constant dense<true> : vector<32x16x128xi1>
    %eq3A_1353 = arith.xori %eq3A_1351, %eq3A_1352 : vector<32x16x128xi1>
    %select_n3A_1354 = arith.select %eq3A_1353, %select_n3A_1315, %select_n3A_1336 : vector<32x16x128xi1>, vector<32x16x128xf32>
    %select_n3A_1355 = arith.select %eq3A_1353, %select_n3A_1316, %select_n3A_1343 : vector<32x16x128xi1>, vector<32x16x128xi32>
    %and3A_1356 = arith.constant 1 : i32
    %and3A_1357 = vector.broadcast %and3A_1356 : i32 to vector<1x1x128xi32>
    %and3A_1358 = arith.andi %iota3A, %and3A_1357 : vector<1x1x128xi32>
    %eq3A_1359 = arith.constant 0 : i32
    %eq3A_1360 = vector.broadcast %eq3A_1359 : i32 to vector<1x1x128xi32>
    %eq3A_1361 = arith.cmpi eq, %and3A_1358, %eq3A_1360 : vector<1x1x128xi32>
    %eq3A_1362 = vector.broadcast %eq3A_1086 : vector<1x16x1xi1> to vector<1x16x128xi1>
    %eq3A_1363 = vector.broadcast %eq3A_1361 : vector<1x1x128xi1> to vector<1x16x128xi1>
    %eq3A_1364 = vector.broadcast %eq3A_1362 : vector<1x16x128xi1> to vector<1x16x128xi1>
    %eq3A_1365 = vector.broadcast %eq3A_1363 : vector<1x16x128xi1> to vector<1x16x128xi1>
    %eq3A_1366 = arith.xori %eq3A_1364, %eq3A_1365 : vector<1x16x128xi1>
    %eq3A_1367 = arith.constant dense<true> : vector<1x16x128xi1>
    %eq3A_1368 = arith.xori %eq3A_1366, %eq3A_1367 : vector<1x16x128xi1>
    %roll3A_1369 = arith.constant 127 : i32
    %roll3A_1370 = tpu.dynamic_rotate %select_n3A_1354 by %roll3A_1369 dim 2 : vector<32x16x128xf32>, i32 -> vector<32x16x128xf32>
    %roll3A_1371 = arith.constant 1 : i32
    %roll3A_1372 = tpu.dynamic_rotate %select_n3A_1354 by %roll3A_1371 dim 2 : vector<32x16x128xf32>, i32 -> vector<32x16x128xf32>
    %broadcast_in_dim3A_1373 = vector.shape_cast %eq3A_1361 : vector<1x1x128xi1> to vector<1x1x128xi1>
    %broadcast_in_dim3A_1374 = vector.broadcast %broadcast_in_dim3A_1373 : vector<1x1x128xi1> to vector<32x16x128xi1>
    %select_n3A_1375 = arith.select %broadcast_in_dim3A_1374, %roll3A_1370, %roll3A_1372 : vector<32x16x128xi1>, vector<32x16x128xf32>
    %roll3A_1376 = arith.constant 127 : i32
    %roll3A_1377 = tpu.dynamic_rotate %select_n3A_1355 by %roll3A_1376 dim 2 : vector<32x16x128xi32>, i32 -> vector<32x16x128xi32>
    %roll3A_1378 = arith.constant 1 : i32
    %roll3A_1379 = tpu.dynamic_rotate %select_n3A_1355 by %roll3A_1378 dim 2 : vector<32x16x128xi32>, i32 -> vector<32x16x128xi32>
    %broadcast_in_dim3A_1380 = vector.shape_cast %eq3A_1361 : vector<1x1x128xi1> to vector<1x1x128xi1>
    %broadcast_in_dim3A_1381 = vector.broadcast %broadcast_in_dim3A_1380 : vector<1x1x128xi1> to vector<32x16x128xi1>
    %select_n3A_1382 = arith.select %broadcast_in_dim3A_1381, %roll3A_1377, %roll3A_1379 : vector<32x16x128xi1>, vector<32x16x128xi32>
    %gt3A_1383 = arith.cmpf ogt, %select_n3A_1354, %select_n3A_1375 : vector<32x16x128xf32>
    %eq3A_1384 = arith.cmpf oeq, %select_n3A_1354, %select_n3A_1375 : vector<32x16x128xf32>
    %gt3A_1385 = arith.cmpi sgt, %select_n3A_1355, %select_n3A_1382 : vector<32x16x128xi32>
    %and3A_1386 = arith.andi %eq3A_1384, %gt3A_1385 : vector<32x16x128xi1>
    %or3A_1387 = arith.ori %gt3A_1383, %and3A_1386 : vector<32x16x128xi1>
    %eq3A_1388 = vector.broadcast %eq3A_1368 : vector<1x16x128xi1> to vector<32x16x128xi1>
    %eq3A_1389 = vector.broadcast %eq3A_1388 : vector<32x16x128xi1> to vector<32x16x128xi1>
    %eq3A_1390 = arith.xori %eq3A_1389, %or3A_1387 : vector<32x16x128xi1>
    %eq3A_1391 = arith.constant dense<true> : vector<32x16x128xi1>
    %eq3A_1392 = arith.xori %eq3A_1390, %eq3A_1391 : vector<32x16x128xi1>
    %select_n3A_1393 = arith.select %eq3A_1392, %select_n3A_1354, %select_n3A_1375 : vector<32x16x128xi1>, vector<32x16x128xf32>
    %select_n3A_1394 = arith.select %eq3A_1392, %select_n3A_1355, %select_n3A_1382 : vector<32x16x128xi1>, vector<32x16x128xi32>
    %and3A_1395 = arith.constant 4 : i32
    %and3A_1396 = vector.broadcast %and3A_1395 : i32 to vector<1x16x1xi32>
    %and3A_1397 = arith.andi %iota3A_1, %and3A_1396 : vector<1x16x1xi32>
    %eq3A_1398 = arith.constant 0 : i32
    %eq3A_1399 = vector.broadcast %eq3A_1398 : i32 to vector<1x16x1xi32>
    %eq3A_1400 = arith.cmpi eq, %and3A_1397, %eq3A_1399 : vector<1x16x1xi32>
    %and3A_1401 = arith.constant 2 : i32
    %and3A_1402 = vector.broadcast %and3A_1401 : i32 to vector<1x16x1xi32>
    %and3A_1403 = arith.andi %iota3A_1, %and3A_1402 : vector<1x16x1xi32>
    %eq3A_1404 = arith.constant 0 : i32
    %eq3A_1405 = vector.broadcast %eq3A_1404 : i32 to vector<1x16x1xi32>
    %eq3A_1406 = arith.cmpi eq, %and3A_1403, %eq3A_1405 : vector<1x16x1xi32>
    %eq3A_1407 = arith.xori %eq3A_1400, %eq3A_1406 : vector<1x16x1xi1>
    %eq3A_1408 = arith.constant dense<true> : vector<1x16x1xi1>
    %eq3A_1409 = arith.xori %eq3A_1407, %eq3A_1408 : vector<1x16x1xi1>
    %roll3A_1410 = arith.constant 14 : i32
    %roll3A_1411 = tpu.dynamic_rotate %select_n3A_1393 by %roll3A_1410 dim 1 : vector<32x16x128xf32>, i32 -> vector<32x16x128xf32>
    %roll3A_1412 = arith.constant 2 : i32
    %roll3A_1413 = tpu.dynamic_rotate %select_n3A_1393 by %roll3A_1412 dim 1 : vector<32x16x128xf32>, i32 -> vector<32x16x128xf32>
    %broadcast_in_dim3A_1414 = vector.shape_cast %eq3A_1406 : vector<1x16x1xi1> to vector<1x16x1xi1>
    %broadcast_in_dim3A_1415 = vector.broadcast %broadcast_in_dim3A_1414 : vector<1x16x1xi1> to vector<32x16x128xi1>
    %select_n3A_1416 = arith.select %broadcast_in_dim3A_1415, %roll3A_1411, %roll3A_1413 : vector<32x16x128xi1>, vector<32x16x128xf32>
    %roll3A_1417 = arith.constant 14 : i32
    %roll3A_1418 = tpu.dynamic_rotate %select_n3A_1394 by %roll3A_1417 dim 1 : vector<32x16x128xi32>, i32 -> vector<32x16x128xi32>
    %roll3A_1419 = arith.constant 2 : i32
    %roll3A_1420 = tpu.dynamic_rotate %select_n3A_1394 by %roll3A_1419 dim 1 : vector<32x16x128xi32>, i32 -> vector<32x16x128xi32>
    %broadcast_in_dim3A_1421 = vector.shape_cast %eq3A_1406 : vector<1x16x1xi1> to vector<1x16x1xi1>
    %broadcast_in_dim3A_1422 = vector.broadcast %broadcast_in_dim3A_1421 : vector<1x16x1xi1> to vector<32x16x128xi1>
    %select_n3A_1423 = arith.select %broadcast_in_dim3A_1422, %roll3A_1418, %roll3A_1420 : vector<32x16x128xi1>, vector<32x16x128xi32>
    %gt3A_1424 = arith.cmpf ogt, %select_n3A_1393, %select_n3A_1416 : vector<32x16x128xf32>
    %eq3A_1425 = arith.cmpf oeq, %select_n3A_1393, %select_n3A_1416 : vector<32x16x128xf32>
    %gt3A_1426 = arith.cmpi sgt, %select_n3A_1394, %select_n3A_1423 : vector<32x16x128xi32>
    %and3A_1427 = arith.andi %eq3A_1425, %gt3A_1426 : vector<32x16x128xi1>
    %or3A_1428 = arith.ori %gt3A_1424, %and3A_1427 : vector<32x16x128xi1>
    %eq3A_1429 = vector.broadcast %eq3A_1409 : vector<1x16x1xi1> to vector<32x16x128xi1>
    %eq3A_1430 = vector.broadcast %eq3A_1429 : vector<32x16x128xi1> to vector<32x16x128xi1>
    %eq3A_1431 = arith.xori %eq3A_1430, %or3A_1428 : vector<32x16x128xi1>
    %eq3A_1432 = arith.constant dense<true> : vector<32x16x128xi1>
    %eq3A_1433 = arith.xori %eq3A_1431, %eq3A_1432 : vector<32x16x128xi1>
    %select_n3A_1434 = arith.select %eq3A_1433, %select_n3A_1393, %select_n3A_1416 : vector<32x16x128xi1>, vector<32x16x128xf32>
    %select_n3A_1435 = arith.select %eq3A_1433, %select_n3A_1394, %select_n3A_1423 : vector<32x16x128xi1>, vector<32x16x128xi32>
    %and3A_1436 = arith.constant 1 : i32
    %and3A_1437 = vector.broadcast %and3A_1436 : i32 to vector<1x16x1xi32>
    %and3A_1438 = arith.andi %iota3A_1, %and3A_1437 : vector<1x16x1xi32>
    %eq3A_1439 = arith.constant 0 : i32
    %eq3A_1440 = vector.broadcast %eq3A_1439 : i32 to vector<1x16x1xi32>
    %eq3A_1441 = arith.cmpi eq, %and3A_1438, %eq3A_1440 : vector<1x16x1xi32>
    %eq3A_1442 = arith.xori %eq3A_1400, %eq3A_1441 : vector<1x16x1xi1>
    %eq3A_1443 = arith.constant dense<true> : vector<1x16x1xi1>
    %eq3A_1444 = arith.xori %eq3A_1442, %eq3A_1443 : vector<1x16x1xi1>
    %roll3A_1445 = arith.constant 15 : i32
    %roll3A_1446 = tpu.dynamic_rotate %select_n3A_1434 by %roll3A_1445 dim 1 : vector<32x16x128xf32>, i32 -> vector<32x16x128xf32>
    %roll3A_1447 = arith.constant 1 : i32
    %roll3A_1448 = tpu.dynamic_rotate %select_n3A_1434 by %roll3A_1447 dim 1 : vector<32x16x128xf32>, i32 -> vector<32x16x128xf32>
    %broadcast_in_dim3A_1449 = vector.shape_cast %eq3A_1441 : vector<1x16x1xi1> to vector<1x16x1xi1>
    %broadcast_in_dim3A_1450 = vector.broadcast %broadcast_in_dim3A_1449 : vector<1x16x1xi1> to vector<32x16x128xi1>
    %select_n3A_1451 = arith.select %broadcast_in_dim3A_1450, %roll3A_1446, %roll3A_1448 : vector<32x16x128xi1>, vector<32x16x128xf32>
    %roll3A_1452 = arith.constant 15 : i32
    %roll3A_1453 = tpu.dynamic_rotate %select_n3A_1435 by %roll3A_1452 dim 1 : vector<32x16x128xi32>, i32 -> vector<32x16x128xi32>
    %roll3A_1454 = arith.constant 1 : i32
    %roll3A_1455 = tpu.dynamic_rotate %select_n3A_1435 by %roll3A_1454 dim 1 : vector<32x16x128xi32>, i32 -> vector<32x16x128xi32>
    %broadcast_in_dim3A_1456 = vector.shape_cast %eq3A_1441 : vector<1x16x1xi1> to vector<1x16x1xi1>
    %broadcast_in_dim3A_1457 = vector.broadcast %broadcast_in_dim3A_1456 : vector<1x16x1xi1> to vector<32x16x128xi1>
    %select_n3A_1458 = arith.select %broadcast_in_dim3A_1457, %roll3A_1453, %roll3A_1455 : vector<32x16x128xi1>, vector<32x16x128xi32>
    %gt3A_1459 = arith.cmpf ogt, %select_n3A_1434, %select_n3A_1451 : vector<32x16x128xf32>
    %eq3A_1460 = arith.cmpf oeq, %select_n3A_1434, %select_n3A_1451 : vector<32x16x128xf32>
    %gt3A_1461 = arith.cmpi sgt, %select_n3A_1435, %select_n3A_1458 : vector<32x16x128xi32>
    %and3A_1462 = arith.andi %eq3A_1460, %gt3A_1461 : vector<32x16x128xi1>
    %or3A_1463 = arith.ori %gt3A_1459, %and3A_1462 : vector<32x16x128xi1>
    %eq3A_1464 = vector.broadcast %eq3A_1444 : vector<1x16x1xi1> to vector<32x16x128xi1>
    %eq3A_1465 = vector.broadcast %eq3A_1464 : vector<32x16x128xi1> to vector<32x16x128xi1>
    %eq3A_1466 = arith.xori %eq3A_1465, %or3A_1463 : vector<32x16x128xi1>
    %eq3A_1467 = arith.constant dense<true> : vector<32x16x128xi1>
    %eq3A_1468 = arith.xori %eq3A_1466, %eq3A_1467 : vector<32x16x128xi1>
    %select_n3A_1469 = arith.select %eq3A_1468, %select_n3A_1434, %select_n3A_1451 : vector<32x16x128xi1>, vector<32x16x128xf32>
    %select_n3A_1470 = arith.select %eq3A_1468, %select_n3A_1435, %select_n3A_1458 : vector<32x16x128xi1>, vector<32x16x128xi32>
    %and3A_1471 = arith.constant 64 : i32
    %and3A_1472 = vector.broadcast %and3A_1471 : i32 to vector<1x1x128xi32>
    %and3A_1473 = arith.andi %iota3A, %and3A_1472 : vector<1x1x128xi32>
    %eq3A_1474 = arith.constant 0 : i32
    %eq3A_1475 = vector.broadcast %eq3A_1474 : i32 to vector<1x1x128xi32>
    %eq3A_1476 = arith.cmpi eq, %and3A_1473, %eq3A_1475 : vector<1x1x128xi32>
    %eq3A_1477 = vector.broadcast %eq3A_1400 : vector<1x16x1xi1> to vector<1x16x128xi1>
    %eq3A_1478 = vector.broadcast %eq3A_1476 : vector<1x1x128xi1> to vector<1x16x128xi1>
    %eq3A_1479 = vector.broadcast %eq3A_1477 : vector<1x16x128xi1> to vector<1x16x128xi1>
    %eq3A_1480 = vector.broadcast %eq3A_1478 : vector<1x16x128xi1> to vector<1x16x128xi1>
    %eq3A_1481 = arith.xori %eq3A_1479, %eq3A_1480 : vector<1x16x128xi1>
    %eq3A_1482 = arith.constant dense<true> : vector<1x16x128xi1>
    %eq3A_1483 = arith.xori %eq3A_1481, %eq3A_1482 : vector<1x16x128xi1>
    %roll3A_1484 = arith.constant 64 : i32
    %roll3A_1485 = tpu.dynamic_rotate %select_n3A_1469 by %roll3A_1484 dim 2 : vector<32x16x128xf32>, i32 -> vector<32x16x128xf32>
    %roll3A_1486 = arith.constant 64 : i32
    %roll3A_1487 = tpu.dynamic_rotate %select_n3A_1469 by %roll3A_1486 dim 2 : vector<32x16x128xf32>, i32 -> vector<32x16x128xf32>
    %broadcast_in_dim3A_1488 = vector.shape_cast %eq3A_1476 : vector<1x1x128xi1> to vector<1x1x128xi1>
    %broadcast_in_dim3A_1489 = vector.broadcast %broadcast_in_dim3A_1488 : vector<1x1x128xi1> to vector<32x16x128xi1>
    %select_n3A_1490 = arith.select %broadcast_in_dim3A_1489, %roll3A_1485, %roll3A_1487 : vector<32x16x128xi1>, vector<32x16x128xf32>
    %roll3A_1491 = arith.constant 64 : i32
    %roll3A_1492 = tpu.dynamic_rotate %select_n3A_1470 by %roll3A_1491 dim 2 : vector<32x16x128xi32>, i32 -> vector<32x16x128xi32>
    %roll3A_1493 = arith.constant 64 : i32
    %roll3A_1494 = tpu.dynamic_rotate %select_n3A_1470 by %roll3A_1493 dim 2 : vector<32x16x128xi32>, i32 -> vector<32x16x128xi32>
    %broadcast_in_dim3A_1495 = vector.shape_cast %eq3A_1476 : vector<1x1x128xi1> to vector<1x1x128xi1>
    %broadcast_in_dim3A_1496 = vector.broadcast %broadcast_in_dim3A_1495 : vector<1x1x128xi1> to vector<32x16x128xi1>
    %select_n3A_1497 = arith.select %broadcast_in_dim3A_1496, %roll3A_1492, %roll3A_1494 : vector<32x16x128xi1>, vector<32x16x128xi32>
    %gt3A_1498 = arith.cmpf ogt, %select_n3A_1469, %select_n3A_1490 : vector<32x16x128xf32>
    %eq3A_1499 = arith.cmpf oeq, %select_n3A_1469, %select_n3A_1490 : vector<32x16x128xf32>
    %gt3A_1500 = arith.cmpi sgt, %select_n3A_1470, %select_n3A_1497 : vector<32x16x128xi32>
    %and3A_1501 = arith.andi %eq3A_1499, %gt3A_1500 : vector<32x16x128xi1>
    %or3A_1502 = arith.ori %gt3A_1498, %and3A_1501 : vector<32x16x128xi1>
    %eq3A_1503 = vector.broadcast %eq3A_1483 : vector<1x16x128xi1> to vector<32x16x128xi1>
    %eq3A_1504 = vector.broadcast %eq3A_1503 : vector<32x16x128xi1> to vector<32x16x128xi1>
    %eq3A_1505 = arith.xori %eq3A_1504, %or3A_1502 : vector<32x16x128xi1>
    %eq3A_1506 = arith.constant dense<true> : vector<32x16x128xi1>
    %eq3A_1507 = arith.xori %eq3A_1505, %eq3A_1506 : vector<32x16x128xi1>
    %select_n3A_1508 = arith.select %eq3A_1507, %select_n3A_1469, %select_n3A_1490 : vector<32x16x128xi1>, vector<32x16x128xf32>
    %select_n3A_1509 = arith.select %eq3A_1507, %select_n3A_1470, %select_n3A_1497 : vector<32x16x128xi1>, vector<32x16x128xi32>
    %and3A_1510 = arith.constant 32 : i32
    %and3A_1511 = vector.broadcast %and3A_1510 : i32 to vector<1x1x128xi32>
    %and3A_1512 = arith.andi %iota3A, %and3A_1511 : vector<1x1x128xi32>
    %eq3A_1513 = arith.constant 0 : i32
    %eq3A_1514 = vector.broadcast %eq3A_1513 : i32 to vector<1x1x128xi32>
    %eq3A_1515 = arith.cmpi eq, %and3A_1512, %eq3A_1514 : vector<1x1x128xi32>
    %eq3A_1516 = vector.broadcast %eq3A_1400 : vector<1x16x1xi1> to vector<1x16x128xi1>
    %eq3A_1517 = vector.broadcast %eq3A_1515 : vector<1x1x128xi1> to vector<1x16x128xi1>
    %eq3A_1518 = vector.broadcast %eq3A_1516 : vector<1x16x128xi1> to vector<1x16x128xi1>
    %eq3A_1519 = vector.broadcast %eq3A_1517 : vector<1x16x128xi1> to vector<1x16x128xi1>
    %eq3A_1520 = arith.xori %eq3A_1518, %eq3A_1519 : vector<1x16x128xi1>
    %eq3A_1521 = arith.constant dense<true> : vector<1x16x128xi1>
    %eq3A_1522 = arith.xori %eq3A_1520, %eq3A_1521 : vector<1x16x128xi1>
    %roll3A_1523 = arith.constant 96 : i32
    %roll3A_1524 = tpu.dynamic_rotate %select_n3A_1508 by %roll3A_1523 dim 2 : vector<32x16x128xf32>, i32 -> vector<32x16x128xf32>
    %roll3A_1525 = arith.constant 32 : i32
    %roll3A_1526 = tpu.dynamic_rotate %select_n3A_1508 by %roll3A_1525 dim 2 : vector<32x16x128xf32>, i32 -> vector<32x16x128xf32>
    %broadcast_in_dim3A_1527 = vector.shape_cast %eq3A_1515 : vector<1x1x128xi1> to vector<1x1x128xi1>
    %broadcast_in_dim3A_1528 = vector.broadcast %broadcast_in_dim3A_1527 : vector<1x1x128xi1> to vector<32x16x128xi1>
    %select_n3A_1529 = arith.select %broadcast_in_dim3A_1528, %roll3A_1524, %roll3A_1526 : vector<32x16x128xi1>, vector<32x16x128xf32>
    %roll3A_1530 = arith.constant 96 : i32
    %roll3A_1531 = tpu.dynamic_rotate %select_n3A_1509 by %roll3A_1530 dim 2 : vector<32x16x128xi32>, i32 -> vector<32x16x128xi32>
    %roll3A_1532 = arith.constant 32 : i32
    %roll3A_1533 = tpu.dynamic_rotate %select_n3A_1509 by %roll3A_1532 dim 2 : vector<32x16x128xi32>, i32 -> vector<32x16x128xi32>
    %broadcast_in_dim3A_1534 = vector.shape_cast %eq3A_1515 : vector<1x1x128xi1> to vector<1x1x128xi1>
    %broadcast_in_dim3A_1535 = vector.broadcast %broadcast_in_dim3A_1534 : vector<1x1x128xi1> to vector<32x16x128xi1>
    %select_n3A_1536 = arith.select %broadcast_in_dim3A_1535, %roll3A_1531, %roll3A_1533 : vector<32x16x128xi1>, vector<32x16x128xi32>
    %gt3A_1537 = arith.cmpf ogt, %select_n3A_1508, %select_n3A_1529 : vector<32x16x128xf32>
    %eq3A_1538 = arith.cmpf oeq, %select_n3A_1508, %select_n3A_1529 : vector<32x16x128xf32>
    %gt3A_1539 = arith.cmpi sgt, %select_n3A_1509, %select_n3A_1536 : vector<32x16x128xi32>
    %and3A_1540 = arith.andi %eq3A_1538, %gt3A_1539 : vector<32x16x128xi1>
    %or3A_1541 = arith.ori %gt3A_1537, %and3A_1540 : vector<32x16x128xi1>
    %eq3A_1542 = vector.broadcast %eq3A_1522 : vector<1x16x128xi1> to vector<32x16x128xi1>
    %eq3A_1543 = vector.broadcast %eq3A_1542 : vector<32x16x128xi1> to vector<32x16x128xi1>
    %eq3A_1544 = arith.xori %eq3A_1543, %or3A_1541 : vector<32x16x128xi1>
    %eq3A_1545 = arith.constant dense<true> : vector<32x16x128xi1>
    %eq3A_1546 = arith.xori %eq3A_1544, %eq3A_1545 : vector<32x16x128xi1>
    %select_n3A_1547 = arith.select %eq3A_1546, %select_n3A_1508, %select_n3A_1529 : vector<32x16x128xi1>, vector<32x16x128xf32>
    %select_n3A_1548 = arith.select %eq3A_1546, %select_n3A_1509, %select_n3A_1536 : vector<32x16x128xi1>, vector<32x16x128xi32>
    %and3A_1549 = arith.constant 16 : i32
    %and3A_1550 = vector.broadcast %and3A_1549 : i32 to vector<1x1x128xi32>
    %and3A_1551 = arith.andi %iota3A, %and3A_1550 : vector<1x1x128xi32>
    %eq3A_1552 = arith.constant 0 : i32
    %eq3A_1553 = vector.broadcast %eq3A_1552 : i32 to vector<1x1x128xi32>
    %eq3A_1554 = arith.cmpi eq, %and3A_1551, %eq3A_1553 : vector<1x1x128xi32>
    %eq3A_1555 = vector.broadcast %eq3A_1400 : vector<1x16x1xi1> to vector<1x16x128xi1>
    %eq3A_1556 = vector.broadcast %eq3A_1554 : vector<1x1x128xi1> to vector<1x16x128xi1>
    %eq3A_1557 = vector.broadcast %eq3A_1555 : vector<1x16x128xi1> to vector<1x16x128xi1>
    %eq3A_1558 = vector.broadcast %eq3A_1556 : vector<1x16x128xi1> to vector<1x16x128xi1>
    %eq3A_1559 = arith.xori %eq3A_1557, %eq3A_1558 : vector<1x16x128xi1>
    %eq3A_1560 = arith.constant dense<true> : vector<1x16x128xi1>
    %eq3A_1561 = arith.xori %eq3A_1559, %eq3A_1560 : vector<1x16x128xi1>
    %roll3A_1562 = arith.constant 112 : i32
    %roll3A_1563 = tpu.dynamic_rotate %select_n3A_1547 by %roll3A_1562 dim 2 : vector<32x16x128xf32>, i32 -> vector<32x16x128xf32>
    %roll3A_1564 = arith.constant 16 : i32
    %roll3A_1565 = tpu.dynamic_rotate %select_n3A_1547 by %roll3A_1564 dim 2 : vector<32x16x128xf32>, i32 -> vector<32x16x128xf32>
    %broadcast_in_dim3A_1566 = vector.shape_cast %eq3A_1554 : vector<1x1x128xi1> to vector<1x1x128xi1>
    %broadcast_in_dim3A_1567 = vector.broadcast %broadcast_in_dim3A_1566 : vector<1x1x128xi1> to vector<32x16x128xi1>
    %select_n3A_1568 = arith.select %broadcast_in_dim3A_1567, %roll3A_1563, %roll3A_1565 : vector<32x16x128xi1>, vector<32x16x128xf32>
    %roll3A_1569 = arith.constant 112 : i32
    %roll3A_1570 = tpu.dynamic_rotate %select_n3A_1548 by %roll3A_1569 dim 2 : vector<32x16x128xi32>, i32 -> vector<32x16x128xi32>
    %roll3A_1571 = arith.constant 16 : i32
    %roll3A_1572 = tpu.dynamic_rotate %select_n3A_1548 by %roll3A_1571 dim 2 : vector<32x16x128xi32>, i32 -> vector<32x16x128xi32>
    %broadcast_in_dim3A_1573 = vector.shape_cast %eq3A_1554 : vector<1x1x128xi1> to vector<1x1x128xi1>
    %broadcast_in_dim3A_1574 = vector.broadcast %broadcast_in_dim3A_1573 : vector<1x1x128xi1> to vector<32x16x128xi1>
    %select_n3A_1575 = arith.select %broadcast_in_dim3A_1574, %roll3A_1570, %roll3A_1572 : vector<32x16x128xi1>, vector<32x16x128xi32>
    %gt3A_1576 = arith.cmpf ogt, %select_n3A_1547, %select_n3A_1568 : vector<32x16x128xf32>
    %eq3A_1577 = arith.cmpf oeq, %select_n3A_1547, %select_n3A_1568 : vector<32x16x128xf32>
    %gt3A_1578 = arith.cmpi sgt, %select_n3A_1548, %select_n3A_1575 : vector<32x16x128xi32>
    %and3A_1579 = arith.andi %eq3A_1577, %gt3A_1578 : vector<32x16x128xi1>
    %or3A_1580 = arith.ori %gt3A_1576, %and3A_1579 : vector<32x16x128xi1>
    %eq3A_1581 = vector.broadcast %eq3A_1561 : vector<1x16x128xi1> to vector<32x16x128xi1>
    %eq3A_1582 = vector.broadcast %eq3A_1581 : vector<32x16x128xi1> to vector<32x16x128xi1>
    %eq3A_1583 = arith.xori %eq3A_1582, %or3A_1580 : vector<32x16x128xi1>
    %eq3A_1584 = arith.constant dense<true> : vector<32x16x128xi1>
    %eq3A_1585 = arith.xori %eq3A_1583, %eq3A_1584 : vector<32x16x128xi1>
    %select_n3A_1586 = arith.select %eq3A_1585, %select_n3A_1547, %select_n3A_1568 : vector<32x16x128xi1>, vector<32x16x128xf32>
    %select_n3A_1587 = arith.select %eq3A_1585, %select_n3A_1548, %select_n3A_1575 : vector<32x16x128xi1>, vector<32x16x128xi32>
    %and3A_1588 = arith.constant 8 : i32
    %and3A_1589 = vector.broadcast %and3A_1588 : i32 to vector<1x1x128xi32>
    %and3A_1590 = arith.andi %iota3A, %and3A_1589 : vector<1x1x128xi32>
    %eq3A_1591 = arith.constant 0 : i32
    %eq3A_1592 = vector.broadcast %eq3A_1591 : i32 to vector<1x1x128xi32>
    %eq3A_1593 = arith.cmpi eq, %and3A_1590, %eq3A_1592 : vector<1x1x128xi32>
    %eq3A_1594 = vector.broadcast %eq3A_1400 : vector<1x16x1xi1> to vector<1x16x128xi1>
    %eq3A_1595 = vector.broadcast %eq3A_1593 : vector<1x1x128xi1> to vector<1x16x128xi1>
    %eq3A_1596 = vector.broadcast %eq3A_1594 : vector<1x16x128xi1> to vector<1x16x128xi1>
    %eq3A_1597 = vector.broadcast %eq3A_1595 : vector<1x16x128xi1> to vector<1x16x128xi1>
    %eq3A_1598 = arith.xori %eq3A_1596, %eq3A_1597 : vector<1x16x128xi1>
    %eq3A_1599 = arith.constant dense<true> : vector<1x16x128xi1>
    %eq3A_1600 = arith.xori %eq3A_1598, %eq3A_1599 : vector<1x16x128xi1>
    %roll3A_1601 = arith.constant 120 : i32
    %roll3A_1602 = tpu.dynamic_rotate %select_n3A_1586 by %roll3A_1601 dim 2 : vector<32x16x128xf32>, i32 -> vector<32x16x128xf32>
    %roll3A_1603 = arith.constant 8 : i32
    %roll3A_1604 = tpu.dynamic_rotate %select_n3A_1586 by %roll3A_1603 dim 2 : vector<32x16x128xf32>, i32 -> vector<32x16x128xf32>
    %broadcast_in_dim3A_1605 = vector.shape_cast %eq3A_1593 : vector<1x1x128xi1> to vector<1x1x128xi1>
    %broadcast_in_dim3A_1606 = vector.broadcast %broadcast_in_dim3A_1605 : vector<1x1x128xi1> to vector<32x16x128xi1>
    %select_n3A_1607 = arith.select %broadcast_in_dim3A_1606, %roll3A_1602, %roll3A_1604 : vector<32x16x128xi1>, vector<32x16x128xf32>
    %roll3A_1608 = arith.constant 120 : i32
    %roll3A_1609 = tpu.dynamic_rotate %select_n3A_1587 by %roll3A_1608 dim 2 : vector<32x16x128xi32>, i32 -> vector<32x16x128xi32>
    %roll3A_1610 = arith.constant 8 : i32
    %roll3A_1611 = tpu.dynamic_rotate %select_n3A_1587 by %roll3A_1610 dim 2 : vector<32x16x128xi32>, i32 -> vector<32x16x128xi32>
    %broadcast_in_dim3A_1612 = vector.shape_cast %eq3A_1593 : vector<1x1x128xi1> to vector<1x1x128xi1>
    %broadcast_in_dim3A_1613 = vector.broadcast %broadcast_in_dim3A_1612 : vector<1x1x128xi1> to vector<32x16x128xi1>
    %select_n3A_1614 = arith.select %broadcast_in_dim3A_1613, %roll3A_1609, %roll3A_1611 : vector<32x16x128xi1>, vector<32x16x128xi32>
    %gt3A_1615 = arith.cmpf ogt, %select_n3A_1586, %select_n3A_1607 : vector<32x16x128xf32>
    %eq3A_1616 = arith.cmpf oeq, %select_n3A_1586, %select_n3A_1607 : vector<32x16x128xf32>
    %gt3A_1617 = arith.cmpi sgt, %select_n3A_1587, %select_n3A_1614 : vector<32x16x128xi32>
    %and3A_1618 = arith.andi %eq3A_1616, %gt3A_1617 : vector<32x16x128xi1>
    %or3A_1619 = arith.ori %gt3A_1615, %and3A_1618 : vector<32x16x128xi1>
    %eq3A_1620 = vector.broadcast %eq3A_1600 : vector<1x16x128xi1> to vector<32x16x128xi1>
    %eq3A_1621 = vector.broadcast %eq3A_1620 : vector<32x16x128xi1> to vector<32x16x128xi1>
    %eq3A_1622 = arith.xori %eq3A_1621, %or3A_1619 : vector<32x16x128xi1>
    %eq3A_1623 = arith.constant dense<true> : vector<32x16x128xi1>
    %eq3A_1624 = arith.xori %eq3A_1622, %eq3A_1623 : vector<32x16x128xi1>
    %select_n3A_1625 = arith.select %eq3A_1624, %select_n3A_1586, %select_n3A_1607 : vector<32x16x128xi1>, vector<32x16x128xf32>
    %select_n3A_1626 = arith.select %eq3A_1624, %select_n3A_1587, %select_n3A_1614 : vector<32x16x128xi1>, vector<32x16x128xi32>
    %and3A_1627 = arith.constant 4 : i32
    %and3A_1628 = vector.broadcast %and3A_1627 : i32 to vector<1x1x128xi32>
    %and3A_1629 = arith.andi %iota3A, %and3A_1628 : vector<1x1x128xi32>
    %eq3A_1630 = arith.constant 0 : i32
    %eq3A_1631 = vector.broadcast %eq3A_1630 : i32 to vector<1x1x128xi32>
    %eq3A_1632 = arith.cmpi eq, %and3A_1629, %eq3A_1631 : vector<1x1x128xi32>
    %eq3A_1633 = vector.broadcast %eq3A_1400 : vector<1x16x1xi1> to vector<1x16x128xi1>
    %eq3A_1634 = vector.broadcast %eq3A_1632 : vector<1x1x128xi1> to vector<1x16x128xi1>
    %eq3A_1635 = vector.broadcast %eq3A_1633 : vector<1x16x128xi1> to vector<1x16x128xi1>
    %eq3A_1636 = vector.broadcast %eq3A_1634 : vector<1x16x128xi1> to vector<1x16x128xi1>
    %eq3A_1637 = arith.xori %eq3A_1635, %eq3A_1636 : vector<1x16x128xi1>
    %eq3A_1638 = arith.constant dense<true> : vector<1x16x128xi1>
    %eq3A_1639 = arith.xori %eq3A_1637, %eq3A_1638 : vector<1x16x128xi1>
    %roll3A_1640 = arith.constant 124 : i32
    %roll3A_1641 = tpu.dynamic_rotate %select_n3A_1625 by %roll3A_1640 dim 2 : vector<32x16x128xf32>, i32 -> vector<32x16x128xf32>
    %roll3A_1642 = arith.constant 4 : i32
    %roll3A_1643 = tpu.dynamic_rotate %select_n3A_1625 by %roll3A_1642 dim 2 : vector<32x16x128xf32>, i32 -> vector<32x16x128xf32>
    %broadcast_in_dim3A_1644 = vector.shape_cast %eq3A_1632 : vector<1x1x128xi1> to vector<1x1x128xi1>
    %broadcast_in_dim3A_1645 = vector.broadcast %broadcast_in_dim3A_1644 : vector<1x1x128xi1> to vector<32x16x128xi1>
    %select_n3A_1646 = arith.select %broadcast_in_dim3A_1645, %roll3A_1641, %roll3A_1643 : vector<32x16x128xi1>, vector<32x16x128xf32>
    %roll3A_1647 = arith.constant 124 : i32
    %roll3A_1648 = tpu.dynamic_rotate %select_n3A_1626 by %roll3A_1647 dim 2 : vector<32x16x128xi32>, i32 -> vector<32x16x128xi32>
    %roll3A_1649 = arith.constant 4 : i32
    %roll3A_1650 = tpu.dynamic_rotate %select_n3A_1626 by %roll3A_1649 dim 2 : vector<32x16x128xi32>, i32 -> vector<32x16x128xi32>
    %broadcast_in_dim3A_1651 = vector.shape_cast %eq3A_1632 : vector<1x1x128xi1> to vector<1x1x128xi1>
    %broadcast_in_dim3A_1652 = vector.broadcast %broadcast_in_dim3A_1651 : vector<1x1x128xi1> to vector<32x16x128xi1>
    %select_n3A_1653 = arith.select %broadcast_in_dim3A_1652, %roll3A_1648, %roll3A_1650 : vector<32x16x128xi1>, vector<32x16x128xi32>
    %gt3A_1654 = arith.cmpf ogt, %select_n3A_1625, %select_n3A_1646 : vector<32x16x128xf32>
    %eq3A_1655 = arith.cmpf oeq, %select_n3A_1625, %select_n3A_1646 : vector<32x16x128xf32>
    %gt3A_1656 = arith.cmpi sgt, %select_n3A_1626, %select_n3A_1653 : vector<32x16x128xi32>
    %and3A_1657 = arith.andi %eq3A_1655, %gt3A_1656 : vector<32x16x128xi1>
    %or3A_1658 = arith.ori %gt3A_1654, %and3A_1657 : vector<32x16x128xi1>
    %eq3A_1659 = vector.broadcast %eq3A_1639 : vector<1x16x128xi1> to vector<32x16x128xi1>
    %eq3A_1660 = vector.broadcast %eq3A_1659 : vector<32x16x128xi1> to vector<32x16x128xi1>
    %eq3A_1661 = arith.xori %eq3A_1660, %or3A_1658 : vector<32x16x128xi1>
    %eq3A_1662 = arith.constant dense<true> : vector<32x16x128xi1>
    %eq3A_1663 = arith.xori %eq3A_1661, %eq3A_1662 : vector<32x16x128xi1>
    %select_n3A_1664 = arith.select %eq3A_1663, %select_n3A_1625, %select_n3A_1646 : vector<32x16x128xi1>, vector<32x16x128xf32>
    %select_n3A_1665 = arith.select %eq3A_1663, %select_n3A_1626, %select_n3A_1653 : vector<32x16x128xi1>, vector<32x16x128xi32>
    %and3A_1666 = arith.constant 2 : i32
    %and3A_1667 = vector.broadcast %and3A_1666 : i32 to vector<1x1x128xi32>
    %and3A_1668 = arith.andi %iota3A, %and3A_1667 : vector<1x1x128xi32>
    %eq3A_1669 = arith.constant 0 : i32
    %eq3A_1670 = vector.broadcast %eq3A_1669 : i32 to vector<1x1x128xi32>
    %eq3A_1671 = arith.cmpi eq, %and3A_1668, %eq3A_1670 : vector<1x1x128xi32>
    %eq3A_1672 = vector.broadcast %eq3A_1400 : vector<1x16x1xi1> to vector<1x16x128xi1>
    %eq3A_1673 = vector.broadcast %eq3A_1671 : vector<1x1x128xi1> to vector<1x16x128xi1>
    %eq3A_1674 = vector.broadcast %eq3A_1672 : vector<1x16x128xi1> to vector<1x16x128xi1>
    %eq3A_1675 = vector.broadcast %eq3A_1673 : vector<1x16x128xi1> to vector<1x16x128xi1>
    %eq3A_1676 = arith.xori %eq3A_1674, %eq3A_1675 : vector<1x16x128xi1>
    %eq3A_1677 = arith.constant dense<true> : vector<1x16x128xi1>
    %eq3A_1678 = arith.xori %eq3A_1676, %eq3A_1677 : vector<1x16x128xi1>
    %roll3A_1679 = arith.constant 126 : i32
    %roll3A_1680 = tpu.dynamic_rotate %select_n3A_1664 by %roll3A_1679 dim 2 : vector<32x16x128xf32>, i32 -> vector<32x16x128xf32>
    %roll3A_1681 = arith.constant 2 : i32
    %roll3A_1682 = tpu.dynamic_rotate %select_n3A_1664 by %roll3A_1681 dim 2 : vector<32x16x128xf32>, i32 -> vector<32x16x128xf32>
    %broadcast_in_dim3A_1683 = vector.shape_cast %eq3A_1671 : vector<1x1x128xi1> to vector<1x1x128xi1>
    %broadcast_in_dim3A_1684 = vector.broadcast %broadcast_in_dim3A_1683 : vector<1x1x128xi1> to vector<32x16x128xi1>
    %select_n3A_1685 = arith.select %broadcast_in_dim3A_1684, %roll3A_1680, %roll3A_1682 : vector<32x16x128xi1>, vector<32x16x128xf32>
    %roll3A_1686 = arith.constant 126 : i32
    %roll3A_1687 = tpu.dynamic_rotate %select_n3A_1665 by %roll3A_1686 dim 2 : vector<32x16x128xi32>, i32 -> vector<32x16x128xi32>
    %roll3A_1688 = arith.constant 2 : i32
    %roll3A_1689 = tpu.dynamic_rotate %select_n3A_1665 by %roll3A_1688 dim 2 : vector<32x16x128xi32>, i32 -> vector<32x16x128xi32>
    %broadcast_in_dim3A_1690 = vector.shape_cast %eq3A_1671 : vector<1x1x128xi1> to vector<1x1x128xi1>
    %broadcast_in_dim3A_1691 = vector.broadcast %broadcast_in_dim3A_1690 : vector<1x1x128xi1> to vector<32x16x128xi1>
    %select_n3A_1692 = arith.select %broadcast_in_dim3A_1691, %roll3A_1687, %roll3A_1689 : vector<32x16x128xi1>, vector<32x16x128xi32>
    %gt3A_1693 = arith.cmpf ogt, %select_n3A_1664, %select_n3A_1685 : vector<32x16x128xf32>
    %eq3A_1694 = arith.cmpf oeq, %select_n3A_1664, %select_n3A_1685 : vector<32x16x128xf32>
    %gt3A_1695 = arith.cmpi sgt, %select_n3A_1665, %select_n3A_1692 : vector<32x16x128xi32>
    %and3A_1696 = arith.andi %eq3A_1694, %gt3A_1695 : vector<32x16x128xi1>
    %or3A_1697 = arith.ori %gt3A_1693, %and3A_1696 : vector<32x16x128xi1>
    %eq3A_1698 = vector.broadcast %eq3A_1678 : vector<1x16x128xi1> to vector<32x16x128xi1>
    %eq3A_1699 = vector.broadcast %eq3A_1698 : vector<32x16x128xi1> to vector<32x16x128xi1>
    %eq3A_1700 = arith.xori %eq3A_1699, %or3A_1697 : vector<32x16x128xi1>
    %eq3A_1701 = arith.constant dense<true> : vector<32x16x128xi1>
    %eq3A_1702 = arith.xori %eq3A_1700, %eq3A_1701 : vector<32x16x128xi1>
    %select_n3A_1703 = arith.select %eq3A_1702, %select_n3A_1664, %select_n3A_1685 : vector<32x16x128xi1>, vector<32x16x128xf32>
    %select_n3A_1704 = arith.select %eq3A_1702, %select_n3A_1665, %select_n3A_1692 : vector<32x16x128xi1>, vector<32x16x128xi32>
    %and3A_1705 = arith.constant 1 : i32
    %and3A_1706 = vector.broadcast %and3A_1705 : i32 to vector<1x1x128xi32>
    %and3A_1707 = arith.andi %iota3A, %and3A_1706 : vector<1x1x128xi32>
    %eq3A_1708 = arith.constant 0 : i32
    %eq3A_1709 = vector.broadcast %eq3A_1708 : i32 to vector<1x1x128xi32>
    %eq3A_1710 = arith.cmpi eq, %and3A_1707, %eq3A_1709 : vector<1x1x128xi32>
    %eq3A_1711 = vector.broadcast %eq3A_1400 : vector<1x16x1xi1> to vector<1x16x128xi1>
    %eq3A_1712 = vector.broadcast %eq3A_1710 : vector<1x1x128xi1> to vector<1x16x128xi1>
    %eq3A_1713 = vector.broadcast %eq3A_1711 : vector<1x16x128xi1> to vector<1x16x128xi1>
    %eq3A_1714 = vector.broadcast %eq3A_1712 : vector<1x16x128xi1> to vector<1x16x128xi1>
    %eq3A_1715 = arith.xori %eq3A_1713, %eq3A_1714 : vector<1x16x128xi1>
    %eq3A_1716 = arith.constant dense<true> : vector<1x16x128xi1>
    %eq3A_1717 = arith.xori %eq3A_1715, %eq3A_1716 : vector<1x16x128xi1>
    %roll3A_1718 = arith.constant 127 : i32
    %roll3A_1719 = tpu.dynamic_rotate %select_n3A_1703 by %roll3A_1718 dim 2 : vector<32x16x128xf32>, i32 -> vector<32x16x128xf32>
    %roll3A_1720 = arith.constant 1 : i32
    %roll3A_1721 = tpu.dynamic_rotate %select_n3A_1703 by %roll3A_1720 dim 2 : vector<32x16x128xf32>, i32 -> vector<32x16x128xf32>
    %broadcast_in_dim3A_1722 = vector.shape_cast %eq3A_1710 : vector<1x1x128xi1> to vector<1x1x128xi1>
    %broadcast_in_dim3A_1723 = vector.broadcast %broadcast_in_dim3A_1722 : vector<1x1x128xi1> to vector<32x16x128xi1>
    %select_n3A_1724 = arith.select %broadcast_in_dim3A_1723, %roll3A_1719, %roll3A_1721 : vector<32x16x128xi1>, vector<32x16x128xf32>
    %roll3A_1725 = arith.constant 127 : i32
    %roll3A_1726 = tpu.dynamic_rotate %select_n3A_1704 by %roll3A_1725 dim 2 : vector<32x16x128xi32>, i32 -> vector<32x16x128xi32>
    %roll3A_1727 = arith.constant 1 : i32
    %roll3A_1728 = tpu.dynamic_rotate %select_n3A_1704 by %roll3A_1727 dim 2 : vector<32x16x128xi32>, i32 -> vector<32x16x128xi32>
    %broadcast_in_dim3A_1729 = vector.shape_cast %eq3A_1710 : vector<1x1x128xi1> to vector<1x1x128xi1>
    %broadcast_in_dim3A_1730 = vector.broadcast %broadcast_in_dim3A_1729 : vector<1x1x128xi1> to vector<32x16x128xi1>
    %select_n3A_1731 = arith.select %broadcast_in_dim3A_1730, %roll3A_1726, %roll3A_1728 : vector<32x16x128xi1>, vector<32x16x128xi32>
    %gt3A_1732 = arith.cmpf ogt, %select_n3A_1703, %select_n3A_1724 : vector<32x16x128xf32>
    %eq3A_1733 = arith.cmpf oeq, %select_n3A_1703, %select_n3A_1724 : vector<32x16x128xf32>
    %gt3A_1734 = arith.cmpi sgt, %select_n3A_1704, %select_n3A_1731 : vector<32x16x128xi32>
    %and3A_1735 = arith.andi %eq3A_1733, %gt3A_1734 : vector<32x16x128xi1>
    %or3A_1736 = arith.ori %gt3A_1732, %and3A_1735 : vector<32x16x128xi1>
    %eq3A_1737 = vector.broadcast %eq3A_1717 : vector<1x16x128xi1> to vector<32x16x128xi1>
    %eq3A_1738 = vector.broadcast %eq3A_1737 : vector<32x16x128xi1> to vector<32x16x128xi1>
    %eq3A_1739 = arith.xori %eq3A_1738, %or3A_1736 : vector<32x16x128xi1>
    %eq3A_1740 = arith.constant dense<true> : vector<32x16x128xi1>
    %eq3A_1741 = arith.xori %eq3A_1739, %eq3A_1740 : vector<32x16x128xi1>
    %select_n3A_1742 = arith.select %eq3A_1741, %select_n3A_1703, %select_n3A_1724 : vector<32x16x128xi1>, vector<32x16x128xf32>
    %select_n3A_1743 = arith.select %eq3A_1741, %select_n3A_1704, %select_n3A_1731 : vector<32x16x128xi1>, vector<32x16x128xi32>
    %and3A_1744 = arith.constant 8 : i32
    %and3A_1745 = vector.broadcast %and3A_1744 : i32 to vector<1x16x1xi32>
    %and3A_1746 = arith.andi %iota3A_1, %and3A_1745 : vector<1x16x1xi32>
    %eq3A_1747 = arith.constant 0 : i32
    %eq3A_1748 = vector.broadcast %eq3A_1747 : i32 to vector<1x16x1xi32>
    %eq3A_1749 = arith.cmpi eq, %and3A_1746, %eq3A_1748 : vector<1x16x1xi32>
    %and3A_1750 = arith.constant 4 : i32
    %and3A_1751 = vector.broadcast %and3A_1750 : i32 to vector<1x16x1xi32>
    %and3A_1752 = arith.andi %iota3A_1, %and3A_1751 : vector<1x16x1xi32>
    %eq3A_1753 = arith.constant 0 : i32
    %eq3A_1754 = vector.broadcast %eq3A_1753 : i32 to vector<1x16x1xi32>
    %eq3A_1755 = arith.cmpi eq, %and3A_1752, %eq3A_1754 : vector<1x16x1xi32>
    %eq3A_1756 = arith.xori %eq3A_1749, %eq3A_1755 : vector<1x16x1xi1>
    %eq3A_1757 = arith.constant dense<true> : vector<1x16x1xi1>
    %eq3A_1758 = arith.xori %eq3A_1756, %eq3A_1757 : vector<1x16x1xi1>
    %roll3A_1759 = arith.constant 12 : i32
    %roll3A_1760 = tpu.dynamic_rotate %select_n3A_1742 by %roll3A_1759 dim 1 : vector<32x16x128xf32>, i32 -> vector<32x16x128xf32>
    %roll3A_1761 = arith.constant 4 : i32
    %roll3A_1762 = tpu.dynamic_rotate %select_n3A_1742 by %roll3A_1761 dim 1 : vector<32x16x128xf32>, i32 -> vector<32x16x128xf32>
    %broadcast_in_dim3A_1763 = vector.shape_cast %eq3A_1755 : vector<1x16x1xi1> to vector<1x16x1xi1>
    %broadcast_in_dim3A_1764 = vector.broadcast %broadcast_in_dim3A_1763 : vector<1x16x1xi1> to vector<32x16x128xi1>
    %select_n3A_1765 = arith.select %broadcast_in_dim3A_1764, %roll3A_1760, %roll3A_1762 : vector<32x16x128xi1>, vector<32x16x128xf32>
    %roll3A_1766 = arith.constant 12 : i32
    %roll3A_1767 = tpu.dynamic_rotate %select_n3A_1743 by %roll3A_1766 dim 1 : vector<32x16x128xi32>, i32 -> vector<32x16x128xi32>
    %roll3A_1768 = arith.constant 4 : i32
    %roll3A_1769 = tpu.dynamic_rotate %select_n3A_1743 by %roll3A_1768 dim 1 : vector<32x16x128xi32>, i32 -> vector<32x16x128xi32>
    %broadcast_in_dim3A_1770 = vector.shape_cast %eq3A_1755 : vector<1x16x1xi1> to vector<1x16x1xi1>
    %broadcast_in_dim3A_1771 = vector.broadcast %broadcast_in_dim3A_1770 : vector<1x16x1xi1> to vector<32x16x128xi1>
    %select_n3A_1772 = arith.select %broadcast_in_dim3A_1771, %roll3A_1767, %roll3A_1769 : vector<32x16x128xi1>, vector<32x16x128xi32>
    %gt3A_1773 = arith.cmpf ogt, %select_n3A_1742, %select_n3A_1765 : vector<32x16x128xf32>
    %eq3A_1774 = arith.cmpf oeq, %select_n3A_1742, %select_n3A_1765 : vector<32x16x128xf32>
    %gt3A_1775 = arith.cmpi sgt, %select_n3A_1743, %select_n3A_1772 : vector<32x16x128xi32>
    %and3A_1776 = arith.andi %eq3A_1774, %gt3A_1775 : vector<32x16x128xi1>
    %or3A_1777 = arith.ori %gt3A_1773, %and3A_1776 : vector<32x16x128xi1>
    %eq3A_1778 = vector.broadcast %eq3A_1758 : vector<1x16x1xi1> to vector<32x16x128xi1>
    %eq3A_1779 = vector.broadcast %eq3A_1778 : vector<32x16x128xi1> to vector<32x16x128xi1>
    %eq3A_1780 = arith.xori %eq3A_1779, %or3A_1777 : vector<32x16x128xi1>
    %eq3A_1781 = arith.constant dense<true> : vector<32x16x128xi1>
    %eq3A_1782 = arith.xori %eq3A_1780, %eq3A_1781 : vector<32x16x128xi1>
    %select_n3A_1783 = arith.select %eq3A_1782, %select_n3A_1742, %select_n3A_1765 : vector<32x16x128xi1>, vector<32x16x128xf32>
    %select_n3A_1784 = arith.select %eq3A_1782, %select_n3A_1743, %select_n3A_1772 : vector<32x16x128xi1>, vector<32x16x128xi32>
    %and3A_1785 = arith.constant 2 : i32
    %and3A_1786 = vector.broadcast %and3A_1785 : i32 to vector<1x16x1xi32>
    %and3A_1787 = arith.andi %iota3A_1, %and3A_1786 : vector<1x16x1xi32>
    %eq3A_1788 = arith.constant 0 : i32
    %eq3A_1789 = vector.broadcast %eq3A_1788 : i32 to vector<1x16x1xi32>
    %eq3A_1790 = arith.cmpi eq, %and3A_1787, %eq3A_1789 : vector<1x16x1xi32>
    %eq3A_1791 = arith.xori %eq3A_1749, %eq3A_1790 : vector<1x16x1xi1>
    %eq3A_1792 = arith.constant dense<true> : vector<1x16x1xi1>
    %eq3A_1793 = arith.xori %eq3A_1791, %eq3A_1792 : vector<1x16x1xi1>
    %roll3A_1794 = arith.constant 14 : i32
    %roll3A_1795 = tpu.dynamic_rotate %select_n3A_1783 by %roll3A_1794 dim 1 : vector<32x16x128xf32>, i32 -> vector<32x16x128xf32>
    %roll3A_1796 = arith.constant 2 : i32
    %roll3A_1797 = tpu.dynamic_rotate %select_n3A_1783 by %roll3A_1796 dim 1 : vector<32x16x128xf32>, i32 -> vector<32x16x128xf32>
    %broadcast_in_dim3A_1798 = vector.shape_cast %eq3A_1790 : vector<1x16x1xi1> to vector<1x16x1xi1>
    %broadcast_in_dim3A_1799 = vector.broadcast %broadcast_in_dim3A_1798 : vector<1x16x1xi1> to vector<32x16x128xi1>
    %select_n3A_1800 = arith.select %broadcast_in_dim3A_1799, %roll3A_1795, %roll3A_1797 : vector<32x16x128xi1>, vector<32x16x128xf32>
    %roll3A_1801 = arith.constant 14 : i32
    %roll3A_1802 = tpu.dynamic_rotate %select_n3A_1784 by %roll3A_1801 dim 1 : vector<32x16x128xi32>, i32 -> vector<32x16x128xi32>
    %roll3A_1803 = arith.constant 2 : i32
    %roll3A_1804 = tpu.dynamic_rotate %select_n3A_1784 by %roll3A_1803 dim 1 : vector<32x16x128xi32>, i32 -> vector<32x16x128xi32>
    %broadcast_in_dim3A_1805 = vector.shape_cast %eq3A_1790 : vector<1x16x1xi1> to vector<1x16x1xi1>
    %broadcast_in_dim3A_1806 = vector.broadcast %broadcast_in_dim3A_1805 : vector<1x16x1xi1> to vector<32x16x128xi1>
    %select_n3A_1807 = arith.select %broadcast_in_dim3A_1806, %roll3A_1802, %roll3A_1804 : vector<32x16x128xi1>, vector<32x16x128xi32>
    %gt3A_1808 = arith.cmpf ogt, %select_n3A_1783, %select_n3A_1800 : vector<32x16x128xf32>
    %eq3A_1809 = arith.cmpf oeq, %select_n3A_1783, %select_n3A_1800 : vector<32x16x128xf32>
    %gt3A_1810 = arith.cmpi sgt, %select_n3A_1784, %select_n3A_1807 : vector<32x16x128xi32>
    %and3A_1811 = arith.andi %eq3A_1809, %gt3A_1810 : vector<32x16x128xi1>
    %or3A_1812 = arith.ori %gt3A_1808, %and3A_1811 : vector<32x16x128xi1>
    %eq3A_1813 = vector.broadcast %eq3A_1793 : vector<1x16x1xi1> to vector<32x16x128xi1>
    %eq3A_1814 = vector.broadcast %eq3A_1813 : vector<32x16x128xi1> to vector<32x16x128xi1>
    %eq3A_1815 = arith.xori %eq3A_1814, %or3A_1812 : vector<32x16x128xi1>
    %eq3A_1816 = arith.constant dense<true> : vector<32x16x128xi1>
    %eq3A_1817 = arith.xori %eq3A_1815, %eq3A_1816 : vector<32x16x128xi1>
    %select_n3A_1818 = arith.select %eq3A_1817, %select_n3A_1783, %select_n3A_1800 : vector<32x16x128xi1>, vector<32x16x128xf32>
    %select_n3A_1819 = arith.select %eq3A_1817, %select_n3A_1784, %select_n3A_1807 : vector<32x16x128xi1>, vector<32x16x128xi32>
    %and3A_1820 = arith.constant 1 : i32
    %and3A_1821 = vector.broadcast %and3A_1820 : i32 to vector<1x16x1xi32>
    %and3A_1822 = arith.andi %iota3A_1, %and3A_1821 : vector<1x16x1xi32>
    %eq3A_1823 = arith.constant 0 : i32
    %eq3A_1824 = vector.broadcast %eq3A_1823 : i32 to vector<1x16x1xi32>
    %eq3A_1825 = arith.cmpi eq, %and3A_1822, %eq3A_1824 : vector<1x16x1xi32>
    %eq3A_1826 = arith.xori %eq3A_1749, %eq3A_1825 : vector<1x16x1xi1>
    %eq3A_1827 = arith.constant dense<true> : vector<1x16x1xi1>
    %eq3A_1828 = arith.xori %eq3A_1826, %eq3A_1827 : vector<1x16x1xi1>
    %roll3A_1829 = arith.constant 15 : i32
    %roll3A_1830 = tpu.dynamic_rotate %select_n3A_1818 by %roll3A_1829 dim 1 : vector<32x16x128xf32>, i32 -> vector<32x16x128xf32>
    %roll3A_1831 = arith.constant 1 : i32
    %roll3A_1832 = tpu.dynamic_rotate %select_n3A_1818 by %roll3A_1831 dim 1 : vector<32x16x128xf32>, i32 -> vector<32x16x128xf32>
    %broadcast_in_dim3A_1833 = vector.shape_cast %eq3A_1825 : vector<1x16x1xi1> to vector<1x16x1xi1>
    %broadcast_in_dim3A_1834 = vector.broadcast %broadcast_in_dim3A_1833 : vector<1x16x1xi1> to vector<32x16x128xi1>
    %select_n3A_1835 = arith.select %broadcast_in_dim3A_1834, %roll3A_1830, %roll3A_1832 : vector<32x16x128xi1>, vector<32x16x128xf32>
    %roll3A_1836 = arith.constant 15 : i32
    %roll3A_1837 = tpu.dynamic_rotate %select_n3A_1819 by %roll3A_1836 dim 1 : vector<32x16x128xi32>, i32 -> vector<32x16x128xi32>
    %roll3A_1838 = arith.constant 1 : i32
    %roll3A_1839 = tpu.dynamic_rotate %select_n3A_1819 by %roll3A_1838 dim 1 : vector<32x16x128xi32>, i32 -> vector<32x16x128xi32>
    %broadcast_in_dim3A_1840 = vector.shape_cast %eq3A_1825 : vector<1x16x1xi1> to vector<1x16x1xi1>
    %broadcast_in_dim3A_1841 = vector.broadcast %broadcast_in_dim3A_1840 : vector<1x16x1xi1> to vector<32x16x128xi1>
    %select_n3A_1842 = arith.select %broadcast_in_dim3A_1841, %roll3A_1837, %roll3A_1839 : vector<32x16x128xi1>, vector<32x16x128xi32>
    %gt3A_1843 = arith.cmpf ogt, %select_n3A_1818, %select_n3A_1835 : vector<32x16x128xf32>
    %eq3A_1844 = arith.cmpf oeq, %select_n3A_1818, %select_n3A_1835 : vector<32x16x128xf32>
    %gt3A_1845 = arith.cmpi sgt, %select_n3A_1819, %select_n3A_1842 : vector<32x16x128xi32>
    %and3A_1846 = arith.andi %eq3A_1844, %gt3A_1845 : vector<32x16x128xi1>
    %or3A_1847 = arith.ori %gt3A_1843, %and3A_1846 : vector<32x16x128xi1>
    %eq3A_1848 = vector.broadcast %eq3A_1828 : vector<1x16x1xi1> to vector<32x16x128xi1>
    %eq3A_1849 = vector.broadcast %eq3A_1848 : vector<32x16x128xi1> to vector<32x16x128xi1>
    %eq3A_1850 = arith.xori %eq3A_1849, %or3A_1847 : vector<32x16x128xi1>
    %eq3A_1851 = arith.constant dense<true> : vector<32x16x128xi1>
    %eq3A_1852 = arith.xori %eq3A_1850, %eq3A_1851 : vector<32x16x128xi1>
    %select_n3A_1853 = arith.select %eq3A_1852, %select_n3A_1818, %select_n3A_1835 : vector<32x16x128xi1>, vector<32x16x128xf32>
    %select_n3A_1854 = arith.select %eq3A_1852, %select_n3A_1819, %select_n3A_1842 : vector<32x16x128xi1>, vector<32x16x128xi32>
    %and3A_1855 = arith.constant 64 : i32
    %and3A_1856 = vector.broadcast %and3A_1855 : i32 to vector<1x1x128xi32>
    %and3A_1857 = arith.andi %iota3A, %and3A_1856 : vector<1x1x128xi32>
    %eq3A_1858 = arith.constant 0 : i32
    %eq3A_1859 = vector.broadcast %eq3A_1858 : i32 to vector<1x1x128xi32>
    %eq3A_1860 = arith.cmpi eq, %and3A_1857, %eq3A_1859 : vector<1x1x128xi32>
    %eq3A_1861 = vector.broadcast %eq3A_1749 : vector<1x16x1xi1> to vector<1x16x128xi1>
    %eq3A_1862 = vector.broadcast %eq3A_1860 : vector<1x1x128xi1> to vector<1x16x128xi1>
    %eq3A_1863 = vector.broadcast %eq3A_1861 : vector<1x16x128xi1> to vector<1x16x128xi1>
    %eq3A_1864 = vector.broadcast %eq3A_1862 : vector<1x16x128xi1> to vector<1x16x128xi1>
    %eq3A_1865 = arith.xori %eq3A_1863, %eq3A_1864 : vector<1x16x128xi1>
    %eq3A_1866 = arith.constant dense<true> : vector<1x16x128xi1>
    %eq3A_1867 = arith.xori %eq3A_1865, %eq3A_1866 : vector<1x16x128xi1>
    %roll3A_1868 = arith.constant 64 : i32
    %roll3A_1869 = tpu.dynamic_rotate %select_n3A_1853 by %roll3A_1868 dim 2 : vector<32x16x128xf32>, i32 -> vector<32x16x128xf32>
    %roll3A_1870 = arith.constant 64 : i32
    %roll3A_1871 = tpu.dynamic_rotate %select_n3A_1853 by %roll3A_1870 dim 2 : vector<32x16x128xf32>, i32 -> vector<32x16x128xf32>
    %broadcast_in_dim3A_1872 = vector.shape_cast %eq3A_1860 : vector<1x1x128xi1> to vector<1x1x128xi1>
    %broadcast_in_dim3A_1873 = vector.broadcast %broadcast_in_dim3A_1872 : vector<1x1x128xi1> to vector<32x16x128xi1>
    %select_n3A_1874 = arith.select %broadcast_in_dim3A_1873, %roll3A_1869, %roll3A_1871 : vector<32x16x128xi1>, vector<32x16x128xf32>
    %roll3A_1875 = arith.constant 64 : i32
    %roll3A_1876 = tpu.dynamic_rotate %select_n3A_1854 by %roll3A_1875 dim 2 : vector<32x16x128xi32>, i32 -> vector<32x16x128xi32>
    %roll3A_1877 = arith.constant 64 : i32
    %roll3A_1878 = tpu.dynamic_rotate %select_n3A_1854 by %roll3A_1877 dim 2 : vector<32x16x128xi32>, i32 -> vector<32x16x128xi32>
    %broadcast_in_dim3A_1879 = vector.shape_cast %eq3A_1860 : vector<1x1x128xi1> to vector<1x1x128xi1>
    %broadcast_in_dim3A_1880 = vector.broadcast %broadcast_in_dim3A_1879 : vector<1x1x128xi1> to vector<32x16x128xi1>
    %select_n3A_1881 = arith.select %broadcast_in_dim3A_1880, %roll3A_1876, %roll3A_1878 : vector<32x16x128xi1>, vector<32x16x128xi32>
    %gt3A_1882 = arith.cmpf ogt, %select_n3A_1853, %select_n3A_1874 : vector<32x16x128xf32>
    %eq3A_1883 = arith.cmpf oeq, %select_n3A_1853, %select_n3A_1874 : vector<32x16x128xf32>
    %gt3A_1884 = arith.cmpi sgt, %select_n3A_1854, %select_n3A_1881 : vector<32x16x128xi32>
    %and3A_1885 = arith.andi %eq3A_1883, %gt3A_1884 : vector<32x16x128xi1>
    %or3A_1886 = arith.ori %gt3A_1882, %and3A_1885 : vector<32x16x128xi1>
    %eq3A_1887 = vector.broadcast %eq3A_1867 : vector<1x16x128xi1> to vector<32x16x128xi1>
    %eq3A_1888 = vector.broadcast %eq3A_1887 : vector<32x16x128xi1> to vector<32x16x128xi1>
    %eq3A_1889 = arith.xori %eq3A_1888, %or3A_1886 : vector<32x16x128xi1>
    %eq3A_1890 = arith.constant dense<true> : vector<32x16x128xi1>
    %eq3A_1891 = arith.xori %eq3A_1889, %eq3A_1890 : vector<32x16x128xi1>
    %select_n3A_1892 = arith.select %eq3A_1891, %select_n3A_1853, %select_n3A_1874 : vector<32x16x128xi1>, vector<32x16x128xf32>
    %select_n3A_1893 = arith.select %eq3A_1891, %select_n3A_1854, %select_n3A_1881 : vector<32x16x128xi1>, vector<32x16x128xi32>
    %and3A_1894 = arith.constant 32 : i32
    %and3A_1895 = vector.broadcast %and3A_1894 : i32 to vector<1x1x128xi32>
    %and3A_1896 = arith.andi %iota3A, %and3A_1895 : vector<1x1x128xi32>
    %eq3A_1897 = arith.constant 0 : i32
    %eq3A_1898 = vector.broadcast %eq3A_1897 : i32 to vector<1x1x128xi32>
    %eq3A_1899 = arith.cmpi eq, %and3A_1896, %eq3A_1898 : vector<1x1x128xi32>
    %eq3A_1900 = vector.broadcast %eq3A_1749 : vector<1x16x1xi1> to vector<1x16x128xi1>
    %eq3A_1901 = vector.broadcast %eq3A_1899 : vector<1x1x128xi1> to vector<1x16x128xi1>
    %eq3A_1902 = vector.broadcast %eq3A_1900 : vector<1x16x128xi1> to vector<1x16x128xi1>
    %eq3A_1903 = vector.broadcast %eq3A_1901 : vector<1x16x128xi1> to vector<1x16x128xi1>
    %eq3A_1904 = arith.xori %eq3A_1902, %eq3A_1903 : vector<1x16x128xi1>
    %eq3A_1905 = arith.constant dense<true> : vector<1x16x128xi1>
    %eq3A_1906 = arith.xori %eq3A_1904, %eq3A_1905 : vector<1x16x128xi1>
    %roll3A_1907 = arith.constant 96 : i32
    %roll3A_1908 = tpu.dynamic_rotate %select_n3A_1892 by %roll3A_1907 dim 2 : vector<32x16x128xf32>, i32 -> vector<32x16x128xf32>
    %roll3A_1909 = arith.constant 32 : i32
    %roll3A_1910 = tpu.dynamic_rotate %select_n3A_1892 by %roll3A_1909 dim 2 : vector<32x16x128xf32>, i32 -> vector<32x16x128xf32>
    %broadcast_in_dim3A_1911 = vector.shape_cast %eq3A_1899 : vector<1x1x128xi1> to vector<1x1x128xi1>
    %broadcast_in_dim3A_1912 = vector.broadcast %broadcast_in_dim3A_1911 : vector<1x1x128xi1> to vector<32x16x128xi1>
    %select_n3A_1913 = arith.select %broadcast_in_dim3A_1912, %roll3A_1908, %roll3A_1910 : vector<32x16x128xi1>, vector<32x16x128xf32>
    %roll3A_1914 = arith.constant 96 : i32
    %roll3A_1915 = tpu.dynamic_rotate %select_n3A_1893 by %roll3A_1914 dim 2 : vector<32x16x128xi32>, i32 -> vector<32x16x128xi32>
    %roll3A_1916 = arith.constant 32 : i32
    %roll3A_1917 = tpu.dynamic_rotate %select_n3A_1893 by %roll3A_1916 dim 2 : vector<32x16x128xi32>, i32 -> vector<32x16x128xi32>
    %broadcast_in_dim3A_1918 = vector.shape_cast %eq3A_1899 : vector<1x1x128xi1> to vector<1x1x128xi1>
    %broadcast_in_dim3A_1919 = vector.broadcast %broadcast_in_dim3A_1918 : vector<1x1x128xi1> to vector<32x16x128xi1>
    %select_n3A_1920 = arith.select %broadcast_in_dim3A_1919, %roll3A_1915, %roll3A_1917 : vector<32x16x128xi1>, vector<32x16x128xi32>
    %gt3A_1921 = arith.cmpf ogt, %select_n3A_1892, %select_n3A_1913 : vector<32x16x128xf32>
    %eq3A_1922 = arith.cmpf oeq, %select_n3A_1892, %select_n3A_1913 : vector<32x16x128xf32>
    %gt3A_1923 = arith.cmpi sgt, %select_n3A_1893, %select_n3A_1920 : vector<32x16x128xi32>
    %and3A_1924 = arith.andi %eq3A_1922, %gt3A_1923 : vector<32x16x128xi1>
    %or3A_1925 = arith.ori %gt3A_1921, %and3A_1924 : vector<32x16x128xi1>
    %eq3A_1926 = vector.broadcast %eq3A_1906 : vector<1x16x128xi1> to vector<32x16x128xi1>
    %eq3A_1927 = vector.broadcast %eq3A_1926 : vector<32x16x128xi1> to vector<32x16x128xi1>
    %eq3A_1928 = arith.xori %eq3A_1927, %or3A_1925 : vector<32x16x128xi1>
    %eq3A_1929 = arith.constant dense<true> : vector<32x16x128xi1>
    %eq3A_1930 = arith.xori %eq3A_1928, %eq3A_1929 : vector<32x16x128xi1>
    %select_n3A_1931 = arith.select %eq3A_1930, %select_n3A_1892, %select_n3A_1913 : vector<32x16x128xi1>, vector<32x16x128xf32>
    %select_n3A_1932 = arith.select %eq3A_1930, %select_n3A_1893, %select_n3A_1920 : vector<32x16x128xi1>, vector<32x16x128xi32>
    %and3A_1933 = arith.constant 16 : i32
    %and3A_1934 = vector.broadcast %and3A_1933 : i32 to vector<1x1x128xi32>
    %and3A_1935 = arith.andi %iota3A, %and3A_1934 : vector<1x1x128xi32>
    %eq3A_1936 = arith.constant 0 : i32
    %eq3A_1937 = vector.broadcast %eq3A_1936 : i32 to vector<1x1x128xi32>
    %eq3A_1938 = arith.cmpi eq, %and3A_1935, %eq3A_1937 : vector<1x1x128xi32>
    %eq3A_1939 = vector.broadcast %eq3A_1749 : vector<1x16x1xi1> to vector<1x16x128xi1>
    %eq3A_1940 = vector.broadcast %eq3A_1938 : vector<1x1x128xi1> to vector<1x16x128xi1>
    %eq3A_1941 = vector.broadcast %eq3A_1939 : vector<1x16x128xi1> to vector<1x16x128xi1>
    %eq3A_1942 = vector.broadcast %eq3A_1940 : vector<1x16x128xi1> to vector<1x16x128xi1>
    %eq3A_1943 = arith.xori %eq3A_1941, %eq3A_1942 : vector<1x16x128xi1>
    %eq3A_1944 = arith.constant dense<true> : vector<1x16x128xi1>
    %eq3A_1945 = arith.xori %eq3A_1943, %eq3A_1944 : vector<1x16x128xi1>
    %roll3A_1946 = arith.constant 112 : i32
    %roll3A_1947 = tpu.dynamic_rotate %select_n3A_1931 by %roll3A_1946 dim 2 : vector<32x16x128xf32>, i32 -> vector<32x16x128xf32>
    %roll3A_1948 = arith.constant 16 : i32
    %roll3A_1949 = tpu.dynamic_rotate %select_n3A_1931 by %roll3A_1948 dim 2 : vector<32x16x128xf32>, i32 -> vector<32x16x128xf32>
    %broadcast_in_dim3A_1950 = vector.shape_cast %eq3A_1938 : vector<1x1x128xi1> to vector<1x1x128xi1>
    %broadcast_in_dim3A_1951 = vector.broadcast %broadcast_in_dim3A_1950 : vector<1x1x128xi1> to vector<32x16x128xi1>
    %select_n3A_1952 = arith.select %broadcast_in_dim3A_1951, %roll3A_1947, %roll3A_1949 : vector<32x16x128xi1>, vector<32x16x128xf32>
    %roll3A_1953 = arith.constant 112 : i32
    %roll3A_1954 = tpu.dynamic_rotate %select_n3A_1932 by %roll3A_1953 dim 2 : vector<32x16x128xi32>, i32 -> vector<32x16x128xi32>
    %roll3A_1955 = arith.constant 16 : i32
    %roll3A_1956 = tpu.dynamic_rotate %select_n3A_1932 by %roll3A_1955 dim 2 : vector<32x16x128xi32>, i32 -> vector<32x16x128xi32>
    %broadcast_in_dim3A_1957 = vector.shape_cast %eq3A_1938 : vector<1x1x128xi1> to vector<1x1x128xi1>
    %broadcast_in_dim3A_1958 = vector.broadcast %broadcast_in_dim3A_1957 : vector<1x1x128xi1> to vector<32x16x128xi1>
    %select_n3A_1959 = arith.select %broadcast_in_dim3A_1958, %roll3A_1954, %roll3A_1956 : vector<32x16x128xi1>, vector<32x16x128xi32>
    %gt3A_1960 = arith.cmpf ogt, %select_n3A_1931, %select_n3A_1952 : vector<32x16x128xf32>
    %eq3A_1961 = arith.cmpf oeq, %select_n3A_1931, %select_n3A_1952 : vector<32x16x128xf32>
    %gt3A_1962 = arith.cmpi sgt, %select_n3A_1932, %select_n3A_1959 : vector<32x16x128xi32>
    %and3A_1963 = arith.andi %eq3A_1961, %gt3A_1962 : vector<32x16x128xi1>
    %or3A_1964 = arith.ori %gt3A_1960, %and3A_1963 : vector<32x16x128xi1>
    %eq3A_1965 = vector.broadcast %eq3A_1945 : vector<1x16x128xi1> to vector<32x16x128xi1>
    %eq3A_1966 = vector.broadcast %eq3A_1965 : vector<32x16x128xi1> to vector<32x16x128xi1>
    %eq3A_1967 = arith.xori %eq3A_1966, %or3A_1964 : vector<32x16x128xi1>
    %eq3A_1968 = arith.constant dense<true> : vector<32x16x128xi1>
    %eq3A_1969 = arith.xori %eq3A_1967, %eq3A_1968 : vector<32x16x128xi1>
    %select_n3A_1970 = arith.select %eq3A_1969, %select_n3A_1931, %select_n3A_1952 : vector<32x16x128xi1>, vector<32x16x128xf32>
    %select_n3A_1971 = arith.select %eq3A_1969, %select_n3A_1932, %select_n3A_1959 : vector<32x16x128xi1>, vector<32x16x128xi32>
    %and3A_1972 = arith.constant 8 : i32
    %and3A_1973 = vector.broadcast %and3A_1972 : i32 to vector<1x1x128xi32>
    %and3A_1974 = arith.andi %iota3A, %and3A_1973 : vector<1x1x128xi32>
    %eq3A_1975 = arith.constant 0 : i32
    %eq3A_1976 = vector.broadcast %eq3A_1975 : i32 to vector<1x1x128xi32>
    %eq3A_1977 = arith.cmpi eq, %and3A_1974, %eq3A_1976 : vector<1x1x128xi32>
    %eq3A_1978 = vector.broadcast %eq3A_1749 : vector<1x16x1xi1> to vector<1x16x128xi1>
    %eq3A_1979 = vector.broadcast %eq3A_1977 : vector<1x1x128xi1> to vector<1x16x128xi1>
    %eq3A_1980 = vector.broadcast %eq3A_1978 : vector<1x16x128xi1> to vector<1x16x128xi1>
    %eq3A_1981 = vector.broadcast %eq3A_1979 : vector<1x16x128xi1> to vector<1x16x128xi1>
    %eq3A_1982 = arith.xori %eq3A_1980, %eq3A_1981 : vector<1x16x128xi1>
    %eq3A_1983 = arith.constant dense<true> : vector<1x16x128xi1>
    %eq3A_1984 = arith.xori %eq3A_1982, %eq3A_1983 : vector<1x16x128xi1>
    %roll3A_1985 = arith.constant 120 : i32
    %roll3A_1986 = tpu.dynamic_rotate %select_n3A_1970 by %roll3A_1985 dim 2 : vector<32x16x128xf32>, i32 -> vector<32x16x128xf32>
    %roll3A_1987 = arith.constant 8 : i32
    %roll3A_1988 = tpu.dynamic_rotate %select_n3A_1970 by %roll3A_1987 dim 2 : vector<32x16x128xf32>, i32 -> vector<32x16x128xf32>
    %broadcast_in_dim3A_1989 = vector.shape_cast %eq3A_1977 : vector<1x1x128xi1> to vector<1x1x128xi1>
    %broadcast_in_dim3A_1990 = vector.broadcast %broadcast_in_dim3A_1989 : vector<1x1x128xi1> to vector<32x16x128xi1>
    %select_n3A_1991 = arith.select %broadcast_in_dim3A_1990, %roll3A_1986, %roll3A_1988 : vector<32x16x128xi1>, vector<32x16x128xf32>
    %roll3A_1992 = arith.constant 120 : i32
    %roll3A_1993 = tpu.dynamic_rotate %select_n3A_1971 by %roll3A_1992 dim 2 : vector<32x16x128xi32>, i32 -> vector<32x16x128xi32>
    %roll3A_1994 = arith.constant 8 : i32
    %roll3A_1995 = tpu.dynamic_rotate %select_n3A_1971 by %roll3A_1994 dim 2 : vector<32x16x128xi32>, i32 -> vector<32x16x128xi32>
    %broadcast_in_dim3A_1996 = vector.shape_cast %eq3A_1977 : vector<1x1x128xi1> to vector<1x1x128xi1>
    %broadcast_in_dim3A_1997 = vector.broadcast %broadcast_in_dim3A_1996 : vector<1x1x128xi1> to vector<32x16x128xi1>
    %select_n3A_1998 = arith.select %broadcast_in_dim3A_1997, %roll3A_1993, %roll3A_1995 : vector<32x16x128xi1>, vector<32x16x128xi32>
    %gt3A_1999 = arith.cmpf ogt, %select_n3A_1970, %select_n3A_1991 : vector<32x16x128xf32>
    %eq3A_2000 = arith.cmpf oeq, %select_n3A_1970, %select_n3A_1991 : vector<32x16x128xf32>
    %gt3A_2001 = arith.cmpi sgt, %select_n3A_1971, %select_n3A_1998 : vector<32x16x128xi32>
    %and3A_2002 = arith.andi %eq3A_2000, %gt3A_2001 : vector<32x16x128xi1>
    %or3A_2003 = arith.ori %gt3A_1999, %and3A_2002 : vector<32x16x128xi1>
    %eq3A_2004 = vector.broadcast %eq3A_1984 : vector<1x16x128xi1> to vector<32x16x128xi1>
    %eq3A_2005 = vector.broadcast %eq3A_2004 : vector<32x16x128xi1> to vector<32x16x128xi1>
    %eq3A_2006 = arith.xori %eq3A_2005, %or3A_2003 : vector<32x16x128xi1>
    %eq3A_2007 = arith.constant dense<true> : vector<32x16x128xi1>
    %eq3A_2008 = arith.xori %eq3A_2006, %eq3A_2007 : vector<32x16x128xi1>
    %select_n3A_2009 = arith.select %eq3A_2008, %select_n3A_1970, %select_n3A_1991 : vector<32x16x128xi1>, vector<32x16x128xf32>
    %select_n3A_2010 = arith.select %eq3A_2008, %select_n3A_1971, %select_n3A_1998 : vector<32x16x128xi1>, vector<32x16x128xi32>
    %and3A_2011 = arith.constant 4 : i32
    %and3A_2012 = vector.broadcast %and3A_2011 : i32 to vector<1x1x128xi32>
    %and3A_2013 = arith.andi %iota3A, %and3A_2012 : vector<1x1x128xi32>
    %eq3A_2014 = arith.constant 0 : i32
    %eq3A_2015 = vector.broadcast %eq3A_2014 : i32 to vector<1x1x128xi32>
    %eq3A_2016 = arith.cmpi eq, %and3A_2013, %eq3A_2015 : vector<1x1x128xi32>
    %eq3A_2017 = vector.broadcast %eq3A_1749 : vector<1x16x1xi1> to vector<1x16x128xi1>
    %eq3A_2018 = vector.broadcast %eq3A_2016 : vector<1x1x128xi1> to vector<1x16x128xi1>
    %eq3A_2019 = vector.broadcast %eq3A_2017 : vector<1x16x128xi1> to vector<1x16x128xi1>
    %eq3A_2020 = vector.broadcast %eq3A_2018 : vector<1x16x128xi1> to vector<1x16x128xi1>
    %eq3A_2021 = arith.xori %eq3A_2019, %eq3A_2020 : vector<1x16x128xi1>
    %eq3A_2022 = arith.constant dense<true> : vector<1x16x128xi1>
    %eq3A_2023 = arith.xori %eq3A_2021, %eq3A_2022 : vector<1x16x128xi1>
    %roll3A_2024 = arith.constant 124 : i32
    %roll3A_2025 = tpu.dynamic_rotate %select_n3A_2009 by %roll3A_2024 dim 2 : vector<32x16x128xf32>, i32 -> vector<32x16x128xf32>
    %roll3A_2026 = arith.constant 4 : i32
    %roll3A_2027 = tpu.dynamic_rotate %select_n3A_2009 by %roll3A_2026 dim 2 : vector<32x16x128xf32>, i32 -> vector<32x16x128xf32>
    %broadcast_in_dim3A_2028 = vector.shape_cast %eq3A_2016 : vector<1x1x128xi1> to vector<1x1x128xi1>
    %broadcast_in_dim3A_2029 = vector.broadcast %broadcast_in_dim3A_2028 : vector<1x1x128xi1> to vector<32x16x128xi1>
    %select_n3A_2030 = arith.select %broadcast_in_dim3A_2029, %roll3A_2025, %roll3A_2027 : vector<32x16x128xi1>, vector<32x16x128xf32>
    %roll3A_2031 = arith.constant 124 : i32
    %roll3A_2032 = tpu.dynamic_rotate %select_n3A_2010 by %roll3A_2031 dim 2 : vector<32x16x128xi32>, i32 -> vector<32x16x128xi32>
    %roll3A_2033 = arith.constant 4 : i32
    %roll3A_2034 = tpu.dynamic_rotate %select_n3A_2010 by %roll3A_2033 dim 2 : vector<32x16x128xi32>, i32 -> vector<32x16x128xi32>
    %broadcast_in_dim3A_2035 = vector.shape_cast %eq3A_2016 : vector<1x1x128xi1> to vector<1x1x128xi1>
    %broadcast_in_dim3A_2036 = vector.broadcast %broadcast_in_dim3A_2035 : vector<1x1x128xi1> to vector<32x16x128xi1>
    %select_n3A_2037 = arith.select %broadcast_in_dim3A_2036, %roll3A_2032, %roll3A_2034 : vector<32x16x128xi1>, vector<32x16x128xi32>
    %gt3A_2038 = arith.cmpf ogt, %select_n3A_2009, %select_n3A_2030 : vector<32x16x128xf32>
    %eq3A_2039 = arith.cmpf oeq, %select_n3A_2009, %select_n3A_2030 : vector<32x16x128xf32>
    %gt3A_2040 = arith.cmpi sgt, %select_n3A_2010, %select_n3A_2037 : vector<32x16x128xi32>
    %and3A_2041 = arith.andi %eq3A_2039, %gt3A_2040 : vector<32x16x128xi1>
    %or3A_2042 = arith.ori %gt3A_2038, %and3A_2041 : vector<32x16x128xi1>
    %eq3A_2043 = vector.broadcast %eq3A_2023 : vector<1x16x128xi1> to vector<32x16x128xi1>
    %eq3A_2044 = vector.broadcast %eq3A_2043 : vector<32x16x128xi1> to vector<32x16x128xi1>
    %eq3A_2045 = arith.xori %eq3A_2044, %or3A_2042 : vector<32x16x128xi1>
    %eq3A_2046 = arith.constant dense<true> : vector<32x16x128xi1>
    %eq3A_2047 = arith.xori %eq3A_2045, %eq3A_2046 : vector<32x16x128xi1>
    %select_n3A_2048 = arith.select %eq3A_2047, %select_n3A_2009, %select_n3A_2030 : vector<32x16x128xi1>, vector<32x16x128xf32>
    %select_n3A_2049 = arith.select %eq3A_2047, %select_n3A_2010, %select_n3A_2037 : vector<32x16x128xi1>, vector<32x16x128xi32>
    %and3A_2050 = arith.constant 2 : i32
    %and3A_2051 = vector.broadcast %and3A_2050 : i32 to vector<1x1x128xi32>
    %and3A_2052 = arith.andi %iota3A, %and3A_2051 : vector<1x1x128xi32>
    %eq3A_2053 = arith.constant 0 : i32
    %eq3A_2054 = vector.broadcast %eq3A_2053 : i32 to vector<1x1x128xi32>
    %eq3A_2055 = arith.cmpi eq, %and3A_2052, %eq3A_2054 : vector<1x1x128xi32>
    %eq3A_2056 = vector.broadcast %eq3A_1749 : vector<1x16x1xi1> to vector<1x16x128xi1>
    %eq3A_2057 = vector.broadcast %eq3A_2055 : vector<1x1x128xi1> to vector<1x16x128xi1>
    %eq3A_2058 = vector.broadcast %eq3A_2056 : vector<1x16x128xi1> to vector<1x16x128xi1>
    %eq3A_2059 = vector.broadcast %eq3A_2057 : vector<1x16x128xi1> to vector<1x16x128xi1>
    %eq3A_2060 = arith.xori %eq3A_2058, %eq3A_2059 : vector<1x16x128xi1>
    %eq3A_2061 = arith.constant dense<true> : vector<1x16x128xi1>
    %eq3A_2062 = arith.xori %eq3A_2060, %eq3A_2061 : vector<1x16x128xi1>
    %roll3A_2063 = arith.constant 126 : i32
    %roll3A_2064 = tpu.dynamic_rotate %select_n3A_2048 by %roll3A_2063 dim 2 : vector<32x16x128xf32>, i32 -> vector<32x16x128xf32>
    %roll3A_2065 = arith.constant 2 : i32
    %roll3A_2066 = tpu.dynamic_rotate %select_n3A_2048 by %roll3A_2065 dim 2 : vector<32x16x128xf32>, i32 -> vector<32x16x128xf32>
    %broadcast_in_dim3A_2067 = vector.shape_cast %eq3A_2055 : vector<1x1x128xi1> to vector<1x1x128xi1>
    %broadcast_in_dim3A_2068 = vector.broadcast %broadcast_in_dim3A_2067 : vector<1x1x128xi1> to vector<32x16x128xi1>
    %select_n3A_2069 = arith.select %broadcast_in_dim3A_2068, %roll3A_2064, %roll3A_2066 : vector<32x16x128xi1>, vector<32x16x128xf32>
    %roll3A_2070 = arith.constant 126 : i32
    %roll3A_2071 = tpu.dynamic_rotate %select_n3A_2049 by %roll3A_2070 dim 2 : vector<32x16x128xi32>, i32 -> vector<32x16x128xi32>
    %roll3A_2072 = arith.constant 2 : i32
    %roll3A_2073 = tpu.dynamic_rotate %select_n3A_2049 by %roll3A_2072 dim 2 : vector<32x16x128xi32>, i32 -> vector<32x16x128xi32>
    %broadcast_in_dim3A_2074 = vector.shape_cast %eq3A_2055 : vector<1x1x128xi1> to vector<1x1x128xi1>
    %broadcast_in_dim3A_2075 = vector.broadcast %broadcast_in_dim3A_2074 : vector<1x1x128xi1> to vector<32x16x128xi1>
    %select_n3A_2076 = arith.select %broadcast_in_dim3A_2075, %roll3A_2071, %roll3A_2073 : vector<32x16x128xi1>, vector<32x16x128xi32>
    %gt3A_2077 = arith.cmpf ogt, %select_n3A_2048, %select_n3A_2069 : vector<32x16x128xf32>
    %eq3A_2078 = arith.cmpf oeq, %select_n3A_2048, %select_n3A_2069 : vector<32x16x128xf32>
    %gt3A_2079 = arith.cmpi sgt, %select_n3A_2049, %select_n3A_2076 : vector<32x16x128xi32>
    %and3A_2080 = arith.andi %eq3A_2078, %gt3A_2079 : vector<32x16x128xi1>
    %or3A_2081 = arith.ori %gt3A_2077, %and3A_2080 : vector<32x16x128xi1>
    %eq3A_2082 = vector.broadcast %eq3A_2062 : vector<1x16x128xi1> to vector<32x16x128xi1>
    %eq3A_2083 = vector.broadcast %eq3A_2082 : vector<32x16x128xi1> to vector<32x16x128xi1>
    %eq3A_2084 = arith.xori %eq3A_2083, %or3A_2081 : vector<32x16x128xi1>
    %eq3A_2085 = arith.constant dense<true> : vector<32x16x128xi1>
    %eq3A_2086 = arith.xori %eq3A_2084, %eq3A_2085 : vector<32x16x128xi1>
    %select_n3A_2087 = arith.select %eq3A_2086, %select_n3A_2048, %select_n3A_2069 : vector<32x16x128xi1>, vector<32x16x128xf32>
    %select_n3A_2088 = arith.select %eq3A_2086, %select_n3A_2049, %select_n3A_2076 : vector<32x16x128xi1>, vector<32x16x128xi32>
    %and3A_2089 = arith.constant 1 : i32
    %and3A_2090 = vector.broadcast %and3A_2089 : i32 to vector<1x1x128xi32>
    %and3A_2091 = arith.andi %iota3A, %and3A_2090 : vector<1x1x128xi32>
    %eq3A_2092 = arith.constant 0 : i32
    %eq3A_2093 = vector.broadcast %eq3A_2092 : i32 to vector<1x1x128xi32>
    %eq3A_2094 = arith.cmpi eq, %and3A_2091, %eq3A_2093 : vector<1x1x128xi32>
    %eq3A_2095 = vector.broadcast %eq3A_1749 : vector<1x16x1xi1> to vector<1x16x128xi1>
    %eq3A_2096 = vector.broadcast %eq3A_2094 : vector<1x1x128xi1> to vector<1x16x128xi1>
    %eq3A_2097 = vector.broadcast %eq3A_2095 : vector<1x16x128xi1> to vector<1x16x128xi1>
    %eq3A_2098 = vector.broadcast %eq3A_2096 : vector<1x16x128xi1> to vector<1x16x128xi1>
    %eq3A_2099 = arith.xori %eq3A_2097, %eq3A_2098 : vector<1x16x128xi1>
    %eq3A_2100 = arith.constant dense<true> : vector<1x16x128xi1>
    %eq3A_2101 = arith.xori %eq3A_2099, %eq3A_2100 : vector<1x16x128xi1>
    %roll3A_2102 = arith.constant 127 : i32
    %roll3A_2103 = tpu.dynamic_rotate %select_n3A_2087 by %roll3A_2102 dim 2 : vector<32x16x128xf32>, i32 -> vector<32x16x128xf32>
    %roll3A_2104 = arith.constant 1 : i32
    %roll3A_2105 = tpu.dynamic_rotate %select_n3A_2087 by %roll3A_2104 dim 2 : vector<32x16x128xf32>, i32 -> vector<32x16x128xf32>
    %broadcast_in_dim3A_2106 = vector.shape_cast %eq3A_2094 : vector<1x1x128xi1> to vector<1x1x128xi1>
    %broadcast_in_dim3A_2107 = vector.broadcast %broadcast_in_dim3A_2106 : vector<1x1x128xi1> to vector<32x16x128xi1>
    %select_n3A_2108 = arith.select %broadcast_in_dim3A_2107, %roll3A_2103, %roll3A_2105 : vector<32x16x128xi1>, vector<32x16x128xf32>
    %roll3A_2109 = arith.constant 127 : i32
    %roll3A_2110 = tpu.dynamic_rotate %select_n3A_2088 by %roll3A_2109 dim 2 : vector<32x16x128xi32>, i32 -> vector<32x16x128xi32>
    %roll3A_2111 = arith.constant 1 : i32
    %roll3A_2112 = tpu.dynamic_rotate %select_n3A_2088 by %roll3A_2111 dim 2 : vector<32x16x128xi32>, i32 -> vector<32x16x128xi32>
    %broadcast_in_dim3A_2113 = vector.shape_cast %eq3A_2094 : vector<1x1x128xi1> to vector<1x1x128xi1>
    %broadcast_in_dim3A_2114 = vector.broadcast %broadcast_in_dim3A_2113 : vector<1x1x128xi1> to vector<32x16x128xi1>
    %select_n3A_2115 = arith.select %broadcast_in_dim3A_2114, %roll3A_2110, %roll3A_2112 : vector<32x16x128xi1>, vector<32x16x128xi32>
    %gt3A_2116 = arith.cmpf ogt, %select_n3A_2087, %select_n3A_2108 : vector<32x16x128xf32>
    %eq3A_2117 = arith.cmpf oeq, %select_n3A_2087, %select_n3A_2108 : vector<32x16x128xf32>
    %gt3A_2118 = arith.cmpi sgt, %select_n3A_2088, %select_n3A_2115 : vector<32x16x128xi32>
    %and3A_2119 = arith.andi %eq3A_2117, %gt3A_2118 : vector<32x16x128xi1>
    %or3A_2120 = arith.ori %gt3A_2116, %and3A_2119 : vector<32x16x128xi1>
    %eq3A_2121 = vector.broadcast %eq3A_2101 : vector<1x16x128xi1> to vector<32x16x128xi1>
    %eq3A_2122 = vector.broadcast %eq3A_2121 : vector<32x16x128xi1> to vector<32x16x128xi1>
    %eq3A_2123 = arith.xori %eq3A_2122, %or3A_2120 : vector<32x16x128xi1>
    %eq3A_2124 = arith.constant dense<true> : vector<32x16x128xi1>
    %eq3A_2125 = arith.xori %eq3A_2123, %eq3A_2124 : vector<32x16x128xi1>
    %select_n3A_2126 = arith.select %eq3A_2125, %select_n3A_2087, %select_n3A_2108 : vector<32x16x128xi1>, vector<32x16x128xf32>
    %select_n3A_2127 = arith.select %eq3A_2125, %select_n3A_2088, %select_n3A_2115 : vector<32x16x128xi1>, vector<32x16x128xi32>
    %and3A_2128 = arith.constant 16 : i32
    %and3A_2129 = vector.broadcast %and3A_2128 : i32 to vector<1x16x1xi32>
    %and3A_2130 = arith.andi %iota3A_1, %and3A_2129 : vector<1x16x1xi32>
    %eq3A_2131 = arith.constant 0 : i32
    %eq3A_2132 = vector.broadcast %eq3A_2131 : i32 to vector<1x16x1xi32>
    %eq3A_2133 = arith.cmpi eq, %and3A_2130, %eq3A_2132 : vector<1x16x1xi32>
    %and3A_2134 = arith.constant 8 : i32
    %and3A_2135 = vector.broadcast %and3A_2134 : i32 to vector<1x16x1xi32>
    %and3A_2136 = arith.andi %iota3A_1, %and3A_2135 : vector<1x16x1xi32>
    %eq3A_2137 = arith.constant 0 : i32
    %eq3A_2138 = vector.broadcast %eq3A_2137 : i32 to vector<1x16x1xi32>
    %eq3A_2139 = arith.cmpi eq, %and3A_2136, %eq3A_2138 : vector<1x16x1xi32>
    %eq3A_2140 = arith.xori %eq3A_2133, %eq3A_2139 : vector<1x16x1xi1>
    %eq3A_2141 = arith.constant dense<true> : vector<1x16x1xi1>
    %eq3A_2142 = arith.xori %eq3A_2140, %eq3A_2141 : vector<1x16x1xi1>
    %roll3A_2143 = arith.constant 8 : i32
    %roll3A_2144 = tpu.dynamic_rotate %select_n3A_2126 by %roll3A_2143 dim 1 : vector<32x16x128xf32>, i32 -> vector<32x16x128xf32>
    %roll3A_2145 = arith.constant 8 : i32
    %roll3A_2146 = tpu.dynamic_rotate %select_n3A_2126 by %roll3A_2145 dim 1 : vector<32x16x128xf32>, i32 -> vector<32x16x128xf32>
    %broadcast_in_dim3A_2147 = vector.shape_cast %eq3A_2139 : vector<1x16x1xi1> to vector<1x16x1xi1>
    %broadcast_in_dim3A_2148 = vector.broadcast %broadcast_in_dim3A_2147 : vector<1x16x1xi1> to vector<32x16x128xi1>
    %select_n3A_2149 = arith.select %broadcast_in_dim3A_2148, %roll3A_2144, %roll3A_2146 : vector<32x16x128xi1>, vector<32x16x128xf32>
    %roll3A_2150 = arith.constant 8 : i32
    %roll3A_2151 = tpu.dynamic_rotate %select_n3A_2127 by %roll3A_2150 dim 1 : vector<32x16x128xi32>, i32 -> vector<32x16x128xi32>
    %roll3A_2152 = arith.constant 8 : i32
    %roll3A_2153 = tpu.dynamic_rotate %select_n3A_2127 by %roll3A_2152 dim 1 : vector<32x16x128xi32>, i32 -> vector<32x16x128xi32>
    %broadcast_in_dim3A_2154 = vector.shape_cast %eq3A_2139 : vector<1x16x1xi1> to vector<1x16x1xi1>
    %broadcast_in_dim3A_2155 = vector.broadcast %broadcast_in_dim3A_2154 : vector<1x16x1xi1> to vector<32x16x128xi1>
    %select_n3A_2156 = arith.select %broadcast_in_dim3A_2155, %roll3A_2151, %roll3A_2153 : vector<32x16x128xi1>, vector<32x16x128xi32>
    %gt3A_2157 = arith.cmpf ogt, %select_n3A_2126, %select_n3A_2149 : vector<32x16x128xf32>
    %eq3A_2158 = arith.cmpf oeq, %select_n3A_2126, %select_n3A_2149 : vector<32x16x128xf32>
    %gt3A_2159 = arith.cmpi sgt, %select_n3A_2127, %select_n3A_2156 : vector<32x16x128xi32>
    %and3A_2160 = arith.andi %eq3A_2158, %gt3A_2159 : vector<32x16x128xi1>
    %or3A_2161 = arith.ori %gt3A_2157, %and3A_2160 : vector<32x16x128xi1>
    %eq3A_2162 = vector.broadcast %eq3A_2142 : vector<1x16x1xi1> to vector<32x16x128xi1>
    %eq3A_2163 = vector.broadcast %eq3A_2162 : vector<32x16x128xi1> to vector<32x16x128xi1>
    %eq3A_2164 = arith.xori %eq3A_2163, %or3A_2161 : vector<32x16x128xi1>
    %eq3A_2165 = arith.constant dense<true> : vector<32x16x128xi1>
    %eq3A_2166 = arith.xori %eq3A_2164, %eq3A_2165 : vector<32x16x128xi1>
    %select_n3A_2167 = arith.select %eq3A_2166, %select_n3A_2126, %select_n3A_2149 : vector<32x16x128xi1>, vector<32x16x128xf32>
    %select_n3A_2168 = arith.select %eq3A_2166, %select_n3A_2127, %select_n3A_2156 : vector<32x16x128xi1>, vector<32x16x128xi32>
    %and3A_2169 = arith.constant 4 : i32
    %and3A_2170 = vector.broadcast %and3A_2169 : i32 to vector<1x16x1xi32>
    %and3A_2171 = arith.andi %iota3A_1, %and3A_2170 : vector<1x16x1xi32>
    %eq3A_2172 = arith.constant 0 : i32
    %eq3A_2173 = vector.broadcast %eq3A_2172 : i32 to vector<1x16x1xi32>
    %eq3A_2174 = arith.cmpi eq, %and3A_2171, %eq3A_2173 : vector<1x16x1xi32>
    %eq3A_2175 = arith.xori %eq3A_2133, %eq3A_2174 : vector<1x16x1xi1>
    %eq3A_2176 = arith.constant dense<true> : vector<1x16x1xi1>
    %eq3A_2177 = arith.xori %eq3A_2175, %eq3A_2176 : vector<1x16x1xi1>
    %roll3A_2178 = arith.constant 12 : i32
    %roll3A_2179 = tpu.dynamic_rotate %select_n3A_2167 by %roll3A_2178 dim 1 : vector<32x16x128xf32>, i32 -> vector<32x16x128xf32>
    %roll3A_2180 = arith.constant 4 : i32
    %roll3A_2181 = tpu.dynamic_rotate %select_n3A_2167 by %roll3A_2180 dim 1 : vector<32x16x128xf32>, i32 -> vector<32x16x128xf32>
    %broadcast_in_dim3A_2182 = vector.shape_cast %eq3A_2174 : vector<1x16x1xi1> to vector<1x16x1xi1>
    %broadcast_in_dim3A_2183 = vector.broadcast %broadcast_in_dim3A_2182 : vector<1x16x1xi1> to vector<32x16x128xi1>
    %select_n3A_2184 = arith.select %broadcast_in_dim3A_2183, %roll3A_2179, %roll3A_2181 : vector<32x16x128xi1>, vector<32x16x128xf32>
    %roll3A_2185 = arith.constant 12 : i32
    %roll3A_2186 = tpu.dynamic_rotate %select_n3A_2168 by %roll3A_2185 dim 1 : vector<32x16x128xi32>, i32 -> vector<32x16x128xi32>
    %roll3A_2187 = arith.constant 4 : i32
    %roll3A_2188 = tpu.dynamic_rotate %select_n3A_2168 by %roll3A_2187 dim 1 : vector<32x16x128xi32>, i32 -> vector<32x16x128xi32>
    %broadcast_in_dim3A_2189 = vector.shape_cast %eq3A_2174 : vector<1x16x1xi1> to vector<1x16x1xi1>
    %broadcast_in_dim3A_2190 = vector.broadcast %broadcast_in_dim3A_2189 : vector<1x16x1xi1> to vector<32x16x128xi1>
    %select_n3A_2191 = arith.select %broadcast_in_dim3A_2190, %roll3A_2186, %roll3A_2188 : vector<32x16x128xi1>, vector<32x16x128xi32>
    %gt3A_2192 = arith.cmpf ogt, %select_n3A_2167, %select_n3A_2184 : vector<32x16x128xf32>
    %eq3A_2193 = arith.cmpf oeq, %select_n3A_2167, %select_n3A_2184 : vector<32x16x128xf32>
    %gt3A_2194 = arith.cmpi sgt, %select_n3A_2168, %select_n3A_2191 : vector<32x16x128xi32>
    %and3A_2195 = arith.andi %eq3A_2193, %gt3A_2194 : vector<32x16x128xi1>
    %or3A_2196 = arith.ori %gt3A_2192, %and3A_2195 : vector<32x16x128xi1>
    %eq3A_2197 = vector.broadcast %eq3A_2177 : vector<1x16x1xi1> to vector<32x16x128xi1>
    %eq3A_2198 = vector.broadcast %eq3A_2197 : vector<32x16x128xi1> to vector<32x16x128xi1>
    %eq3A_2199 = arith.xori %eq3A_2198, %or3A_2196 : vector<32x16x128xi1>
    %eq3A_2200 = arith.constant dense<true> : vector<32x16x128xi1>
    %eq3A_2201 = arith.xori %eq3A_2199, %eq3A_2200 : vector<32x16x128xi1>
    %select_n3A_2202 = arith.select %eq3A_2201, %select_n3A_2167, %select_n3A_2184 : vector<32x16x128xi1>, vector<32x16x128xf32>
    %select_n3A_2203 = arith.select %eq3A_2201, %select_n3A_2168, %select_n3A_2191 : vector<32x16x128xi1>, vector<32x16x128xi32>
    %and3A_2204 = arith.constant 2 : i32
    %and3A_2205 = vector.broadcast %and3A_2204 : i32 to vector<1x16x1xi32>
    %and3A_2206 = arith.andi %iota3A_1, %and3A_2205 : vector<1x16x1xi32>
    %eq3A_2207 = arith.constant 0 : i32
    %eq3A_2208 = vector.broadcast %eq3A_2207 : i32 to vector<1x16x1xi32>
    %eq3A_2209 = arith.cmpi eq, %and3A_2206, %eq3A_2208 : vector<1x16x1xi32>
    %eq3A_2210 = arith.xori %eq3A_2133, %eq3A_2209 : vector<1x16x1xi1>
    %eq3A_2211 = arith.constant dense<true> : vector<1x16x1xi1>
    %eq3A_2212 = arith.xori %eq3A_2210, %eq3A_2211 : vector<1x16x1xi1>
    %roll3A_2213 = arith.constant 14 : i32
    %roll3A_2214 = tpu.dynamic_rotate %select_n3A_2202 by %roll3A_2213 dim 1 : vector<32x16x128xf32>, i32 -> vector<32x16x128xf32>
    %roll3A_2215 = arith.constant 2 : i32
    %roll3A_2216 = tpu.dynamic_rotate %select_n3A_2202 by %roll3A_2215 dim 1 : vector<32x16x128xf32>, i32 -> vector<32x16x128xf32>
    %broadcast_in_dim3A_2217 = vector.shape_cast %eq3A_2209 : vector<1x16x1xi1> to vector<1x16x1xi1>
    %broadcast_in_dim3A_2218 = vector.broadcast %broadcast_in_dim3A_2217 : vector<1x16x1xi1> to vector<32x16x128xi1>
    %select_n3A_2219 = arith.select %broadcast_in_dim3A_2218, %roll3A_2214, %roll3A_2216 : vector<32x16x128xi1>, vector<32x16x128xf32>
    %roll3A_2220 = arith.constant 14 : i32
    %roll3A_2221 = tpu.dynamic_rotate %select_n3A_2203 by %roll3A_2220 dim 1 : vector<32x16x128xi32>, i32 -> vector<32x16x128xi32>
    %roll3A_2222 = arith.constant 2 : i32
    %roll3A_2223 = tpu.dynamic_rotate %select_n3A_2203 by %roll3A_2222 dim 1 : vector<32x16x128xi32>, i32 -> vector<32x16x128xi32>
    %broadcast_in_dim3A_2224 = vector.shape_cast %eq3A_2209 : vector<1x16x1xi1> to vector<1x16x1xi1>
    %broadcast_in_dim3A_2225 = vector.broadcast %broadcast_in_dim3A_2224 : vector<1x16x1xi1> to vector<32x16x128xi1>
    %select_n3A_2226 = arith.select %broadcast_in_dim3A_2225, %roll3A_2221, %roll3A_2223 : vector<32x16x128xi1>, vector<32x16x128xi32>
    %gt3A_2227 = arith.cmpf ogt, %select_n3A_2202, %select_n3A_2219 : vector<32x16x128xf32>
    %eq3A_2228 = arith.cmpf oeq, %select_n3A_2202, %select_n3A_2219 : vector<32x16x128xf32>
    %gt3A_2229 = arith.cmpi sgt, %select_n3A_2203, %select_n3A_2226 : vector<32x16x128xi32>
    %and3A_2230 = arith.andi %eq3A_2228, %gt3A_2229 : vector<32x16x128xi1>
    %or3A_2231 = arith.ori %gt3A_2227, %and3A_2230 : vector<32x16x128xi1>
    %eq3A_2232 = vector.broadcast %eq3A_2212 : vector<1x16x1xi1> to vector<32x16x128xi1>
    %eq3A_2233 = vector.broadcast %eq3A_2232 : vector<32x16x128xi1> to vector<32x16x128xi1>
    %eq3A_2234 = arith.xori %eq3A_2233, %or3A_2231 : vector<32x16x128xi1>
    %eq3A_2235 = arith.constant dense<true> : vector<32x16x128xi1>
    %eq3A_2236 = arith.xori %eq3A_2234, %eq3A_2235 : vector<32x16x128xi1>
    %select_n3A_2237 = arith.select %eq3A_2236, %select_n3A_2202, %select_n3A_2219 : vector<32x16x128xi1>, vector<32x16x128xf32>
    %select_n3A_2238 = arith.select %eq3A_2236, %select_n3A_2203, %select_n3A_2226 : vector<32x16x128xi1>, vector<32x16x128xi32>
    %and3A_2239 = arith.constant 1 : i32
    %and3A_2240 = vector.broadcast %and3A_2239 : i32 to vector<1x16x1xi32>
    %and3A_2241 = arith.andi %iota3A_1, %and3A_2240 : vector<1x16x1xi32>
    %eq3A_2242 = arith.constant 0 : i32
    %eq3A_2243 = vector.broadcast %eq3A_2242 : i32 to vector<1x16x1xi32>
    %eq3A_2244 = arith.cmpi eq, %and3A_2241, %eq3A_2243 : vector<1x16x1xi32>
    %eq3A_2245 = arith.xori %eq3A_2133, %eq3A_2244 : vector<1x16x1xi1>
    %eq3A_2246 = arith.constant dense<true> : vector<1x16x1xi1>
    %eq3A_2247 = arith.xori %eq3A_2245, %eq3A_2246 : vector<1x16x1xi1>
    %roll3A_2248 = arith.constant 15 : i32
    %roll3A_2249 = tpu.dynamic_rotate %select_n3A_2237 by %roll3A_2248 dim 1 : vector<32x16x128xf32>, i32 -> vector<32x16x128xf32>
    %roll3A_2250 = arith.constant 1 : i32
    %roll3A_2251 = tpu.dynamic_rotate %select_n3A_2237 by %roll3A_2250 dim 1 : vector<32x16x128xf32>, i32 -> vector<32x16x128xf32>
    %broadcast_in_dim3A_2252 = vector.shape_cast %eq3A_2244 : vector<1x16x1xi1> to vector<1x16x1xi1>
    %broadcast_in_dim3A_2253 = vector.broadcast %broadcast_in_dim3A_2252 : vector<1x16x1xi1> to vector<32x16x128xi1>
    %select_n3A_2254 = arith.select %broadcast_in_dim3A_2253, %roll3A_2249, %roll3A_2251 : vector<32x16x128xi1>, vector<32x16x128xf32>
    %roll3A_2255 = arith.constant 15 : i32
    %roll3A_2256 = tpu.dynamic_rotate %select_n3A_2238 by %roll3A_2255 dim 1 : vector<32x16x128xi32>, i32 -> vector<32x16x128xi32>
    %roll3A_2257 = arith.constant 1 : i32
    %roll3A_2258 = tpu.dynamic_rotate %select_n3A_2238 by %roll3A_2257 dim 1 : vector<32x16x128xi32>, i32 -> vector<32x16x128xi32>
    %broadcast_in_dim3A_2259 = vector.shape_cast %eq3A_2244 : vector<1x16x1xi1> to vector<1x16x1xi1>
    %broadcast_in_dim3A_2260 = vector.broadcast %broadcast_in_dim3A_2259 : vector<1x16x1xi1> to vector<32x16x128xi1>
    %select_n3A_2261 = arith.select %broadcast_in_dim3A_2260, %roll3A_2256, %roll3A_2258 : vector<32x16x128xi1>, vector<32x16x128xi32>
    %gt3A_2262 = arith.cmpf ogt, %select_n3A_2237, %select_n3A_2254 : vector<32x16x128xf32>
    %eq3A_2263 = arith.cmpf oeq, %select_n3A_2237, %select_n3A_2254 : vector<32x16x128xf32>
    %gt3A_2264 = arith.cmpi sgt, %select_n3A_2238, %select_n3A_2261 : vector<32x16x128xi32>
    %and3A_2265 = arith.andi %eq3A_2263, %gt3A_2264 : vector<32x16x128xi1>
    %or3A_2266 = arith.ori %gt3A_2262, %and3A_2265 : vector<32x16x128xi1>
    %eq3A_2267 = vector.broadcast %eq3A_2247 : vector<1x16x1xi1> to vector<32x16x128xi1>
    %eq3A_2268 = vector.broadcast %eq3A_2267 : vector<32x16x128xi1> to vector<32x16x128xi1>
    %eq3A_2269 = arith.xori %eq3A_2268, %or3A_2266 : vector<32x16x128xi1>
    %eq3A_2270 = arith.constant dense<true> : vector<32x16x128xi1>
    %eq3A_2271 = arith.xori %eq3A_2269, %eq3A_2270 : vector<32x16x128xi1>
    %select_n3A_2272 = arith.select %eq3A_2271, %select_n3A_2237, %select_n3A_2254 : vector<32x16x128xi1>, vector<32x16x128xf32>
    %select_n3A_2273 = arith.select %eq3A_2271, %select_n3A_2238, %select_n3A_2261 : vector<32x16x128xi1>, vector<32x16x128xi32>
    %and3A_2274 = arith.constant 64 : i32
    %and3A_2275 = vector.broadcast %and3A_2274 : i32 to vector<1x1x128xi32>
    %and3A_2276 = arith.andi %iota3A, %and3A_2275 : vector<1x1x128xi32>
    %eq3A_2277 = arith.constant 0 : i32
    %eq3A_2278 = vector.broadcast %eq3A_2277 : i32 to vector<1x1x128xi32>
    %eq3A_2279 = arith.cmpi eq, %and3A_2276, %eq3A_2278 : vector<1x1x128xi32>
    %eq3A_2280 = vector.broadcast %eq3A_2133 : vector<1x16x1xi1> to vector<1x16x128xi1>
    %eq3A_2281 = vector.broadcast %eq3A_2279 : vector<1x1x128xi1> to vector<1x16x128xi1>
    %eq3A_2282 = vector.broadcast %eq3A_2280 : vector<1x16x128xi1> to vector<1x16x128xi1>
    %eq3A_2283 = vector.broadcast %eq3A_2281 : vector<1x16x128xi1> to vector<1x16x128xi1>
    %eq3A_2284 = arith.xori %eq3A_2282, %eq3A_2283 : vector<1x16x128xi1>
    %eq3A_2285 = arith.constant dense<true> : vector<1x16x128xi1>
    %eq3A_2286 = arith.xori %eq3A_2284, %eq3A_2285 : vector<1x16x128xi1>
    %roll3A_2287 = arith.constant 64 : i32
    %roll3A_2288 = tpu.dynamic_rotate %select_n3A_2272 by %roll3A_2287 dim 2 : vector<32x16x128xf32>, i32 -> vector<32x16x128xf32>
    %roll3A_2289 = arith.constant 64 : i32
    %roll3A_2290 = tpu.dynamic_rotate %select_n3A_2272 by %roll3A_2289 dim 2 : vector<32x16x128xf32>, i32 -> vector<32x16x128xf32>
    %broadcast_in_dim3A_2291 = vector.shape_cast %eq3A_2279 : vector<1x1x128xi1> to vector<1x1x128xi1>
    %broadcast_in_dim3A_2292 = vector.broadcast %broadcast_in_dim3A_2291 : vector<1x1x128xi1> to vector<32x16x128xi1>
    %select_n3A_2293 = arith.select %broadcast_in_dim3A_2292, %roll3A_2288, %roll3A_2290 : vector<32x16x128xi1>, vector<32x16x128xf32>
    %roll3A_2294 = arith.constant 64 : i32
    %roll3A_2295 = tpu.dynamic_rotate %select_n3A_2273 by %roll3A_2294 dim 2 : vector<32x16x128xi32>, i32 -> vector<32x16x128xi32>
    %roll3A_2296 = arith.constant 64 : i32
    %roll3A_2297 = tpu.dynamic_rotate %select_n3A_2273 by %roll3A_2296 dim 2 : vector<32x16x128xi32>, i32 -> vector<32x16x128xi32>
    %broadcast_in_dim3A_2298 = vector.shape_cast %eq3A_2279 : vector<1x1x128xi1> to vector<1x1x128xi1>
    %broadcast_in_dim3A_2299 = vector.broadcast %broadcast_in_dim3A_2298 : vector<1x1x128xi1> to vector<32x16x128xi1>
    %select_n3A_2300 = arith.select %broadcast_in_dim3A_2299, %roll3A_2295, %roll3A_2297 : vector<32x16x128xi1>, vector<32x16x128xi32>
    %gt3A_2301 = arith.cmpf ogt, %select_n3A_2272, %select_n3A_2293 : vector<32x16x128xf32>
    %eq3A_2302 = arith.cmpf oeq, %select_n3A_2272, %select_n3A_2293 : vector<32x16x128xf32>
    %gt3A_2303 = arith.cmpi sgt, %select_n3A_2273, %select_n3A_2300 : vector<32x16x128xi32>
    %and3A_2304 = arith.andi %eq3A_2302, %gt3A_2303 : vector<32x16x128xi1>
    %or3A_2305 = arith.ori %gt3A_2301, %and3A_2304 : vector<32x16x128xi1>
    %eq3A_2306 = vector.broadcast %eq3A_2286 : vector<1x16x128xi1> to vector<32x16x128xi1>
    %eq3A_2307 = vector.broadcast %eq3A_2306 : vector<32x16x128xi1> to vector<32x16x128xi1>
    %eq3A_2308 = arith.xori %eq3A_2307, %or3A_2305 : vector<32x16x128xi1>
    %eq3A_2309 = arith.constant dense<true> : vector<32x16x128xi1>
    %eq3A_2310 = arith.xori %eq3A_2308, %eq3A_2309 : vector<32x16x128xi1>
    %select_n3A_2311 = arith.select %eq3A_2310, %select_n3A_2272, %select_n3A_2293 : vector<32x16x128xi1>, vector<32x16x128xf32>
    %select_n3A_2312 = arith.select %eq3A_2310, %select_n3A_2273, %select_n3A_2300 : vector<32x16x128xi1>, vector<32x16x128xi32>
    %and3A_2313 = arith.constant 32 : i32
    %and3A_2314 = vector.broadcast %and3A_2313 : i32 to vector<1x1x128xi32>
    %and3A_2315 = arith.andi %iota3A, %and3A_2314 : vector<1x1x128xi32>
    %eq3A_2316 = arith.constant 0 : i32
    %eq3A_2317 = vector.broadcast %eq3A_2316 : i32 to vector<1x1x128xi32>
    %eq3A_2318 = arith.cmpi eq, %and3A_2315, %eq3A_2317 : vector<1x1x128xi32>
    %eq3A_2319 = vector.broadcast %eq3A_2133 : vector<1x16x1xi1> to vector<1x16x128xi1>
    %eq3A_2320 = vector.broadcast %eq3A_2318 : vector<1x1x128xi1> to vector<1x16x128xi1>
    %eq3A_2321 = vector.broadcast %eq3A_2319 : vector<1x16x128xi1> to vector<1x16x128xi1>
    %eq3A_2322 = vector.broadcast %eq3A_2320 : vector<1x16x128xi1> to vector<1x16x128xi1>
    %eq3A_2323 = arith.xori %eq3A_2321, %eq3A_2322 : vector<1x16x128xi1>
    %eq3A_2324 = arith.constant dense<true> : vector<1x16x128xi1>
    %eq3A_2325 = arith.xori %eq3A_2323, %eq3A_2324 : vector<1x16x128xi1>
    %roll3A_2326 = arith.constant 96 : i32
    %roll3A_2327 = tpu.dynamic_rotate %select_n3A_2311 by %roll3A_2326 dim 2 : vector<32x16x128xf32>, i32 -> vector<32x16x128xf32>
    %roll3A_2328 = arith.constant 32 : i32
    %roll3A_2329 = tpu.dynamic_rotate %select_n3A_2311 by %roll3A_2328 dim 2 : vector<32x16x128xf32>, i32 -> vector<32x16x128xf32>
    %broadcast_in_dim3A_2330 = vector.shape_cast %eq3A_2318 : vector<1x1x128xi1> to vector<1x1x128xi1>
    %broadcast_in_dim3A_2331 = vector.broadcast %broadcast_in_dim3A_2330 : vector<1x1x128xi1> to vector<32x16x128xi1>
    %select_n3A_2332 = arith.select %broadcast_in_dim3A_2331, %roll3A_2327, %roll3A_2329 : vector<32x16x128xi1>, vector<32x16x128xf32>
    %roll3A_2333 = arith.constant 96 : i32
    %roll3A_2334 = tpu.dynamic_rotate %select_n3A_2312 by %roll3A_2333 dim 2 : vector<32x16x128xi32>, i32 -> vector<32x16x128xi32>
    %roll3A_2335 = arith.constant 32 : i32
    %roll3A_2336 = tpu.dynamic_rotate %select_n3A_2312 by %roll3A_2335 dim 2 : vector<32x16x128xi32>, i32 -> vector<32x16x128xi32>
    %broadcast_in_dim3A_2337 = vector.shape_cast %eq3A_2318 : vector<1x1x128xi1> to vector<1x1x128xi1>
    %broadcast_in_dim3A_2338 = vector.broadcast %broadcast_in_dim3A_2337 : vector<1x1x128xi1> to vector<32x16x128xi1>
    %select_n3A_2339 = arith.select %broadcast_in_dim3A_2338, %roll3A_2334, %roll3A_2336 : vector<32x16x128xi1>, vector<32x16x128xi32>
    %gt3A_2340 = arith.cmpf ogt, %select_n3A_2311, %select_n3A_2332 : vector<32x16x128xf32>
    %eq3A_2341 = arith.cmpf oeq, %select_n3A_2311, %select_n3A_2332 : vector<32x16x128xf32>
    %gt3A_2342 = arith.cmpi sgt, %select_n3A_2312, %select_n3A_2339 : vector<32x16x128xi32>
    %and3A_2343 = arith.andi %eq3A_2341, %gt3A_2342 : vector<32x16x128xi1>
    %or3A_2344 = arith.ori %gt3A_2340, %and3A_2343 : vector<32x16x128xi1>
    %eq3A_2345 = vector.broadcast %eq3A_2325 : vector<1x16x128xi1> to vector<32x16x128xi1>
    %eq3A_2346 = vector.broadcast %eq3A_2345 : vector<32x16x128xi1> to vector<32x16x128xi1>
    %eq3A_2347 = arith.xori %eq3A_2346, %or3A_2344 : vector<32x16x128xi1>
    %eq3A_2348 = arith.constant dense<true> : vector<32x16x128xi1>
    %eq3A_2349 = arith.xori %eq3A_2347, %eq3A_2348 : vector<32x16x128xi1>
    %select_n3A_2350 = arith.select %eq3A_2349, %select_n3A_2311, %select_n3A_2332 : vector<32x16x128xi1>, vector<32x16x128xf32>
    %select_n3A_2351 = arith.select %eq3A_2349, %select_n3A_2312, %select_n3A_2339 : vector<32x16x128xi1>, vector<32x16x128xi32>
    %and3A_2352 = arith.constant 16 : i32
    %and3A_2353 = vector.broadcast %and3A_2352 : i32 to vector<1x1x128xi32>
    %and3A_2354 = arith.andi %iota3A, %and3A_2353 : vector<1x1x128xi32>
    %eq3A_2355 = arith.constant 0 : i32
    %eq3A_2356 = vector.broadcast %eq3A_2355 : i32 to vector<1x1x128xi32>
    %eq3A_2357 = arith.cmpi eq, %and3A_2354, %eq3A_2356 : vector<1x1x128xi32>
    %eq3A_2358 = vector.broadcast %eq3A_2133 : vector<1x16x1xi1> to vector<1x16x128xi1>
    %eq3A_2359 = vector.broadcast %eq3A_2357 : vector<1x1x128xi1> to vector<1x16x128xi1>
    %eq3A_2360 = vector.broadcast %eq3A_2358 : vector<1x16x128xi1> to vector<1x16x128xi1>
    %eq3A_2361 = vector.broadcast %eq3A_2359 : vector<1x16x128xi1> to vector<1x16x128xi1>
    %eq3A_2362 = arith.xori %eq3A_2360, %eq3A_2361 : vector<1x16x128xi1>
    %eq3A_2363 = arith.constant dense<true> : vector<1x16x128xi1>
    %eq3A_2364 = arith.xori %eq3A_2362, %eq3A_2363 : vector<1x16x128xi1>
    %roll3A_2365 = arith.constant 112 : i32
    %roll3A_2366 = tpu.dynamic_rotate %select_n3A_2350 by %roll3A_2365 dim 2 : vector<32x16x128xf32>, i32 -> vector<32x16x128xf32>
    %roll3A_2367 = arith.constant 16 : i32
    %roll3A_2368 = tpu.dynamic_rotate %select_n3A_2350 by %roll3A_2367 dim 2 : vector<32x16x128xf32>, i32 -> vector<32x16x128xf32>
    %broadcast_in_dim3A_2369 = vector.shape_cast %eq3A_2357 : vector<1x1x128xi1> to vector<1x1x128xi1>
    %broadcast_in_dim3A_2370 = vector.broadcast %broadcast_in_dim3A_2369 : vector<1x1x128xi1> to vector<32x16x128xi1>
    %select_n3A_2371 = arith.select %broadcast_in_dim3A_2370, %roll3A_2366, %roll3A_2368 : vector<32x16x128xi1>, vector<32x16x128xf32>
    %roll3A_2372 = arith.constant 112 : i32
    %roll3A_2373 = tpu.dynamic_rotate %select_n3A_2351 by %roll3A_2372 dim 2 : vector<32x16x128xi32>, i32 -> vector<32x16x128xi32>
    %roll3A_2374 = arith.constant 16 : i32
    %roll3A_2375 = tpu.dynamic_rotate %select_n3A_2351 by %roll3A_2374 dim 2 : vector<32x16x128xi32>, i32 -> vector<32x16x128xi32>
    %broadcast_in_dim3A_2376 = vector.shape_cast %eq3A_2357 : vector<1x1x128xi1> to vector<1x1x128xi1>
    %broadcast_in_dim3A_2377 = vector.broadcast %broadcast_in_dim3A_2376 : vector<1x1x128xi1> to vector<32x16x128xi1>
    %select_n3A_2378 = arith.select %broadcast_in_dim3A_2377, %roll3A_2373, %roll3A_2375 : vector<32x16x128xi1>, vector<32x16x128xi32>
    %gt3A_2379 = arith.cmpf ogt, %select_n3A_2350, %select_n3A_2371 : vector<32x16x128xf32>
    %eq3A_2380 = arith.cmpf oeq, %select_n3A_2350, %select_n3A_2371 : vector<32x16x128xf32>
    %gt3A_2381 = arith.cmpi sgt, %select_n3A_2351, %select_n3A_2378 : vector<32x16x128xi32>
    %and3A_2382 = arith.andi %eq3A_2380, %gt3A_2381 : vector<32x16x128xi1>
    %or3A_2383 = arith.ori %gt3A_2379, %and3A_2382 : vector<32x16x128xi1>
    %eq3A_2384 = vector.broadcast %eq3A_2364 : vector<1x16x128xi1> to vector<32x16x128xi1>
    %eq3A_2385 = vector.broadcast %eq3A_2384 : vector<32x16x128xi1> to vector<32x16x128xi1>
    %eq3A_2386 = arith.xori %eq3A_2385, %or3A_2383 : vector<32x16x128xi1>
    %eq3A_2387 = arith.constant dense<true> : vector<32x16x128xi1>
    %eq3A_2388 = arith.xori %eq3A_2386, %eq3A_2387 : vector<32x16x128xi1>
    %select_n3A_2389 = arith.select %eq3A_2388, %select_n3A_2350, %select_n3A_2371 : vector<32x16x128xi1>, vector<32x16x128xf32>
    %select_n3A_2390 = arith.select %eq3A_2388, %select_n3A_2351, %select_n3A_2378 : vector<32x16x128xi1>, vector<32x16x128xi32>
    %and3A_2391 = arith.constant 8 : i32
    %and3A_2392 = vector.broadcast %and3A_2391 : i32 to vector<1x1x128xi32>
    %and3A_2393 = arith.andi %iota3A, %and3A_2392 : vector<1x1x128xi32>
    %eq3A_2394 = arith.constant 0 : i32
    %eq3A_2395 = vector.broadcast %eq3A_2394 : i32 to vector<1x1x128xi32>
    %eq3A_2396 = arith.cmpi eq, %and3A_2393, %eq3A_2395 : vector<1x1x128xi32>
    %eq3A_2397 = vector.broadcast %eq3A_2133 : vector<1x16x1xi1> to vector<1x16x128xi1>
    %eq3A_2398 = vector.broadcast %eq3A_2396 : vector<1x1x128xi1> to vector<1x16x128xi1>
    %eq3A_2399 = vector.broadcast %eq3A_2397 : vector<1x16x128xi1> to vector<1x16x128xi1>
    %eq3A_2400 = vector.broadcast %eq3A_2398 : vector<1x16x128xi1> to vector<1x16x128xi1>
    %eq3A_2401 = arith.xori %eq3A_2399, %eq3A_2400 : vector<1x16x128xi1>
    %eq3A_2402 = arith.constant dense<true> : vector<1x16x128xi1>
    %eq3A_2403 = arith.xori %eq3A_2401, %eq3A_2402 : vector<1x16x128xi1>
    %roll3A_2404 = arith.constant 120 : i32
    %roll3A_2405 = tpu.dynamic_rotate %select_n3A_2389 by %roll3A_2404 dim 2 : vector<32x16x128xf32>, i32 -> vector<32x16x128xf32>
    %roll3A_2406 = arith.constant 8 : i32
    %roll3A_2407 = tpu.dynamic_rotate %select_n3A_2389 by %roll3A_2406 dim 2 : vector<32x16x128xf32>, i32 -> vector<32x16x128xf32>
    %broadcast_in_dim3A_2408 = vector.shape_cast %eq3A_2396 : vector<1x1x128xi1> to vector<1x1x128xi1>
    %broadcast_in_dim3A_2409 = vector.broadcast %broadcast_in_dim3A_2408 : vector<1x1x128xi1> to vector<32x16x128xi1>
    %select_n3A_2410 = arith.select %broadcast_in_dim3A_2409, %roll3A_2405, %roll3A_2407 : vector<32x16x128xi1>, vector<32x16x128xf32>
    %roll3A_2411 = arith.constant 120 : i32
    %roll3A_2412 = tpu.dynamic_rotate %select_n3A_2390 by %roll3A_2411 dim 2 : vector<32x16x128xi32>, i32 -> vector<32x16x128xi32>
    %roll3A_2413 = arith.constant 8 : i32
    %roll3A_2414 = tpu.dynamic_rotate %select_n3A_2390 by %roll3A_2413 dim 2 : vector<32x16x128xi32>, i32 -> vector<32x16x128xi32>
    %broadcast_in_dim3A_2415 = vector.shape_cast %eq3A_2396 : vector<1x1x128xi1> to vector<1x1x128xi1>
    %broadcast_in_dim3A_2416 = vector.broadcast %broadcast_in_dim3A_2415 : vector<1x1x128xi1> to vector<32x16x128xi1>
    %select_n3A_2417 = arith.select %broadcast_in_dim3A_2416, %roll3A_2412, %roll3A_2414 : vector<32x16x128xi1>, vector<32x16x128xi32>
    %gt3A_2418 = arith.cmpf ogt, %select_n3A_2389, %select_n3A_2410 : vector<32x16x128xf32>
    %eq3A_2419 = arith.cmpf oeq, %select_n3A_2389, %select_n3A_2410 : vector<32x16x128xf32>
    %gt3A_2420 = arith.cmpi sgt, %select_n3A_2390, %select_n3A_2417 : vector<32x16x128xi32>
    %and3A_2421 = arith.andi %eq3A_2419, %gt3A_2420 : vector<32x16x128xi1>
    %or3A_2422 = arith.ori %gt3A_2418, %and3A_2421 : vector<32x16x128xi1>
    %eq3A_2423 = vector.broadcast %eq3A_2403 : vector<1x16x128xi1> to vector<32x16x128xi1>
    %eq3A_2424 = vector.broadcast %eq3A_2423 : vector<32x16x128xi1> to vector<32x16x128xi1>
    %eq3A_2425 = arith.xori %eq3A_2424, %or3A_2422 : vector<32x16x128xi1>
    %eq3A_2426 = arith.constant dense<true> : vector<32x16x128xi1>
    %eq3A_2427 = arith.xori %eq3A_2425, %eq3A_2426 : vector<32x16x128xi1>
    %select_n3A_2428 = arith.select %eq3A_2427, %select_n3A_2389, %select_n3A_2410 : vector<32x16x128xi1>, vector<32x16x128xf32>
    %select_n3A_2429 = arith.select %eq3A_2427, %select_n3A_2390, %select_n3A_2417 : vector<32x16x128xi1>, vector<32x16x128xi32>
    %and3A_2430 = arith.constant 4 : i32
    %and3A_2431 = vector.broadcast %and3A_2430 : i32 to vector<1x1x128xi32>
    %and3A_2432 = arith.andi %iota3A, %and3A_2431 : vector<1x1x128xi32>
    %eq3A_2433 = arith.constant 0 : i32
    %eq3A_2434 = vector.broadcast %eq3A_2433 : i32 to vector<1x1x128xi32>
    %eq3A_2435 = arith.cmpi eq, %and3A_2432, %eq3A_2434 : vector<1x1x128xi32>
    %eq3A_2436 = vector.broadcast %eq3A_2133 : vector<1x16x1xi1> to vector<1x16x128xi1>
    %eq3A_2437 = vector.broadcast %eq3A_2435 : vector<1x1x128xi1> to vector<1x16x128xi1>
    %eq3A_2438 = vector.broadcast %eq3A_2436 : vector<1x16x128xi1> to vector<1x16x128xi1>
    %eq3A_2439 = vector.broadcast %eq3A_2437 : vector<1x16x128xi1> to vector<1x16x128xi1>
    %eq3A_2440 = arith.xori %eq3A_2438, %eq3A_2439 : vector<1x16x128xi1>
    %eq3A_2441 = arith.constant dense<true> : vector<1x16x128xi1>
    %eq3A_2442 = arith.xori %eq3A_2440, %eq3A_2441 : vector<1x16x128xi1>
    %roll3A_2443 = arith.constant 124 : i32
    %roll3A_2444 = tpu.dynamic_rotate %select_n3A_2428 by %roll3A_2443 dim 2 : vector<32x16x128xf32>, i32 -> vector<32x16x128xf32>
    %roll3A_2445 = arith.constant 4 : i32
    %roll3A_2446 = tpu.dynamic_rotate %select_n3A_2428 by %roll3A_2445 dim 2 : vector<32x16x128xf32>, i32 -> vector<32x16x128xf32>
    %broadcast_in_dim3A_2447 = vector.shape_cast %eq3A_2435 : vector<1x1x128xi1> to vector<1x1x128xi1>
    %broadcast_in_dim3A_2448 = vector.broadcast %broadcast_in_dim3A_2447 : vector<1x1x128xi1> to vector<32x16x128xi1>
    %select_n3A_2449 = arith.select %broadcast_in_dim3A_2448, %roll3A_2444, %roll3A_2446 : vector<32x16x128xi1>, vector<32x16x128xf32>
    %roll3A_2450 = arith.constant 124 : i32
    %roll3A_2451 = tpu.dynamic_rotate %select_n3A_2429 by %roll3A_2450 dim 2 : vector<32x16x128xi32>, i32 -> vector<32x16x128xi32>
    %roll3A_2452 = arith.constant 4 : i32
    %roll3A_2453 = tpu.dynamic_rotate %select_n3A_2429 by %roll3A_2452 dim 2 : vector<32x16x128xi32>, i32 -> vector<32x16x128xi32>
    %broadcast_in_dim3A_2454 = vector.shape_cast %eq3A_2435 : vector<1x1x128xi1> to vector<1x1x128xi1>
    %broadcast_in_dim3A_2455 = vector.broadcast %broadcast_in_dim3A_2454 : vector<1x1x128xi1> to vector<32x16x128xi1>
    %select_n3A_2456 = arith.select %broadcast_in_dim3A_2455, %roll3A_2451, %roll3A_2453 : vector<32x16x128xi1>, vector<32x16x128xi32>
    %gt3A_2457 = arith.cmpf ogt, %select_n3A_2428, %select_n3A_2449 : vector<32x16x128xf32>
    %eq3A_2458 = arith.cmpf oeq, %select_n3A_2428, %select_n3A_2449 : vector<32x16x128xf32>
    %gt3A_2459 = arith.cmpi sgt, %select_n3A_2429, %select_n3A_2456 : vector<32x16x128xi32>
    %and3A_2460 = arith.andi %eq3A_2458, %gt3A_2459 : vector<32x16x128xi1>
    %or3A_2461 = arith.ori %gt3A_2457, %and3A_2460 : vector<32x16x128xi1>
    %eq3A_2462 = vector.broadcast %eq3A_2442 : vector<1x16x128xi1> to vector<32x16x128xi1>
    %eq3A_2463 = vector.broadcast %eq3A_2462 : vector<32x16x128xi1> to vector<32x16x128xi1>
    %eq3A_2464 = arith.xori %eq3A_2463, %or3A_2461 : vector<32x16x128xi1>
    %eq3A_2465 = arith.constant dense<true> : vector<32x16x128xi1>
    %eq3A_2466 = arith.xori %eq3A_2464, %eq3A_2465 : vector<32x16x128xi1>
    %select_n3A_2467 = arith.select %eq3A_2466, %select_n3A_2428, %select_n3A_2449 : vector<32x16x128xi1>, vector<32x16x128xf32>
    %select_n3A_2468 = arith.select %eq3A_2466, %select_n3A_2429, %select_n3A_2456 : vector<32x16x128xi1>, vector<32x16x128xi32>
    %and3A_2469 = arith.constant 2 : i32
    %and3A_2470 = vector.broadcast %and3A_2469 : i32 to vector<1x1x128xi32>
    %and3A_2471 = arith.andi %iota3A, %and3A_2470 : vector<1x1x128xi32>
    %eq3A_2472 = arith.constant 0 : i32
    %eq3A_2473 = vector.broadcast %eq3A_2472 : i32 to vector<1x1x128xi32>
    %eq3A_2474 = arith.cmpi eq, %and3A_2471, %eq3A_2473 : vector<1x1x128xi32>
    %eq3A_2475 = vector.broadcast %eq3A_2133 : vector<1x16x1xi1> to vector<1x16x128xi1>
    %eq3A_2476 = vector.broadcast %eq3A_2474 : vector<1x1x128xi1> to vector<1x16x128xi1>
    %eq3A_2477 = vector.broadcast %eq3A_2475 : vector<1x16x128xi1> to vector<1x16x128xi1>
    %eq3A_2478 = vector.broadcast %eq3A_2476 : vector<1x16x128xi1> to vector<1x16x128xi1>
    %eq3A_2479 = arith.xori %eq3A_2477, %eq3A_2478 : vector<1x16x128xi1>
    %eq3A_2480 = arith.constant dense<true> : vector<1x16x128xi1>
    %eq3A_2481 = arith.xori %eq3A_2479, %eq3A_2480 : vector<1x16x128xi1>
    %roll3A_2482 = arith.constant 126 : i32
    %roll3A_2483 = tpu.dynamic_rotate %select_n3A_2467 by %roll3A_2482 dim 2 : vector<32x16x128xf32>, i32 -> vector<32x16x128xf32>
    %roll3A_2484 = arith.constant 2 : i32
    %roll3A_2485 = tpu.dynamic_rotate %select_n3A_2467 by %roll3A_2484 dim 2 : vector<32x16x128xf32>, i32 -> vector<32x16x128xf32>
    %broadcast_in_dim3A_2486 = vector.shape_cast %eq3A_2474 : vector<1x1x128xi1> to vector<1x1x128xi1>
    %broadcast_in_dim3A_2487 = vector.broadcast %broadcast_in_dim3A_2486 : vector<1x1x128xi1> to vector<32x16x128xi1>
    %select_n3A_2488 = arith.select %broadcast_in_dim3A_2487, %roll3A_2483, %roll3A_2485 : vector<32x16x128xi1>, vector<32x16x128xf32>
    %roll3A_2489 = arith.constant 126 : i32
    %roll3A_2490 = tpu.dynamic_rotate %select_n3A_2468 by %roll3A_2489 dim 2 : vector<32x16x128xi32>, i32 -> vector<32x16x128xi32>
    %roll3A_2491 = arith.constant 2 : i32
    %roll3A_2492 = tpu.dynamic_rotate %select_n3A_2468 by %roll3A_2491 dim 2 : vector<32x16x128xi32>, i32 -> vector<32x16x128xi32>
    %broadcast_in_dim3A_2493 = vector.shape_cast %eq3A_2474 : vector<1x1x128xi1> to vector<1x1x128xi1>
    %broadcast_in_dim3A_2494 = vector.broadcast %broadcast_in_dim3A_2493 : vector<1x1x128xi1> to vector<32x16x128xi1>
    %select_n3A_2495 = arith.select %broadcast_in_dim3A_2494, %roll3A_2490, %roll3A_2492 : vector<32x16x128xi1>, vector<32x16x128xi32>
    %gt3A_2496 = arith.cmpf ogt, %select_n3A_2467, %select_n3A_2488 : vector<32x16x128xf32>
    %eq3A_2497 = arith.cmpf oeq, %select_n3A_2467, %select_n3A_2488 : vector<32x16x128xf32>
    %gt3A_2498 = arith.cmpi sgt, %select_n3A_2468, %select_n3A_2495 : vector<32x16x128xi32>
    %and3A_2499 = arith.andi %eq3A_2497, %gt3A_2498 : vector<32x16x128xi1>
    %or3A_2500 = arith.ori %gt3A_2496, %and3A_2499 : vector<32x16x128xi1>
    %eq3A_2501 = vector.broadcast %eq3A_2481 : vector<1x16x128xi1> to vector<32x16x128xi1>
    %eq3A_2502 = vector.broadcast %eq3A_2501 : vector<32x16x128xi1> to vector<32x16x128xi1>
    %eq3A_2503 = arith.xori %eq3A_2502, %or3A_2500 : vector<32x16x128xi1>
    %eq3A_2504 = arith.constant dense<true> : vector<32x16x128xi1>
    %eq3A_2505 = arith.xori %eq3A_2503, %eq3A_2504 : vector<32x16x128xi1>
    %select_n3A_2506 = arith.select %eq3A_2505, %select_n3A_2467, %select_n3A_2488 : vector<32x16x128xi1>, vector<32x16x128xf32>
    %select_n3A_2507 = arith.select %eq3A_2505, %select_n3A_2468, %select_n3A_2495 : vector<32x16x128xi1>, vector<32x16x128xi32>
    %and3A_2508 = arith.constant 1 : i32
    %and3A_2509 = vector.broadcast %and3A_2508 : i32 to vector<1x1x128xi32>
    %and3A_2510 = arith.andi %iota3A, %and3A_2509 : vector<1x1x128xi32>
    %eq3A_2511 = arith.constant 0 : i32
    %eq3A_2512 = vector.broadcast %eq3A_2511 : i32 to vector<1x1x128xi32>
    %eq3A_2513 = arith.cmpi eq, %and3A_2510, %eq3A_2512 : vector<1x1x128xi32>
    %eq3A_2514 = vector.broadcast %eq3A_2133 : vector<1x16x1xi1> to vector<1x16x128xi1>
    %eq3A_2515 = vector.broadcast %eq3A_2513 : vector<1x1x128xi1> to vector<1x16x128xi1>
    %eq3A_2516 = vector.broadcast %eq3A_2514 : vector<1x16x128xi1> to vector<1x16x128xi1>
    %eq3A_2517 = vector.broadcast %eq3A_2515 : vector<1x16x128xi1> to vector<1x16x128xi1>
    %eq3A_2518 = arith.xori %eq3A_2516, %eq3A_2517 : vector<1x16x128xi1>
    %eq3A_2519 = arith.constant dense<true> : vector<1x16x128xi1>
    %eq3A_2520 = arith.xori %eq3A_2518, %eq3A_2519 : vector<1x16x128xi1>
    %roll3A_2521 = arith.constant 127 : i32
    %roll3A_2522 = tpu.dynamic_rotate %select_n3A_2506 by %roll3A_2521 dim 2 : vector<32x16x128xf32>, i32 -> vector<32x16x128xf32>
    %roll3A_2523 = arith.constant 1 : i32
    %roll3A_2524 = tpu.dynamic_rotate %select_n3A_2506 by %roll3A_2523 dim 2 : vector<32x16x128xf32>, i32 -> vector<32x16x128xf32>
    %broadcast_in_dim3A_2525 = vector.shape_cast %eq3A_2513 : vector<1x1x128xi1> to vector<1x1x128xi1>
    %broadcast_in_dim3A_2526 = vector.broadcast %broadcast_in_dim3A_2525 : vector<1x1x128xi1> to vector<32x16x128xi1>
    %select_n3A_2527 = arith.select %broadcast_in_dim3A_2526, %roll3A_2522, %roll3A_2524 : vector<32x16x128xi1>, vector<32x16x128xf32>
    %roll3A_2528 = arith.constant 127 : i32
    %roll3A_2529 = tpu.dynamic_rotate %select_n3A_2507 by %roll3A_2528 dim 2 : vector<32x16x128xi32>, i32 -> vector<32x16x128xi32>
    %roll3A_2530 = arith.constant 1 : i32
    %roll3A_2531 = tpu.dynamic_rotate %select_n3A_2507 by %roll3A_2530 dim 2 : vector<32x16x128xi32>, i32 -> vector<32x16x128xi32>
    %broadcast_in_dim3A_2532 = vector.shape_cast %eq3A_2513 : vector<1x1x128xi1> to vector<1x1x128xi1>
    %broadcast_in_dim3A_2533 = vector.broadcast %broadcast_in_dim3A_2532 : vector<1x1x128xi1> to vector<32x16x128xi1>
    %select_n3A_2534 = arith.select %broadcast_in_dim3A_2533, %roll3A_2529, %roll3A_2531 : vector<32x16x128xi1>, vector<32x16x128xi32>
    %gt3A_2535 = arith.cmpf ogt, %select_n3A_2506, %select_n3A_2527 : vector<32x16x128xf32>
    %eq3A_2536 = arith.cmpf oeq, %select_n3A_2506, %select_n3A_2527 : vector<32x16x128xf32>
    %gt3A_2537 = arith.cmpi sgt, %select_n3A_2507, %select_n3A_2534 : vector<32x16x128xi32>
    %and3A_2538 = arith.andi %eq3A_2536, %gt3A_2537 : vector<32x16x128xi1>
    %or3A_2539 = arith.ori %gt3A_2535, %and3A_2538 : vector<32x16x128xi1>
    %eq3A_2540 = vector.broadcast %eq3A_2520 : vector<1x16x128xi1> to vector<32x16x128xi1>
    %eq3A_2541 = vector.broadcast %eq3A_2540 : vector<32x16x128xi1> to vector<32x16x128xi1>
    %eq3A_2542 = arith.xori %eq3A_2541, %or3A_2539 : vector<32x16x128xi1>
    %eq3A_2543 = arith.constant dense<true> : vector<32x16x128xi1>
    %eq3A_2544 = arith.xori %eq3A_2542, %eq3A_2543 : vector<32x16x128xi1>
    %select_n3A_2545 = arith.select %eq3A_2544, %select_n3A_2506, %select_n3A_2527 : vector<32x16x128xi1>, vector<32x16x128xf32>
    %select_n3A_2546 = arith.select %eq3A_2544, %select_n3A_2507, %select_n3A_2534 : vector<32x16x128xi1>, vector<32x16x128xi32>
    %swap3A = arith.constant 0 : index
    %swap3A_2547 = arith.constant 0 : index
    %swap3A_2548 = arith.constant 0 : index
    %swap3A_2549 = arith.constant 0 : index
    %swap3A_2550 = vector.load %arg6[%swap3A, %swap3A_2547, %swap3A_2548, %swap3A_2549] : memref<1x32x16x128xi32, #tpu.memory_space<vmem>>, vector<1x32x16x128xi32>
    %swap3A_2551 = vector.shape_cast %swap3A_2550 : vector<1x32x16x128xi32> to vector<32x16x128xi32>
    %swap3A_2552 = vector.shape_cast %select_n3A_2546 : vector<32x16x128xi32> to vector<1x32x16x128xi32>
    tpu.vector_store %arg6[%swap3A, %swap3A_2547, %swap3A_2548, %swap3A_2549], %swap3A_2552 {strides = array<i32>} : memref<1x32x16x128xi32, #tpu.memory_space<vmem>>, vector<1x32x16x128xi32>,
    %convert_element_type3A_2553 = arith.extui %le3A_16 : vector<1x16x128xi1> to vector<1x16x128xi32>
    %convert_element_type3A_2554 = arith.sitofp %convert_element_type3A_2553 : vector<1x16x128xi32> to vector<1x16x128xf32>
    %mul3A_2555 = vector.broadcast %convert_element_type3A_2554 : vector<1x16x128xf32> to vector<32x16x128xf32>
    %mul3A_2556 = arith.mulf %select_n3A_2545, %mul3A_2555 : vector<32x16x128xf32>
    %get3A_2557 = arith.constant 0 : index
    %get3A_2558 = arith.constant 0 : index
    %get3A_2559 = vector.load %arg4[%get3A_2557, %get3A_2558] : memref<32x21xf32, #tpu.memory_space<vmem>>, vector<32x21xf32>
    %broadcast_in_dim3A_2560 = arith.constant 0.000000e+00 : f32
    %broadcast_in_dim3A_2561 = vector.broadcast %broadcast_in_dim3A_2560 : f32 to vector<32x16x128xf32>
    %sub3A_2562 = arith.constant 0.000000e+00 : f32
    %sub3A_2563 = vector.broadcast %sub3A_2562 : f32 to vector<1x16x128xf32>
    %sub3A_2564 = arith.subf %mul3A_21, %sub3A_2563 : vector<1x16x128xf32>
    %abs3A = math.absf %sub3A_2564 : vector<1x16x128xf32>
    %sub3A_2565 = arith.constant 1.000000e+00 : f32
    %sub3A_2566 = vector.broadcast %sub3A_2565 : f32 to vector<1x16x128xf32>
    %sub3A_2567 = arith.subf %sub3A_2566, %abs3A : vector<1x16x128xf32>
    %max3A_2568 = arith.constant 0.000000e+00 : f32
    %max3A_2569 = vector.broadcast %max3A_2568 : f32 to vector<1x16x128xf32>
    %max3A_2570 = arith.maximumf %sub3A_2567, %max3A_2569 : vector<1x16x128xf32>
    %slice3A = vector.extract_strided_slice %get3A_2559 {offsets = [0, 0], sizes = [32, 1], strides = [1, 1]} : vector<32x21xf32> to vector<32x1xf32>
    %broadcast_in_dim3A_2571 = vector.shape_cast %slice3A : vector<32x1xf32> to vector<32x1x1xf32>
    %mul3A_2572 = vector.broadcast %broadcast_in_dim3A_2571 : vector<32x1x1xf32> to vector<32x16x128xf32>
    %mul3A_2573 = vector.broadcast %max3A_2570 : vector<1x16x128xf32> to vector<32x16x128xf32>
    %mul3A_2574 = arith.mulf %mul3A_2572, %mul3A_2573 : vector<32x16x128xf32>
    %add3A_2575 = arith.addf %broadcast_in_dim3A_2561, %mul3A_2574 : vector<32x16x128xf32>
    %sub3A_2576 = arith.constant 1.000000e+00 : f32
    %sub3A_2577 = vector.broadcast %sub3A_2576 : f32 to vector<1x16x128xf32>
    %sub3A_2578 = arith.subf %mul3A_21, %sub3A_2577 : vector<1x16x128xf32>
    %abs3A_2579 = math.absf %sub3A_2578 : vector<1x16x128xf32>
    %sub3A_2580 = arith.constant 1.000000e+00 : f32
    %sub3A_2581 = vector.broadcast %sub3A_2580 : f32 to vector<1x16x128xf32>
    %sub3A_2582 = arith.subf %sub3A_2581, %abs3A_2579 : vector<1x16x128xf32>
    %max3A_2583 = arith.constant 0.000000e+00 : f32
    %max3A_2584 = vector.broadcast %max3A_2583 : f32 to vector<1x16x128xf32>
    %max3A_2585 = arith.maximumf %sub3A_2582, %max3A_2584 : vector<1x16x128xf32>
    %slice3A_2586 = vector.extract_strided_slice %get3A_2559 {offsets = [0, 1], sizes = [32, 1], strides = [1, 1]} : vector<32x21xf32> to vector<32x1xf32>
    %broadcast_in_dim3A_2587 = vector.shape_cast %slice3A_2586 : vector<32x1xf32> to vector<32x1x1xf32>
    %mul3A_2588 = vector.broadcast %broadcast_in_dim3A_2587 : vector<32x1x1xf32> to vector<32x16x128xf32>
    %mul3A_2589 = vector.broadcast %max3A_2585 : vector<1x16x128xf32> to vector<32x16x128xf32>
    %mul3A_2590 = arith.mulf %mul3A_2588, %mul3A_2589 : vector<32x16x128xf32>
    %add3A_2591 = arith.addf %add3A_2575, %mul3A_2590 : vector<32x16x128xf32>
    %sub3A_2592 = arith.constant 2.000000e+00 : f32
    %sub3A_2593 = vector.broadcast %sub3A_2592 : f32 to vector<1x16x128xf32>
    %sub3A_2594 = arith.subf %mul3A_21, %sub3A_2593 : vector<1x16x128xf32>
    %abs3A_2595 = math.absf %sub3A_2594 : vector<1x16x128xf32>
    %sub3A_2596 = arith.constant 1.000000e+00 : f32
    %sub3A_2597 = vector.broadcast %sub3A_2596 : f32 to vector<1x16x128xf32>
    %sub3A_2598 = arith.subf %sub3A_2597, %abs3A_2595 : vector<1x16x128xf32>
    %max3A_2599 = arith.constant 0.000000e+00 : f32
    %max3A_2600 = vector.broadcast %max3A_2599 : f32 to vector<1x16x128xf32>
    %max3A_2601 = arith.maximumf %sub3A_2598, %max3A_2600 : vector<1x16x128xf32>
    %slice3A_2602 = vector.extract_strided_slice %get3A_2559 {offsets = [0, 2], sizes = [32, 1], strides = [1, 1]} : vector<32x21xf32> to vector<32x1xf32>
    %broadcast_in_dim3A_2603 = vector.shape_cast %slice3A_2602 : vector<32x1xf32> to vector<32x1x1xf32>
    %mul3A_2604 = vector.broadcast %broadcast_in_dim3A_2603 : vector<32x1x1xf32> to vector<32x16x128xf32>
    %mul3A_2605 = vector.broadcast %max3A_2601 : vector<1x16x128xf32> to vector<32x16x128xf32>
    %mul3A_2606 = arith.mulf %mul3A_2604, %mul3A_2605 : vector<32x16x128xf32>
    %add3A_2607 = arith.addf %add3A_2591, %mul3A_2606 : vector<32x16x128xf32>
    %sub3A_2608 = arith.constant 3.000000e+00 : f32
    %sub3A_2609 = vector.broadcast %sub3A_2608 : f32 to vector<1x16x128xf32>
    %sub3A_2610 = arith.subf %mul3A_21, %sub3A_2609 : vector<1x16x128xf32>
    %abs3A_2611 = math.absf %sub3A_2610 : vector<1x16x128xf32>
    %sub3A_2612 = arith.constant 1.000000e+00 : f32
    %sub3A_2613 = vector.broadcast %sub3A_2612 : f32 to vector<1x16x128xf32>
    %sub3A_2614 = arith.subf %sub3A_2613, %abs3A_2611 : vector<1x16x128xf32>
    %max3A_2615 = arith.constant 0.000000e+00 : f32
    %max3A_2616 = vector.broadcast %max3A_2615 : f32 to vector<1x16x128xf32>
    %max3A_2617 = arith.maximumf %sub3A_2614, %max3A_2616 : vector<1x16x128xf32>
    %slice3A_2618 = vector.extract_strided_slice %get3A_2559 {offsets = [0, 3], sizes = [32, 1], strides = [1, 1]} : vector<32x21xf32> to vector<32x1xf32>
    %broadcast_in_dim3A_2619 = vector.shape_cast %slice3A_2618 : vector<32x1xf32> to vector<32x1x1xf32>
    %mul3A_2620 = vector.broadcast %broadcast_in_dim3A_2619 : vector<32x1x1xf32> to vector<32x16x128xf32>
    %mul3A_2621 = vector.broadcast %max3A_2617 : vector<1x16x128xf32> to vector<32x16x128xf32>
    %mul3A_2622 = arith.mulf %mul3A_2620, %mul3A_2621 : vector<32x16x128xf32>
    %add3A_2623 = arith.addf %add3A_2607, %mul3A_2622 : vector<32x16x128xf32>
    %sub3A_2624 = arith.constant 4.000000e+00 : f32
    %sub3A_2625 = vector.broadcast %sub3A_2624 : f32 to vector<1x16x128xf32>
    %sub3A_2626 = arith.subf %mul3A_21, %sub3A_2625 : vector<1x16x128xf32>
    %abs3A_2627 = math.absf %sub3A_2626 : vector<1x16x128xf32>
    %sub3A_2628 = arith.constant 1.000000e+00 : f32
    %sub3A_2629 = vector.broadcast %sub3A_2628 : f32 to vector<1x16x128xf32>
    %sub3A_2630 = arith.subf %sub3A_2629, %abs3A_2627 : vector<1x16x128xf32>
    %max3A_2631 = arith.constant 0.000000e+00 : f32
    %max3A_2632 = vector.broadcast %max3A_2631 : f32 to vector<1x16x128xf32>
    %max3A_2633 = arith.maximumf %sub3A_2630, %max3A_2632 : vector<1x16x128xf32>
    %slice3A_2634 = vector.extract_strided_slice %get3A_2559 {offsets = [0, 4], sizes = [32, 1], strides = [1, 1]} : vector<32x21xf32> to vector<32x1xf32>
    %broadcast_in_dim3A_2635 = vector.shape_cast %slice3A_2634 : vector<32x1xf32> to vector<32x1x1xf32>
    %mul3A_2636 = vector.broadcast %broadcast_in_dim3A_2635 : vector<32x1x1xf32> to vector<32x16x128xf32>
    %mul3A_2637 = vector.broadcast %max3A_2633 : vector<1x16x128xf32> to vector<32x16x128xf32>
    %mul3A_2638 = arith.mulf %mul3A_2636, %mul3A_2637 : vector<32x16x128xf32>
    %add3A_2639 = arith.addf %add3A_2623, %mul3A_2638 : vector<32x16x128xf32>
    %sub3A_2640 = arith.constant 5.000000e+00 : f32
    %sub3A_2641 = vector.broadcast %sub3A_2640 : f32 to vector<1x16x128xf32>
    %sub3A_2642 = arith.subf %mul3A_21, %sub3A_2641 : vector<1x16x128xf32>
    %abs3A_2643 = math.absf %sub3A_2642 : vector<1x16x128xf32>
    %sub3A_2644 = arith.constant 1.000000e+00 : f32
    %sub3A_2645 = vector.broadcast %sub3A_2644 : f32 to vector<1x16x128xf32>
    %sub3A_2646 = arith.subf %sub3A_2645, %abs3A_2643 : vector<1x16x128xf32>
    %max3A_2647 = arith.constant 0.000000e+00 : f32
    %max3A_2648 = vector.broadcast %max3A_2647 : f32 to vector<1x16x128xf32>
    %max3A_2649 = arith.maximumf %sub3A_2646, %max3A_2648 : vector<1x16x128xf32>
    %slice3A_2650 = vector.extract_strided_slice %get3A_2559 {offsets = [0, 5], sizes = [32, 1], strides = [1, 1]} : vector<32x21xf32> to vector<32x1xf32>
    %broadcast_in_dim3A_2651 = vector.shape_cast %slice3A_2650 : vector<32x1xf32> to vector<32x1x1xf32>
    %mul3A_2652 = vector.broadcast %broadcast_in_dim3A_2651 : vector<32x1x1xf32> to vector<32x16x128xf32>
    %mul3A_2653 = vector.broadcast %max3A_2649 : vector<1x16x128xf32> to vector<32x16x128xf32>
    %mul3A_2654 = arith.mulf %mul3A_2652, %mul3A_2653 : vector<32x16x128xf32>
    %add3A_2655 = arith.addf %add3A_2639, %mul3A_2654 : vector<32x16x128xf32>
    %sub3A_2656 = arith.constant 6.000000e+00 : f32
    %sub3A_2657 = vector.broadcast %sub3A_2656 : f32 to vector<1x16x128xf32>
    %sub3A_2658 = arith.subf %mul3A_21, %sub3A_2657 : vector<1x16x128xf32>
    %abs3A_2659 = math.absf %sub3A_2658 : vector<1x16x128xf32>
    %sub3A_2660 = arith.constant 1.000000e+00 : f32
    %sub3A_2661 = vector.broadcast %sub3A_2660 : f32 to vector<1x16x128xf32>
    %sub3A_2662 = arith.subf %sub3A_2661, %abs3A_2659 : vector<1x16x128xf32>
    %max3A_2663 = arith.constant 0.000000e+00 : f32
    %max3A_2664 = vector.broadcast %max3A_2663 : f32 to vector<1x16x128xf32>
    %max3A_2665 = arith.maximumf %sub3A_2662, %max3A_2664 : vector<1x16x128xf32>
    %slice3A_2666 = vector.extract_strided_slice %get3A_2559 {offsets = [0, 6], sizes = [32, 1], strides = [1, 1]} : vector<32x21xf32> to vector<32x1xf32>
    %broadcast_in_dim3A_2667 = vector.shape_cast %slice3A_2666 : vector<32x1xf32> to vector<32x1x1xf32>
    %mul3A_2668 = vector.broadcast %broadcast_in_dim3A_2667 : vector<32x1x1xf32> to vector<32x16x128xf32>
    %mul3A_2669 = vector.broadcast %max3A_2665 : vector<1x16x128xf32> to vector<32x16x128xf32>
    %mul3A_2670 = arith.mulf %mul3A_2668, %mul3A_2669 : vector<32x16x128xf32>
    %add3A_2671 = arith.addf %add3A_2655, %mul3A_2670 : vector<32x16x128xf32>
    %sub3A_2672 = arith.constant 7.000000e+00 : f32
    %sub3A_2673 = vector.broadcast %sub3A_2672 : f32 to vector<1x16x128xf32>
    %sub3A_2674 = arith.subf %mul3A_21, %sub3A_2673 : vector<1x16x128xf32>
    %abs3A_2675 = math.absf %sub3A_2674 : vector<1x16x128xf32>
    %sub3A_2676 = arith.constant 1.000000e+00 : f32
    %sub3A_2677 = vector.broadcast %sub3A_2676 : f32 to vector<1x16x128xf32>
    %sub3A_2678 = arith.subf %sub3A_2677, %abs3A_2675 : vector<1x16x128xf32>
    %max3A_2679 = arith.constant 0.000000e+00 : f32
    %max3A_2680 = vector.broadcast %max3A_2679 : f32 to vector<1x16x128xf32>
    %max3A_2681 = arith.maximumf %sub3A_2678, %max3A_2680 : vector<1x16x128xf32>
    %slice3A_2682 = vector.extract_strided_slice %get3A_2559 {offsets = [0, 7], sizes = [32, 1], strides = [1, 1]} : vector<32x21xf32> to vector<32x1xf32>
    %broadcast_in_dim3A_2683 = vector.shape_cast %slice3A_2682 : vector<32x1xf32> to vector<32x1x1xf32>
    %mul3A_2684 = vector.broadcast %broadcast_in_dim3A_2683 : vector<32x1x1xf32> to vector<32x16x128xf32>
    %mul3A_2685 = vector.broadcast %max3A_2681 : vector<1x16x128xf32> to vector<32x16x128xf32>
    %mul3A_2686 = arith.mulf %mul3A_2684, %mul3A_2685 : vector<32x16x128xf32>
    %add3A_2687 = arith.addf %add3A_2671, %mul3A_2686 : vector<32x16x128xf32>
    %sub3A_2688 = arith.constant 8.000000e+00 : f32
    %sub3A_2689 = vector.broadcast %sub3A_2688 : f32 to vector<1x16x128xf32>
    %sub3A_2690 = arith.subf %mul3A_21, %sub3A_2689 : vector<1x16x128xf32>
    %abs3A_2691 = math.absf %sub3A_2690 : vector<1x16x128xf32>
    %sub3A_2692 = arith.constant 1.000000e+00 : f32
    %sub3A_2693 = vector.broadcast %sub3A_2692 : f32 to vector<1x16x128xf32>
    %sub3A_2694 = arith.subf %sub3A_2693, %abs3A_2691 : vector<1x16x128xf32>
    %max3A_2695 = arith.constant 0.000000e+00 : f32
    %max3A_2696 = vector.broadcast %max3A_2695 : f32 to vector<1x16x128xf32>
    %max3A_2697 = arith.maximumf %sub3A_2694, %max3A_2696 : vector<1x16x128xf32>
    %slice3A_2698 = vector.extract_strided_slice %get3A_2559 {offsets = [0, 8], sizes = [32, 1], strides = [1, 1]} : vector<32x21xf32> to vector<32x1xf32>
    %broadcast_in_dim3A_2699 = vector.shape_cast %slice3A_2698 : vector<32x1xf32> to vector<32x1x1xf32>
    %mul3A_2700 = vector.broadcast %broadcast_in_dim3A_2699 : vector<32x1x1xf32> to vector<32x16x128xf32>
    %mul3A_2701 = vector.broadcast %max3A_2697 : vector<1x16x128xf32> to vector<32x16x128xf32>
    %mul3A_2702 = arith.mulf %mul3A_2700, %mul3A_2701 : vector<32x16x128xf32>
    %add3A_2703 = arith.addf %add3A_2687, %mul3A_2702 : vector<32x16x128xf32>
    %sub3A_2704 = arith.constant 9.000000e+00 : f32
    %sub3A_2705 = vector.broadcast %sub3A_2704 : f32 to vector<1x16x128xf32>
    %sub3A_2706 = arith.subf %mul3A_21, %sub3A_2705 : vector<1x16x128xf32>
    %abs3A_2707 = math.absf %sub3A_2706 : vector<1x16x128xf32>
    %sub3A_2708 = arith.constant 1.000000e+00 : f32
    %sub3A_2709 = vector.broadcast %sub3A_2708 : f32 to vector<1x16x128xf32>
    %sub3A_2710 = arith.subf %sub3A_2709, %abs3A_2707 : vector<1x16x128xf32>
    %max3A_2711 = arith.constant 0.000000e+00 : f32
    %max3A_2712 = vector.broadcast %max3A_2711 : f32 to vector<1x16x128xf32>
    %max3A_2713 = arith.maximumf %sub3A_2710, %max3A_2712 : vector<1x16x128xf32>
    %slice3A_2714 = vector.extract_strided_slice %get3A_2559 {offsets = [0, 9], sizes = [32, 1], strides = [1, 1]} : vector<32x21xf32> to vector<32x1xf32>
    %broadcast_in_dim3A_2715 = vector.shape_cast %slice3A_2714 : vector<32x1xf32> to vector<32x1x1xf32>
    %mul3A_2716 = vector.broadcast %broadcast_in_dim3A_2715 : vector<32x1x1xf32> to vector<32x16x128xf32>
    %mul3A_2717 = vector.broadcast %max3A_2713 : vector<1x16x128xf32> to vector<32x16x128xf32>
    %mul3A_2718 = arith.mulf %mul3A_2716, %mul3A_2717 : vector<32x16x128xf32>
    %add3A_2719 = arith.addf %add3A_2703, %mul3A_2718 : vector<32x16x128xf32>
    %sub3A_2720 = arith.constant 1.000000e+01 : f32
    %sub3A_2721 = vector.broadcast %sub3A_2720 : f32 to vector<1x16x128xf32>
    %sub3A_2722 = arith.subf %mul3A_21, %sub3A_2721 : vector<1x16x128xf32>
    %abs3A_2723 = math.absf %sub3A_2722 : vector<1x16x128xf32>
    %sub3A_2724 = arith.constant 1.000000e+00 : f32
    %sub3A_2725 = vector.broadcast %sub3A_2724 : f32 to vector<1x16x128xf32>
    %sub3A_2726 = arith.subf %sub3A_2725, %abs3A_2723 : vector<1x16x128xf32>
    %max3A_2727 = arith.constant 0.000000e+00 : f32
    %max3A_2728 = vector.broadcast %max3A_2727 : f32 to vector<1x16x128xf32>
    %max3A_2729 = arith.maximumf %sub3A_2726, %max3A_2728 : vector<1x16x128xf32>
    %slice3A_2730 = vector.extract_strided_slice %get3A_2559 {offsets = [0, 10], sizes = [32, 1], strides = [1, 1]} : vector<32x21xf32> to vector<32x1xf32>
    %broadcast_in_dim3A_2731 = vector.shape_cast %slice3A_2730 : vector<32x1xf32> to vector<32x1x1xf32>
    %mul3A_2732 = vector.broadcast %broadcast_in_dim3A_2731 : vector<32x1x1xf32> to vector<32x16x128xf32>
    %mul3A_2733 = vector.broadcast %max3A_2729 : vector<1x16x128xf32> to vector<32x16x128xf32>
    %mul3A_2734 = arith.mulf %mul3A_2732, %mul3A_2733 : vector<32x16x128xf32>
    %add3A_2735 = arith.addf %add3A_2719, %mul3A_2734 : vector<32x16x128xf32>
    %sub3A_2736 = arith.constant 1.100000e+01 : f32
    %sub3A_2737 = vector.broadcast %sub3A_2736 : f32 to vector<1x16x128xf32>
    %sub3A_2738 = arith.subf %mul3A_21, %sub3A_2737 : vector<1x16x128xf32>
    %abs3A_2739 = math.absf %sub3A_2738 : vector<1x16x128xf32>
    %sub3A_2740 = arith.constant 1.000000e+00 : f32
    %sub3A_2741 = vector.broadcast %sub3A_2740 : f32 to vector<1x16x128xf32>
    %sub3A_2742 = arith.subf %sub3A_2741, %abs3A_2739 : vector<1x16x128xf32>
    %max3A_2743 = arith.constant 0.000000e+00 : f32
    %max3A_2744 = vector.broadcast %max3A_2743 : f32 to vector<1x16x128xf32>
    %max3A_2745 = arith.maximumf %sub3A_2742, %max3A_2744 : vector<1x16x128xf32>
    %slice3A_2746 = vector.extract_strided_slice %get3A_2559 {offsets = [0, 11], sizes = [32, 1], strides = [1, 1]} : vector<32x21xf32> to vector<32x1xf32>
    %broadcast_in_dim3A_2747 = vector.shape_cast %slice3A_2746 : vector<32x1xf32> to vector<32x1x1xf32>
    %mul3A_2748 = vector.broadcast %broadcast_in_dim3A_2747 : vector<32x1x1xf32> to vector<32x16x128xf32>
    %mul3A_2749 = vector.broadcast %max3A_2745 : vector<1x16x128xf32> to vector<32x16x128xf32>
    %mul3A_2750 = arith.mulf %mul3A_2748, %mul3A_2749 : vector<32x16x128xf32>
    %add3A_2751 = arith.addf %add3A_2735, %mul3A_2750 : vector<32x16x128xf32>
    %sub3A_2752 = arith.constant 1.200000e+01 : f32
    %sub3A_2753 = vector.broadcast %sub3A_2752 : f32 to vector<1x16x128xf32>
    %sub3A_2754 = arith.subf %mul3A_21, %sub3A_2753 : vector<1x16x128xf32>
    %abs3A_2755 = math.absf %sub3A_2754 : vector<1x16x128xf32>
    %sub3A_2756 = arith.constant 1.000000e+00 : f32
    %sub3A_2757 = vector.broadcast %sub3A_2756 : f32 to vector<1x16x128xf32>
    %sub3A_2758 = arith.subf %sub3A_2757, %abs3A_2755 : vector<1x16x128xf32>
    %max3A_2759 = arith.constant 0.000000e+00 : f32
    %max3A_2760 = vector.broadcast %max3A_2759 : f32 to vector<1x16x128xf32>
    %max3A_2761 = arith.maximumf %sub3A_2758, %max3A_2760 : vector<1x16x128xf32>
    %slice3A_2762 = vector.extract_strided_slice %get3A_2559 {offsets = [0, 12], sizes = [32, 1], strides = [1, 1]} : vector<32x21xf32> to vector<32x1xf32>
    %broadcast_in_dim3A_2763 = vector.shape_cast %slice3A_2762 : vector<32x1xf32> to vector<32x1x1xf32>
    %mul3A_2764 = vector.broadcast %broadcast_in_dim3A_2763 : vector<32x1x1xf32> to vector<32x16x128xf32>
    %mul3A_2765 = vector.broadcast %max3A_2761 : vector<1x16x128xf32> to vector<32x16x128xf32>
    %mul3A_2766 = arith.mulf %mul3A_2764, %mul3A_2765 : vector<32x16x128xf32>
    %add3A_2767 = arith.addf %add3A_2751, %mul3A_2766 : vector<32x16x128xf32>
    %sub3A_2768 = arith.constant 1.300000e+01 : f32
    %sub3A_2769 = vector.broadcast %sub3A_2768 : f32 to vector<1x16x128xf32>
    %sub3A_2770 = arith.subf %mul3A_21, %sub3A_2769 : vector<1x16x128xf32>
    %abs3A_2771 = math.absf %sub3A_2770 : vector<1x16x128xf32>
    %sub3A_2772 = arith.constant 1.000000e+00 : f32
    %sub3A_2773 = vector.broadcast %sub3A_2772 : f32 to vector<1x16x128xf32>
    %sub3A_2774 = arith.subf %sub3A_2773, %abs3A_2771 : vector<1x16x128xf32>
    %max3A_2775 = arith.constant 0.000000e+00 : f32
    %max3A_2776 = vector.broadcast %max3A_2775 : f32 to vector<1x16x128xf32>
    %max3A_2777 = arith.maximumf %sub3A_2774, %max3A_2776 : vector<1x16x128xf32>
    %slice3A_2778 = vector.extract_strided_slice %get3A_2559 {offsets = [0, 13], sizes = [32, 1], strides = [1, 1]} : vector<32x21xf32> to vector<32x1xf32>
    %broadcast_in_dim3A_2779 = vector.shape_cast %slice3A_2778 : vector<32x1xf32> to vector<32x1x1xf32>
    %mul3A_2780 = vector.broadcast %broadcast_in_dim3A_2779 : vector<32x1x1xf32> to vector<32x16x128xf32>
    %mul3A_2781 = vector.broadcast %max3A_2777 : vector<1x16x128xf32> to vector<32x16x128xf32>
    %mul3A_2782 = arith.mulf %mul3A_2780, %mul3A_2781 : vector<32x16x128xf32>
    %add3A_2783 = arith.addf %add3A_2767, %mul3A_2782 : vector<32x16x128xf32>
    %sub3A_2784 = arith.constant 1.400000e+01 : f32
    %sub3A_2785 = vector.broadcast %sub3A_2784 : f32 to vector<1x16x128xf32>
    %sub3A_2786 = arith.subf %mul3A_21, %sub3A_2785 : vector<1x16x128xf32>
    %abs3A_2787 = math.absf %sub3A_2786 : vector<1x16x128xf32>
    %sub3A_2788 = arith.constant 1.000000e+00 : f32
    %sub3A_2789 = vector.broadcast %sub3A_2788 : f32 to vector<1x16x128xf32>
    %sub3A_2790 = arith.subf %sub3A_2789, %abs3A_2787 : vector<1x16x128xf32>
    %max3A_2791 = arith.constant 0.000000e+00 : f32
    %max3A_2792 = vector.broadcast %max3A_2791 : f32 to vector<1x16x128xf32>
    %max3A_2793 = arith.maximumf %sub3A_2790, %max3A_2792 : vector<1x16x128xf32>
    %slice3A_2794 = vector.extract_strided_slice %get3A_2559 {offsets = [0, 14], sizes = [32, 1], strides = [1, 1]} : vector<32x21xf32> to vector<32x1xf32>
    %broadcast_in_dim3A_2795 = vector.shape_cast %slice3A_2794 : vector<32x1xf32> to vector<32x1x1xf32>
    %mul3A_2796 = vector.broadcast %broadcast_in_dim3A_2795 : vector<32x1x1xf32> to vector<32x16x128xf32>
    %mul3A_2797 = vector.broadcast %max3A_2793 : vector<1x16x128xf32> to vector<32x16x128xf32>
    %mul3A_2798 = arith.mulf %mul3A_2796, %mul3A_2797 : vector<32x16x128xf32>
    %add3A_2799 = arith.addf %add3A_2783, %mul3A_2798 : vector<32x16x128xf32>
    %sub3A_2800 = arith.constant 1.500000e+01 : f32
    %sub3A_2801 = vector.broadcast %sub3A_2800 : f32 to vector<1x16x128xf32>
    %sub3A_2802 = arith.subf %mul3A_21, %sub3A_2801 : vector<1x16x128xf32>
    %abs3A_2803 = math.absf %sub3A_2802 : vector<1x16x128xf32>
    %sub3A_2804 = arith.constant 1.000000e+00 : f32
    %sub3A_2805 = vector.broadcast %sub3A_2804 : f32 to vector<1x16x128xf32>
    %sub3A_2806 = arith.subf %sub3A_2805, %abs3A_2803 : vector<1x16x128xf32>
    %max3A_2807 = arith.constant 0.000000e+00 : f32
    %max3A_2808 = vector.broadcast %max3A_2807 : f32 to vector<1x16x128xf32>
    %max3A_2809 = arith.maximumf %sub3A_2806, %max3A_2808 : vector<1x16x128xf32>
    %slice3A_2810 = vector.extract_strided_slice %get3A_2559 {offsets = [0, 15], sizes = [32, 1], strides = [1, 1]} : vector<32x21xf32> to vector<32x1xf32>
    %broadcast_in_dim3A_2811 = vector.shape_cast %slice3A_2810 : vector<32x1xf32> to vector<32x1x1xf32>
    %mul3A_2812 = vector.broadcast %broadcast_in_dim3A_2811 : vector<32x1x1xf32> to vector<32x16x128xf32>
    %mul3A_2813 = vector.broadcast %max3A_2809 : vector<1x16x128xf32> to vector<32x16x128xf32>
    %mul3A_2814 = arith.mulf %mul3A_2812, %mul3A_2813 : vector<32x16x128xf32>
    %add3A_2815 = arith.addf %add3A_2799, %mul3A_2814 : vector<32x16x128xf32>
    %sub3A_2816 = arith.constant 1.600000e+01 : f32
    %sub3A_2817 = vector.broadcast %sub3A_2816 : f32 to vector<1x16x128xf32>
    %sub3A_2818 = arith.subf %mul3A_21, %sub3A_2817 : vector<1x16x128xf32>
    %abs3A_2819 = math.absf %sub3A_2818 : vector<1x16x128xf32>
    %sub3A_2820 = arith.constant 1.000000e+00 : f32
    %sub3A_2821 = vector.broadcast %sub3A_2820 : f32 to vector<1x16x128xf32>
    %sub3A_2822 = arith.subf %sub3A_2821, %abs3A_2819 : vector<1x16x128xf32>
    %max3A_2823 = arith.constant 0.000000e+00 : f32
    %max3A_2824 = vector.broadcast %max3A_2823 : f32 to vector<1x16x128xf32>
    %max3A_2825 = arith.maximumf %sub3A_2822, %max3A_2824 : vector<1x16x128xf32>
    %slice3A_2826 = vector.extract_strided_slice %get3A_2559 {offsets = [0, 16], sizes = [32, 1], strides = [1, 1]} : vector<32x21xf32> to vector<32x1xf32>
    %broadcast_in_dim3A_2827 = vector.shape_cast %slice3A_2826 : vector<32x1xf32> to vector<32x1x1xf32>
    %mul3A_2828 = vector.broadcast %broadcast_in_dim3A_2827 : vector<32x1x1xf32> to vector<32x16x128xf32>
    %mul3A_2829 = vector.broadcast %max3A_2825 : vector<1x16x128xf32> to vector<32x16x128xf32>
    %mul3A_2830 = arith.mulf %mul3A_2828, %mul3A_2829 : vector<32x16x128xf32>
    %add3A_2831 = arith.addf %add3A_2815, %mul3A_2830 : vector<32x16x128xf32>
    %sub3A_2832 = arith.constant 1.700000e+01 : f32
    %sub3A_2833 = vector.broadcast %sub3A_2832 : f32 to vector<1x16x128xf32>
    %sub3A_2834 = arith.subf %mul3A_21, %sub3A_2833 : vector<1x16x128xf32>
    %abs3A_2835 = math.absf %sub3A_2834 : vector<1x16x128xf32>
    %sub3A_2836 = arith.constant 1.000000e+00 : f32
    %sub3A_2837 = vector.broadcast %sub3A_2836 : f32 to vector<1x16x128xf32>
    %sub3A_2838 = arith.subf %sub3A_2837, %abs3A_2835 : vector<1x16x128xf32>
    %max3A_2839 = arith.constant 0.000000e+00 : f32
    %max3A_2840 = vector.broadcast %max3A_2839 : f32 to vector<1x16x128xf32>
    %max3A_2841 = arith.maximumf %sub3A_2838, %max3A_2840 : vector<1x16x128xf32>
    %slice3A_2842 = vector.extract_strided_slice %get3A_2559 {offsets = [0, 17], sizes = [32, 1], strides = [1, 1]} : vector<32x21xf32> to vector<32x1xf32>
    %broadcast_in_dim3A_2843 = vector.shape_cast %slice3A_2842 : vector<32x1xf32> to vector<32x1x1xf32>
    %mul3A_2844 = vector.broadcast %broadcast_in_dim3A_2843 : vector<32x1x1xf32> to vector<32x16x128xf32>
    %mul3A_2845 = vector.broadcast %max3A_2841 : vector<1x16x128xf32> to vector<32x16x128xf32>
    %mul3A_2846 = arith.mulf %mul3A_2844, %mul3A_2845 : vector<32x16x128xf32>
    %add3A_2847 = arith.addf %add3A_2831, %mul3A_2846 : vector<32x16x128xf32>
    %sub3A_2848 = arith.constant 1.800000e+01 : f32
    %sub3A_2849 = vector.broadcast %sub3A_2848 : f32 to vector<1x16x128xf32>
    %sub3A_2850 = arith.subf %mul3A_21, %sub3A_2849 : vector<1x16x128xf32>
    %abs3A_2851 = math.absf %sub3A_2850 : vector<1x16x128xf32>
    %sub3A_2852 = arith.constant 1.000000e+00 : f32
    %sub3A_2853 = vector.broadcast %sub3A_2852 : f32 to vector<1x16x128xf32>
    %sub3A_2854 = arith.subf %sub3A_2853, %abs3A_2851 : vector<1x16x128xf32>
    %max3A_2855 = arith.constant 0.000000e+00 : f32
    %max3A_2856 = vector.broadcast %max3A_2855 : f32 to vector<1x16x128xf32>
    %max3A_2857 = arith.maximumf %sub3A_2854, %max3A_2856 : vector<1x16x128xf32>
    %slice3A_2858 = vector.extract_strided_slice %get3A_2559 {offsets = [0, 18], sizes = [32, 1], strides = [1, 1]} : vector<32x21xf32> to vector<32x1xf32>
    %broadcast_in_dim3A_2859 = vector.shape_cast %slice3A_2858 : vector<32x1xf32> to vector<32x1x1xf32>
    %mul3A_2860 = vector.broadcast %broadcast_in_dim3A_2859 : vector<32x1x1xf32> to vector<32x16x128xf32>
    %mul3A_2861 = vector.broadcast %max3A_2857 : vector<1x16x128xf32> to vector<32x16x128xf32>
    %mul3A_2862 = arith.mulf %mul3A_2860, %mul3A_2861 : vector<32x16x128xf32>
    %add3A_2863 = arith.addf %add3A_2847, %mul3A_2862 : vector<32x16x128xf32>
    %sub3A_2864 = arith.constant 1.900000e+01 : f32
    %sub3A_2865 = vector.broadcast %sub3A_2864 : f32 to vector<1x16x128xf32>
    %sub3A_2866 = arith.subf %mul3A_21, %sub3A_2865 : vector<1x16x128xf32>
    %abs3A_2867 = math.absf %sub3A_2866 : vector<1x16x128xf32>
    %sub3A_2868 = arith.constant 1.000000e+00 : f32
    %sub3A_2869 = vector.broadcast %sub3A_2868 : f32 to vector<1x16x128xf32>
    %sub3A_2870 = arith.subf %sub3A_2869, %abs3A_2867 : vector<1x16x128xf32>
    %max3A_2871 = arith.constant 0.000000e+00 : f32
    %max3A_2872 = vector.broadcast %max3A_2871 : f32 to vector<1x16x128xf32>
    %max3A_2873 = arith.maximumf %sub3A_2870, %max3A_2872 : vector<1x16x128xf32>
    %slice3A_2874 = vector.extract_strided_slice %get3A_2559 {offsets = [0, 19], sizes = [32, 1], strides = [1, 1]} : vector<32x21xf32> to vector<32x1xf32>
    %broadcast_in_dim3A_2875 = vector.shape_cast %slice3A_2874 : vector<32x1xf32> to vector<32x1x1xf32>
    %mul3A_2876 = vector.broadcast %broadcast_in_dim3A_2875 : vector<32x1x1xf32> to vector<32x16x128xf32>
    %mul3A_2877 = vector.broadcast %max3A_2873 : vector<1x16x128xf32> to vector<32x16x128xf32>
    %mul3A_2878 = arith.mulf %mul3A_2876, %mul3A_2877 : vector<32x16x128xf32>
    %add3A_2879 = arith.addf %add3A_2863, %mul3A_2878 : vector<32x16x128xf32>
    %sub3A_2880 = arith.constant 2.000000e+01 : f32
    %sub3A_2881 = vector.broadcast %sub3A_2880 : f32 to vector<1x16x128xf32>
    %sub3A_2882 = arith.subf %mul3A_21, %sub3A_2881 : vector<1x16x128xf32>
    %abs3A_2883 = math.absf %sub3A_2882 : vector<1x16x128xf32>
    %sub3A_2884 = arith.constant 1.000000e+00 : f32
    %sub3A_2885 = vector.broadcast %sub3A_2884 : f32 to vector<1x16x128xf32>
    %sub3A_2886 = arith.subf %sub3A_2885, %abs3A_2883 : vector<1x16x128xf32>
    %max3A_2887 = arith.constant 0.000000e+00 : f32
    %max3A_2888 = vector.broadcast %max3A_2887 : f32 to vector<1x16x128xf32>
    %max3A_2889 = arith.maximumf %sub3A_2886, %max3A_2888 : vector<1x16x128xf32>
    %slice3A_2890 = vector.extract_strided_slice %get3A_2559 {offsets = [0, 20], sizes = [32, 1], strides = [1, 1]} : vector<32x21xf32> to vector<32x1xf32>
    %broadcast_in_dim3A_2891 = vector.shape_cast %slice3A_2890 : vector<32x1xf32> to vector<32x1x1xf32>
    %mul3A_2892 = vector.broadcast %broadcast_in_dim3A_2891 : vector<32x1x1xf32> to vector<32x16x128xf32>
    %mul3A_2893 = vector.broadcast %max3A_2889 : vector<1x16x128xf32> to vector<32x16x128xf32>
    %mul3A_2894 = arith.mulf %mul3A_2892, %mul3A_2893 : vector<32x16x128xf32>
    %add3A_2895 = arith.addf %add3A_2879, %mul3A_2894 : vector<32x16x128xf32>
    %mul3A_2896 = arith.mulf %mul3A_2556, %add3A_2895 : vector<32x16x128xf32>
    %reduce_sum3A = arith.constant dense<0.000000e+00> : vector<32xf32>
    %reduce_sum3A_2897 = vector.multi_reduction <add>, %mul3A_2896, %reduce_sum3A [1, 2] : vector<32x16x128xf32> to vector<32xf32>
    %broadcast_in_dim3A_2898 = vector.shape_cast %reduce_sum3A_2897 : vector<32xf32> to vector<32x1x1xf32>
    %swap3A_2899 = arith.constant 0 : index
    %swap3A_2900 = arith.constant 0 : index
    %swap3A_2901 = arith.constant 0 : index
    %swap3A_2902 = arith.constant 0 : index
    %swap3A_2903 = vector.load %arg5[%swap3A_2899, %swap3A_2900, %swap3A_2901, %swap3A_2902] : memref<1x32x1x1xf32, #tpu.memory_space<vmem>>, vector<1x32x1x1xf32>
    %swap3A_2904 = vector.shape_cast %swap3A_2903 : vector<1x32x1x1xf32> to vector<32x1x1xf32>
    %swap3A_2905 = vector.shape_cast %broadcast_in_dim3A_2898 : vector<32x1x1xf32> to vector<1x32x1x1xf32>
    tpu.vector_store %arg5[%swap3A_2899, %swap3A_2900, %swap3A_2901, %swap3A_2902], %swap3A_2905 {strides = array<i32>} : memref<1x32x1x1xf32, #tpu.memory_space<vmem>>, vector<1x32x1x1xf32>,
    return
  }
  func.func @transform_0(%arg0: i32, %arg1: i32, %arg2: memref<16xi32, #tpu.memory_space<smem>>) -> (i32, i32, i32, i32) {
    %c0_i32 = arith.constant 0 : i32
    %c0_i32_0 = arith.constant 0 : i32
    %c0_i32_1 = arith.constant 0 : i32
    return %arg0, %arg1, %c0_i32, %c0_i32_0 : i32, i32, i32, i32
  }
  func.func @transform_1(%arg0: i32, %arg1: i32, %arg2: memref<16xi32, #tpu.memory_space<smem>>) -> (i32, i32) {
    %c0_i32 = arith.constant 0 : i32
    %c0_i32_0 = arith.constant 0 : i32
    return %arg1, %c0_i32 : i32, i32
  }
  func.func @transform_2(%arg0: i32, %arg1: i32, %arg2: memref<16xi32, #tpu.memory_space<smem>>) -> (i32, i32, i32, i32) {
    %c0_i32 = arith.constant 0 : i32
    %c0_i32_0 = arith.constant 0 : i32
    %c0_i32_1 = arith.constant 0 : i32
    return %arg0, %arg1, %c0_i32, %c0_i32_0 : i32, i32, i32, i32
  }
  func.func @transform_3(%arg0: i32, %arg1: i32, %arg2: memref<16xi32, #tpu.memory_space<smem>>) -> (i32, i32, i32, i32) {
    %c0_i32 = arith.constant 0 : i32
    %c0_i32_0 = arith.constant 0 : i32
    %c0_i32_1 = arith.constant 0 : i32
    return %arg0, %arg1, %c0_i32, %c0_i32_0 : i32, i32, i32, i32
  }
}

</mosaic_0001>

<sc_bundles>
// kernel: sparse-core-data-format-call.cloned.1.call-start
scs
called_computation_lowered:
.L_overlay_start_0:
0x0: {  	s2 =	sld [smem:$0x3FD9]  }
0x1: {  	s3 =	sld [smem:$0x3FFE];
	_ =	sdelay $0x1  }
0x2: {  	s1 =	srdreg.scid  }
0x3: {  	s0 =	sand.u32 $0x1, s1  }
0x4: {  	s16 =	sshll.u32 s0, $0xA;
	s2 =	sadd.s32 s3, s2  }
0x5: {  	s2 =	sadd.s32 s2, s16  }
0x6: {  	[smem:$0x3FC5] =	sst s2  }
0x7: {  	_ = 	snop  }
0x8: {  	s2 =	sld [smem:$0x3FD0];
	_ =	sdelay $0x2  }
0x9: {  	s4 =	simm.s32 $0xA;
	s5 =	simm.s32 $0x10;
	s17 =	sld [smem:$0x3FC9]  }
0xa: {  	[smem:s5], [sflag:s4] =	dma.local [hbm:s2], $0x1  }
0xb: {  	_ =	swait.eq [sflag:s4], $0x1  }
0xc: {  	[sflag:s4] =	ssyncset.done $0x0  }
0xd: {  	[sflag:s4] =	ssyncadd.s32 $0xFFFFFFFF  }
0xe: {  	s18 =	sld [smem:$0x11];
	(tm) =	ssettm $0x1  }
0xf: {  	s19 =	sld [smem:$0x3FFB];
	_ =	sdelay $0x3  }
0x10: {  	_ =	strace s19  }
0x11: {  	s4 =	sld [smem:$0x3FFC];
	_ =	sdelay $0x3  }
0x12: {  	_ =	strace s4  }
0x13: {  	s4 =	sld [smem:$0x3FFD];
	_ =	sdelay $0x3  }
0x14: {  	_ =	strace s4  }
0x15: {  	_ =	strace $0x8FFFFFFF  }
0x16: {  	s20 =	sld [smem:$0x3FDB];
	_ =	sdelay $0x1  }
0x17: {  	s21 =	simm.s32 $_scs_section_size  }
0x18: {  	s6 =	simm.s32 $_size__tile_overlayer_lowered;
	s7 =	simm.s32 $_tile_overlayer_lowered  }
0x19: {  	s24 =	simm.s32 $0x1BFF;
	s23 =	sshll.u32 s7, $0x1;
	s4 =	sadd.s32 s21, s20  }
0x1a: {  	s8 =	simm.s32 $0x0;
	s22 =	sshll.u32 s6, $0x1;
	s6 =	sadd.s32 s23, s4  }
0x1b: {  	[timem:s8], [sflag:s24] =	dma.local [hbm:s6], s22  }
0x1c: {  	_ =	swait.ge [sflag:s24], s22  }
0x1d: {  	s5 =	ssub.s32 $0x0, s22;
	[sflag:s24] =	ssyncset.done $0x0  }
0x1e: {  	[sflag:s24] =	ssyncadd.s32 s5;
	_ =	sdelay $0x1  }
0x1f: {  	s25 =	simm.s32 $0x1B8B  }
0x20: {  	_ =	swait.ge [sflag:s25], $0x1  }
0x21: {  	[sflag:s25] =	ssyncset.done $0x0  }
0x22: {  	s26 =	simm.s32 $0x1B8E;
	[sflag:s25] =	ssyncadd.s32 $0xFFFFFFFF  }
0x23: {  	s27 =	simm.s32 $execute0_lowered;
	[smem:$0x3FD2] =	sst s26  }
0x24: {  	s5 =	sshll.u32 s27, $0x1;
	_ =	strace $0x80000046;
	[dreg:$0x1] =	wrdreg $0xFFFFFFFF  }
0x25: {  	s28 =	simm.s32 $_size_execute0_lowered;
	s4 =	sadd.s32 s4, s5;
	[dreg:$0x0] =	wrdreg $0x0  }
0x26: {  	s5 =	sshll.u32 s28, $0x1;
	[dreg:$0x2] =	wrdreg s4  }
0x27: {  	[dreg:$0x3] =	wrdreg s5  }
0x28: {  	[dreg:$0x4] =	wrdreg $0xC0  }
0x29: {  	_ =	task [dreg:s8], $0x5FFFF  }
0x2a: {  	[dreg:$0x1] =	wrdreg $0xFFFFFFFF  }
0x2b: {  	[dreg:$0x0] =	wrdreg $0x60  }
0x2c: {  	[dreg:$0x2] =	wrdreg s17  }
0x2d: {  	[dreg:$0x3] =	wrdreg s18  }
0x2e: {  	[dreg:$0x4] =	wrdreg $0x9  }
0x2f: {  	_ =	task.clear_ibuf [dreg:s8], $0x5FFFF;
	_ =	strace $0x90000046  }
0x30: {  	s29 =	simm.s32 $0x9;
	_ =	strace $0x80000048  }
0x31: {  	_ =	swait.ge [sflag:s29], $0x1  }
0x32: {  	[sflag:s29] =	ssyncadd.s32 $0xFFFFFFFF  }
0x33: {  	_ =	strace $0x90000048  }
0x34: {  	_ =	sfence  }
0x35: {  	s30 =	sld [smem:$0x0];
	_ =	sdelay $0x2  }
0x36: {  	s31 =	sshll.u32 s1, $0xD;
	s1 =	sshrl.u32 s1, $0x2  }
0x37: {  	s3 =	sand.u32 $0x4000, s31;
	s1 =	sadd.s32 s1, s30  }
0x38: {  	s0 =	sor.u32 s3, s0;
	s1 =	sshll.u32 s1, $0x11  }
0x39: {  	s0 =	sor.u32 s1, s0  }
0x3a: {  	s0 =	sadd.s32 $0x8F2B, s0  }
0x3b: {  	[sflag:s0] =	ssyncadd.remote.s32 $0x1  }
0x3c: {  	_ =	sfence.sel $0xFFFF  }
0x3d: {  	[dreg:$0x0] =	wrdreg $0xFFFFFFFF;
	(pc) =	sbr.abs _section_cstart, $3  }
0x3e: {  	[dreg:$0x1] =	wrdreg $0xFFFFFFFF  }
0x3f: {  	_ =	task.clear_ibuf [dreg:s8], $0x2FFFF;
	_ =	strace $0x9FFFFFFF  }
0x40: {  	(tm) =	ssettm $0x7FFFFFFF  }
0x41: {  	_ =	shalt  }
tec
execute0_lowered:
.L_overlay_start_1:
0x0: {  	(tag) =	ssettag $0x1  }
0x1: {  	s2 =	rddreg [dreg:$0x0]  }
0x2: {  	s3 =	rddreg [dreg:$0x1]  }
0x3: {  	s0 =	rddreg [dreg:$0x2];
	s4 =	srdreg.scid  }
.Ltmp0:
0x4: {  	_ =	strace $0x80000047;
	s1 =	stileid.u32;
	(pc) =	sbr.rel .LBB1_1-.Ltmp0, $4  }
0x5: {  	s6 =	simm.s32 $0x2;
	p0 =	por $0x0, $0x0;
	s5 =	sshll.u32 s4, $0x4  }
0x6: {  	s9 =	simm.s32 $0x0;
	s4 =	simm.s32 $0x1;
	s5 =	sand.u32 $0x10, s5  }
0x7: {  	s7 =	simm.s32 $0x0;
	[sflag:s4] =	ssyncpa.u1 $0x0;
	s5 =	sor.u32 s1, s5  }
0x8: {  	[sflag:s6] =	ssyncpa.u1 $0x0;
	s6 =	simm.s32 $0x0;
	s8 =	smov.u32 s5  }
.LBB1_7:
0x9: {  	s11 =	sadd.s32 $0x20, s8  }
0xa: {  	p1 =	slt.u32 s7, $0x2;
	s7 =	sadd.s32 $0x1, s7;
	p2 =	sgt.s32 s11, $0x1FF  }
0xb: {  	s11 =	smov.u32 @p2 s5;
	p2 =	sne.s32 s7, $0x12  }
.Ltmp1:
0xc: {  	_ = 	snop;
	(pc) =	sbr.rel @!p2 .LBB1_8-.Ltmp1, $4  }
0xd: {  	s10 =	simm.s32 @!p1 $0x2  }
0xe: {  	_ =	swait.ge @!p1 [sflag:s10], $0x4000  }
0xf: {  	s9 =	smov.u32 s8;
	[sflag:s10] =	ssyncset.done @!p1 $0x0  }
0x10: {  	p0 =	por !p0, !p0;
	s8 =	smov.u32 s11;
	[sflag:s10] =	ssyncadd.s32 @!p1 $0xFFFFC000  }
.LBB1_1:
0x11: {  	p1 =	sgt.u32 s7, $0xF  }
0x12: {  	s10 =	sxor.u32 @!p1 $0xFFFFFFFF, s7  }
0x13: {  	s11 =	sshll.u32 @!p1 s8, $0xB;
	s10 =	sshll.u32 @!p1 s10, $0xE  }
0x14: {  	s12 =	simm.s32 @!p1 $0x0;
	s11 =	sadd.s32 @!p1 s2, s11;
	s10 =	sand.u32 @!p1 $0x4000, s10  }
0x15: {  	[tilespmem:s10], [sflag:$0x1] =	stream.linear.gather @!p1 [hbm4b:s11+s12], $0x4000, $0x38;
	[tilespmem:$0x10000] =	vst v63  }
0x16: {  	p1 =	seq.s32 s7, $0x0  }
0x17: {  	p2 =	seq.s32 @!p1 s7, $0x11  }
0x18: {  	p1 =	por p1, p2  }
.Ltmp2:
0x19: {  	_ = 	snop;
	(pc) =	sbr.rel @p1 .LBB1_7-.Ltmp2, $1  }
0x1a: {  	_ =	sdelay $0x3  }
0x1b: {  	s10 =	simm.s32 $0x1;
	_ =	swait.ge [sflag:s4], $0x4000;
	s12 =	sshll.u32 s7, $0xE  }
0x1c: {  	s13 =	simm.s32 $0x0;
	s10 =	simm.s32 @!p0 $0x0;
	[sflag:s4] =	ssyncset.done $0x0  }
0x1d: {  	s12 =	sand.u32 $0x4000, s12;
	s11 =	sshll.u32 s10, $0xE;
	[sflag:s4] =	ssyncadd.s32 $0xFFFFC000  }
0x1e: {  	s12 =	sor.u32 $0x8000, s12;
	s10 =	sor.u32 $0x8040, s11;
	s11 =	sor.u32 $0x40, s11  }
.LBB1_3:
0x1f: {  	v0 =	vmov s11;
	_ =	sdelay $0x3  }
0x20: {  	s15 =	simm.s32 $0x0  }
0x21: {  	v6 =	vld.idx.msk [tilespmem:v0+s15+$0x30 ss:$0x1], $0xffff  }
0x22: {  	v7 =	vld.idx.msk [tilespmem:v0+s15+$0xFFFFFFC0 ss:$0x1], $0xffff  }
0x23: {  	v5 =	vld.idx.msk [tilespmem:v0+s15+$0xFFFFFFD0 ss:$0x1], $0xffff  }
0x24: {  	v4 =	vld.idx.msk [tilespmem:v0+s15+$0xFFFFFFE0 ss:$0x1], $0xffff  }
0x25: {  	v3 =	vld.idx.msk [tilespmem:v0+s15+$0xFFFFFFF0 ss:$0x1], $0xffff  }
0x26: {  	v1 =	vld.idx.msk [tilespmem:v0+s15+$0x0 ss:$0x1], $0xffff  }
0x27: {  	v2 =	vld.idx.msk [tilespmem:v0+s15+$0x10 ss:$0x1], $0xffff;
	[tilespmem:s10+$0x30] =	vst v6  }
0x28: {  	s14 =	simm.s32 $0x80;
	s16 =	simm.s32 $0x400;
	[tilespmem:s10+$0xFFFFFFC0] =	vst v7;
	v6 =	vld.idx.msk [tilespmem:v0+s15+$0x20 ss:$0x1], $0xffff;
	s15 =	smov.u32 s10  }
.LBB1_4:
0x29: {  	p1 =	sne.s32 s16, $0xE00;
	v7 =	vld.idx.msk [tilespmem:v0+s14+$0x30 ss:$0x1], $0xffff;
	[tilespmem:s15+$0xFFFFFFD0] =	vst v5  }
0x2a: {  	v8 =	vld.idx.msk [tilespmem:v0+s14+$0xFFFFFFC0 ss:$0x1], $0xffff;
	[tilespmem:s15+$0xFFFFFFE0] =	vst v4  }
0x2b: {  	v5 =	vld.idx.msk [tilespmem:v0+s14+$0xFFFFFFD0 ss:$0x1], $0xffff;
	[tilespmem:s15+$0xFFFFFFF0] =	vst v3  }
.Ltmp3:
0x2c: {  	v4 =	vld.idx.msk [tilespmem:v0+s14+$0xFFFFFFE0 ss:$0x1], $0xffff;
	[tilespmem:s15+$0x0] =	vst v1;
	(pc) =	sbr.rel @p1 .LBB1_4-.Ltmp3, $4  }
0x2d: {  	v3 =	vld.idx.msk [tilespmem:v0+s14+$0xFFFFFFF0 ss:$0x1], $0xffff;
	[tilespmem:s15+$0x10] =	vst v2  }
0x2e: {  	v1 =	vld.idx.msk [tilespmem:v0+s14+$0x0 ss:$0x1], $0xffff;
	[tilespmem:s15+$0x20] =	vst v6;
	s15 =	sadd.s32 $0x800, s15  }
0x2f: {  	v2 =	vld.idx.msk [tilespmem:v0+s14+$0x10 ss:$0x1], $0xffff;
	[tilespmem:s15+$0x30] =	vst v7  }
0x30: {  	[tilespmem:s15+$0xFFFFFFC0] =	vst v8;
	v6 =	vld.idx.msk [tilespmem:v0+s14+$0x20 ss:$0x1], $0xffff;
	s14 =	sshra.s32 s16, $0x2;
	s16 =	sadd.s32 $0x200, s16  }
0x31: {  	_ =	sdelay $0x2  }
0x32: {  	[tilespmem:s15+$0xFFFFFFD0] =	vst v5  }
0x33: {  	v56 =	vld.idx.msk [tilespmem:v0+s14+$0x30 ss:$0x1], $0xffff;
	[tilespmem:s15+$0xFFFFFFE0] =	vst v4  }
0x34: {  	v57 =	vld.idx.msk [tilespmem:v0+s14+$0xFFFFFFC0 ss:$0x1], $0xffff;
	[tilespmem:s15+$0xFFFFFFF0] =	vst v3  }
0x35: {  	v58 =	vld.idx.msk [tilespmem:v0+s14+$0xFFFFFFD0 ss:$0x1], $0xffff;
	[tilespmem:s15+$0x0] =	vst v1  }
0x36: {  	v59 =	vld.idx.msk [tilespmem:v0+s14+$0xFFFFFFE0 ss:$0x1], $0xffff;
	[tilespmem:s15+$0x10] =	vst v2  }
0x37: {  	v60 =	vld.idx.msk [tilespmem:v0+s14+$0xFFFFFFF0 ss:$0x1], $0xffff;
	s31 =	sadd.s32 $0x800, s15;
	[tilespmem:s15+$0x20] =	vst v6  }
0x38: {  	v61 =	vld.idx.msk [tilespmem:v0+s14+$0x0 ss:$0x1], $0xffff;
	[tilespmem:s31+$0x30] =	vst v56  }
0x39: {  	v62 =	vld.idx.msk [tilespmem:v0+s14+$0x10 ss:$0x1], $0xffff;
	s13 =	sadd.s32 $0x1, s13;
	[tilespmem:s31+$0xFFFFFFC0] =	vst v57  }
0x3a: {  	v63 =	vld.idx.msk [tilespmem:v0+s14+$0x20 ss:$0x1], $0xffff;
	p1 =	sne.s32 s13, $0x10;
	[tilespmem:s31+$0xFFFFFFD0] =	vst v58  }
.Ltmp4:
0x3b: {  	[tilespmem:s31+$0xFFFFFFE0] =	vst v59;
	(pc) =	sbr.rel @p1 .LBB1_3-.Ltmp4, $4  }
0x3c: {  	[tilespmem:s31+$0xFFFFFFF0] =	vst v60  }
0x3d: {  	[tilespmem:s31+$0x0] =	vst v61  }
0x3e: {  	[tilespmem:s31+$0x10] =	vst v62  }
0x3f: {  	s10 =	sadd.s32 $0x80, s10;
	s11 =	sadd.s32 $0x400, s11;
	[tilespmem:s31+$0x20] =	vst v63  }
.Ltmp5:
0x40: {  	(pc) =	sbr.rel .LBB1_7-.Ltmp5, $4  }
0x41: {  	_ = 	snop  }
0x42: {  	s9 =	sshll.u32 s9, $0xB  }
0x43: {  	s9 =	sadd.s32 s3, s9  }
0x44: {  	[hbm4b:s9+s6] =	stream.linear.scatter [tilespmem:s12], [sflag:$0x2], $0x4000, $0x38;
	[tilespmem:$0x10000] =	vst v63  }
.LBB1_8:
0x45: {  	_ =	sfence.sel $0x180000  }
0x46: {  	s2 =	simm.s32 $0x1;
	[bflag:$0x0] =	sbarrier.arrive $0xFFFF  }
0x47: {  	s31 =	simm.s32 $0x2;
	[sflag:s2] =	ssyncpa.u1 $0x1  }
0x48: {  	[sflag:s31] =	ssyncpa.u1 $0x1  }
0x49: {  	p0 =	sne.s32 s1, $0x0;
	_ =	strace $0x90000047  }
0x4a: {  	s0 =	sadd.s32 @!p0 $0x100000, s0;
	[bflag:$0x2] =	sbarrier.arrive $0xFFFF  }
0x4b: {  	[sflag:s0] =	ssyncadd.tile.s32 @!p0 $0x1;
	_ =	shalt  }
.Lfunc_end1:
_tile_overlayer_lowered:
.L_overlay_start_2:
0x4c: {  	(tag) =	ssettag $0x2  }
0x4d: {  	s0 =	rddreg [dreg:$0x0];
	s2 =	stileid.u32  }
0x4e: {  	s1 =	rddreg [dreg:$0x1];
	p0 =	sne.s32 s2, $0x0  }
0x4f: {  	s3 =	rddreg [dreg:$0x2];
	[bflag:$0x3] =	sbarrier.arrive $0xFFFF;
	s2 =	simm.s32 @!p0 $0x1C01  }
0x50: {  	[timem:s3], [sflag:s2] =	dma.local @!p0 [hbm:s0], s1  }
0x51: {  	s0 =	simm.s32 @!p0 $0x1  }
0x52: {  	_ =	swait.ge @!p0 [sflag:s0], s1  }
0x53: {  	s1 =	ssub.s32 @!p0 $0x0, s1;
	[sflag:s0] =	ssyncset.done @!p0 $0x0  }
0x54: {  	[sflag:s0] =	ssyncadd.s32 @!p0 s1  }
0x55: {  	[bflag:$0x3] =	sbarrier.arrive $0xFFFF  }
0x56: {  	_ =	shalt  }

</sc_bundles>
